<compile_context>
chip_gen: v7x
topology: tpu7x:2x2x1
jax: 0.10.2.dev20260603
libtpu: 0.0.44.dev20260713+nightly
codegen_flags: <defaults>
</compile_context>

<pallas_src>
import functools

import jax
import jax.numpy as jnp
from jax import lax
from jax.experimental import pallas as pl
from jax.experimental.pallas import tpu as pltpu
from jax.experimental.pallas import tpu_sc as plsc

VOCAB = 1000000
D = 128
SEQ = 200
BATCH = 1024
N = BATCH * SEQ
NC, NS = 2, 16
NW = NC * NS
PER_W = N // NW
CHUNK = 128
NCH = PER_W // CHUNK
POS_EXT = 320
LANES = 16
NBUF = 5

_mesh = plsc.VectorSubcoreMesh(core_axis_name="c", subcore_axis_name="s")


@functools.partial(
    pl.kernel,
    out_type=jax.ShapeDtypeStruct((N, D), jnp.float32),
    mesh=_mesh,
    scratch_types=[
        pltpu.VMEM((POS_EXT, D // 2), jnp.int32),
        pltpu.VMEM((NCH, CHUNK), jnp.int32),
        [pltpu.VMEM((CHUNK, D), jnp.float32)] * NBUF,
        [pltpu.SemaphoreType.DMA] * NBUF,
        [pltpu.SemaphoreType.DMA] * NBUF,
    ],
)
def _embed(seq_hbm, table_hbm, posi_hbm, out_hbm, pos_v, idx_v, rows, gsem,
           osem):
    wid = lax.axis_index("s") * NC + lax.axis_index("c")
    base = wid * PER_W

    def gather_start(c, b):
        pltpu.async_copy(table_hbm.at[idx_v.at[c]], rows[b], gsem[b])

    def gather_wait(b):
        pltpu.make_async_copy(table_hbm.at[pl.ds(0, CHUNK)], rows[b],
                              gsem[b]).wait()

    def out_start(c, b):
        pltpu.async_copy(rows[b], out_hbm.at[pl.ds(base + c * CHUNK, CHUNK)],
                         osem[b])

    def out_wait(b):
        pltpu.make_async_copy(rows[b], out_hbm.at[pl.ds(0, CHUNK)],
                              osem[b]).wait()

    def add_pos(c, b):
        p0 = lax.rem(c * CHUNK, SEQ)
        r = rows[b]

        @plsc.parallel_loop(0, CHUNK, unroll=4)
        def _(i):
            pr = p0 + i
            for g in range(D // (2 * LANES)):
                w = pos_v[pr, pl.ds(g * LANES, LANES)]
                lo = jax.lax.bitcast_convert_type(w << jnp.int32(16),
                                                  jnp.float32)
                hi = jax.lax.bitcast_convert_type(w & jnp.int32(-65536),
                                                  jnp.float32)
                plsc.addupdate(r.at[i, pl.ds(g * 2 * LANES, LANES)], lo)
                plsc.addupdate(r.at[i, pl.ds(g * 2 * LANES + LANES, LANES)],
                               hi)

    def step(c, b, wait_out=True, guard_gather=False):
        gather_wait(b)
        add_pos(c, b)
        out_start(c, b)
        if wait_out:
            out_wait((b + 3) % NBUF)
        if guard_gather:
            @pl.when(c + 3 < NCH)
            def _():
                gather_start(c + 3, (b + 3) % NBUF)
        else:
            gather_start(c + 3, (b + 3) % NBUF)

    pltpu.sync_copy(seq_hbm.at[wid], idx_v)
    for b in range(3):
        gather_start(b, b)
    pltpu.sync_copy(posi_hbm, pos_v)

    step(0, 0, wait_out=False)
    step(1, 1, wait_out=False)
    for c in range(2, NBUF):
        step(c, c)

    def super_body(s, carry):
        c0 = s * NBUF
        for b in range(NBUF):
            step(c0 + b, b, guard_gather=True)
        return carry

    lax.fori_loop(1, NCH // NBUF, super_body, 0)

    out_wait((NCH - 2) % NBUF)
    out_wait((NCH - 1) % NBUF)


def kernel(sequence, src_word_table, src_pos_table):
    pos_ext = jnp.concatenate(
        [src_pos_table, src_pos_table[:POS_EXT - SEQ]], axis=0)
    halves = (pos_ext.reshape(POS_EXT, D // 32, 2, LANES)
              .astype(jnp.bfloat16))
    bits = jax.lax.bitcast_convert_type(halves, jnp.uint16).astype(jnp.uint32)
    words = bits[:, :, 0, :] | (bits[:, :, 1, :] << jnp.uint32(16))
    posi = jax.lax.bitcast_convert_type(words, jnp.int32).reshape(
        POS_EXT, D // 2)
    out = _embed(sequence.reshape(NW, NCH, CHUNK), src_word_table, posi)
    return out.reshape(BATCH, SEQ, D)

# --- scband reference (transcript-rebuilt; emitter-appended) ---
"""Pipeline reference for scband-embedder-39676907880472 (READ-ONLY COPY).

The authoritative reference and input builder live on the scoring server;
editing this copy changes nothing except your own understanding.
"""

import jax, jax.numpy as jnp
import numpy as np

VOCAB = 1000000
EMSIZE = 128
MAX_SRC_LEN = 200
BATCH = 1024
SEQ = 200

def setup_inputs(seed: int = 0) -> dict:
    key = jax.random.key(seed)
    k1, k2, k3 = jax.random.split(key, 3)
    sequence = jax.random.randint(k1, (BATCH, SEQ), 0, VOCAB, dtype=jnp.int32)
    src_word_table = jax.random.normal(k2, (VOCAB, EMSIZE), dtype=jnp.float32) * 0.02
    # padding_idx row zeroed (constants.PAD == 0 convention)
    src_word_table = src_word_table.at[0].set(0.0)
    src_pos_table = jax.random.normal(k3, (MAX_SRC_LEN, EMSIZE), dtype=jnp.float32) * 0.02
    return {"sequence": sequence, "src_word_table": src_word_table, "src_pos_table": src_pos_table}

def reference(sequence, src_word_table, src_pos_table):
    # encoder mode: word_rep = src_word_embeddings(sequence.unsqueeze(2))
    # single-feature Embeddings wrapper == plain table lookup
    word_rep = jnp.take(src_word_table, sequence, axis=0)  # [B, L, emsize]
    # src_pos_emb and no_relative_pos: add learned absolute position embeddings
    pos_enc = jnp.arange(sequence.shape[1])
    pos_rep = jnp.take(src_pos_table, pos_enc, axis=0)  # [L, emsize]
    word_rep = word_rep + pos_rep[None, :, :]
    # dropout_emb = 0.0 (eval) -> identity
    return word_rep

if __name__ == "__main__":
    import jax
    _d = setup_inputs()
    print(jax.jit(kernel)(*tuple(_d.values())))

</pallas_src>

<mosaic_0001>
#map = affine_map<(d0, d1) -> (0, 0, 0)>
#map1 = affine_map<(d0, d1) -> (0, 0)>
module attributes {stable_mosaic.version = 14 : i64} {
  func.func @_embed(%arg0: i32, %arg1: i32, %arg2: memref<32x50x128xi32, #tpu.memory_space<hbm>>, %arg3: memref<1000000x128xf32, #tpu.memory_space<hbm>>, %arg4: memref<320x64xi32, #tpu.memory_space<hbm>>, %arg5: memref<204800x128xf32, #tpu.memory_space<hbm>>, %arg6: memref<320x64xi32, #tpu.memory_space<vmem>>, %arg7: memref<50x128xi32, #tpu.memory_space<vmem>>, %arg8: memref<128x128xf32, #tpu.memory_space<vmem>>, %arg9: memref<128x128xf32, #tpu.memory_space<vmem>>, %arg10: memref<128x128xf32, #tpu.memory_space<vmem>>, %arg11: memref<128x128xf32, #tpu.memory_space<vmem>>, %arg12: memref<128x128xf32, #tpu.memory_space<vmem>>, %arg13: memref<!tpu.dma_semaphore, #tpu.memory_space<semaphore_mem>>, %arg14: memref<!tpu.dma_semaphore, #tpu.memory_space<semaphore_mem>>, %arg15: memref<!tpu.dma_semaphore, #tpu.memory_space<semaphore_mem>>, %arg16: memref<!tpu.dma_semaphore, #tpu.memory_space<semaphore_mem>>, %arg17: memref<!tpu.dma_semaphore, #tpu.memory_space<semaphore_mem>>, %arg18: memref<!tpu.dma_semaphore, #tpu.memory_space<semaphore_mem>>, %arg19: memref<!tpu.dma_semaphore, #tpu.memory_space<semaphore_mem>>, %arg20: memref<!tpu.dma_semaphore, #tpu.memory_space<semaphore_mem>>, %arg21: memref<!tpu.dma_semaphore, #tpu.memory_space<semaphore_mem>>, %arg22: memref<!tpu.dma_semaphore, #tpu.memory_space<semaphore_mem>>) attributes {dimension_semantics = [#tpu.dimension_semantics<core_parallel>, #tpu.dimension_semantics<subcore_parallel>], iteration_bounds = array<i64: 2, 16>, scalar_prefetch = 0 : i64, scratch_operands = 17 : i64, tpu.core_type = #tpu.core_type<sc_vector_subcore>, window_params = [{transform_indices = #map}, {transform_indices = #map1}, {transform_indices = #map1}, {transform_indices = #map1}]} {
    %mul3A = arith.constant 2 : i32
    %mul3A_0 = arith.muli %arg1, %mul3A : i32
    %add3A = arith.addi %mul3A_0, %arg0 : i32
    %mul3A_1 = arith.constant 6400 : i32
    %mul3A_2 = arith.muli %add3A, %mul3A_1 : i32
    "tpu.region"() ({
      %run_scoped3A = tpu.sem_alloc : memref<!tpu.dma_semaphore, #tpu.memory_space<semaphore_mem>>
      %dma_start3A_180 = arith.constant 0 : i32
      %dma_start3A_181 = arith.constant 0 : i32
      %dma_start3A_182 = tpu.memref_slice %arg2[%add3A, %dma_start3A_180, %dma_start3A_181] : memref<32x50x128xi32, #tpu.memory_space<hbm>> -> memref<1x50x128xi32, #tpu.memory_space<hbm>>
      %dma_start3A_183 = tpu.memref_squeeze %dma_start3A_182 : memref<1x50x128xi32, #tpu.memory_space<hbm>> -> memref<50x128xi32, #tpu.memory_space<hbm>>
      %dma_start3A_184 = arith.constant 0 : i32
      %dma_start3A_185 = arith.constant 0 : i32
      %dma_start3A_186 = tpu.memref_slice %arg2[%add3A, %dma_start3A_184, %dma_start3A_185] : memref<32x50x128xi32, #tpu.memory_space<hbm>> -> memref<1x50x128xi32, #tpu.memory_space<hbm>>
      %dma_start3A_187 = tpu.memref_squeeze %dma_start3A_186 : memref<1x50x128xi32, #tpu.memory_space<hbm>> -> memref<50x128xi32, #tpu.memory_space<hbm>>
      tpu.enqueue_dma source(%dma_start3A_187 : memref<50x128xi32, #tpu.memory_space<hbm>>) target(%arg7 : memref<50x128xi32, #tpu.memory_space<vmem>>) target_semaphore(%run_scoped3A : memref<!tpu.dma_semaphore, #tpu.memory_space<semaphore_mem>>)
      %dma_wait3A_188 = arith.constant 0 : i32
      %dma_wait3A_189 = arith.constant 0 : i32
      %dma_wait3A_190 = tpu.memref_slice %arg2[%add3A, %dma_wait3A_188, %dma_wait3A_189] : memref<32x50x128xi32, #tpu.memory_space<hbm>> -> memref<1x50x128xi32, #tpu.memory_space<hbm>>
      %dma_wait3A_191 = tpu.memref_squeeze %dma_wait3A_190 : memref<1x50x128xi32, #tpu.memory_space<hbm>> -> memref<50x128xi32, #tpu.memory_space<hbm>>
      %dma_wait3A_192 = arith.constant 0 : i32
      %dma_wait3A_193 = arith.constant 0 : i32
      %dma_wait3A_194 = tpu.memref_slice %arg2[%add3A, %dma_wait3A_192, %dma_wait3A_193] : memref<32x50x128xi32, #tpu.memory_space<hbm>> -> memref<1x50x128xi32, #tpu.memory_space<hbm>>
      %dma_wait3A_195 = tpu.memref_squeeze %dma_wait3A_194 : memref<1x50x128xi32, #tpu.memory_space<hbm>> -> memref<50x128xi32, #tpu.memory_space<hbm>>
      tpu.wait_dma2 semaphore(%run_scoped3A : memref<!tpu.dma_semaphore, #tpu.memory_space<semaphore_mem>>) src(%dma_wait3A_195 : memref<50x128xi32, #tpu.memory_space<hbm>>) dst(%arg7 : memref<50x128xi32, #tpu.memory_space<vmem>>)
      tpu.yield
    }) : () -> ()
    %dma_start3A = arith.constant 0 : i32
    %dma_start3A_3 = arith.constant 0 : i32
    %dma_start3A_4 = tpu.memref_slice %arg7[%dma_start3A, %dma_start3A_3] : memref<50x128xi32, #tpu.memory_space<vmem>> -> memref<1x128xi32, #tpu.memory_space<vmem>>
    %dma_start3A_5 = tpu.memref_squeeze %dma_start3A_4 : memref<1x128xi32, #tpu.memory_space<vmem>> -> memref<128xi32, #tpu.memory_space<vmem>>
    %dma_start3A_6 = arith.constant 0 : i32
    %dma_start3A_7 = arith.constant 0 : i32
    %dma_start3A_8 = tpu.memref_slice %arg3[%dma_start3A_6, %dma_start3A_7] : memref<1000000x128xf32, #tpu.memory_space<hbm>> -> memref<1000000x128xf32, #tpu.memory_space<hbm>>
    tpu.enqueue_indirect_dma source(%dma_start3A_8 : memref<1000000x128xf32, #tpu.memory_space<hbm>>) target(%arg8 : memref<128x128xf32, #tpu.memory_space<vmem>>) offsets(%dma_start3A_5 : memref<128xi32, #tpu.memory_space<vmem>>) semaphore(%arg13 : memref<!tpu.dma_semaphore, #tpu.memory_space<semaphore_mem>>)
    %dma_start3A_9 = arith.constant 1 : i32
    %dma_start3A_10 = arith.constant 0 : i32
    %dma_start3A_11 = tpu.memref_slice %arg7[%dma_start3A_9, %dma_start3A_10] : memref<50x128xi32, #tpu.memory_space<vmem>> -> memref<1x128xi32, #tpu.memory_space<vmem>>
    %dma_start3A_12 = tpu.memref_squeeze %dma_start3A_11 : memref<1x128xi32, #tpu.memory_space<vmem>> -> memref<128xi32, #tpu.memory_space<vmem>>
    %dma_start3A_13 = arith.constant 0 : i32
    %dma_start3A_14 = arith.constant 0 : i32
    %dma_start3A_15 = tpu.memref_slice %arg3[%dma_start3A_13, %dma_start3A_14] : memref<1000000x128xf32, #tpu.memory_space<hbm>> -> memref<1000000x128xf32, #tpu.memory_space<hbm>>
    tpu.enqueue_indirect_dma source(%dma_start3A_15 : memref<1000000x128xf32, #tpu.memory_space<hbm>>) target(%arg9 : memref<128x128xf32, #tpu.memory_space<vmem>>) offsets(%dma_start3A_12 : memref<128xi32, #tpu.memory_space<vmem>>) semaphore(%arg14 : memref<!tpu.dma_semaphore, #tpu.memory_space<semaphore_mem>>)
    %dma_start3A_16 = arith.constant 2 : i32
    %dma_start3A_17 = arith.constant 0 : i32
    %dma_start3A_18 = tpu.memref_slice %arg7[%dma_start3A_16, %dma_start3A_17] : memref<50x128xi32, #tpu.memory_space<vmem>> -> memref<1x128xi32, #tpu.memory_space<vmem>>
    %dma_start3A_19 = tpu.memref_squeeze %dma_start3A_18 : memref<1x128xi32, #tpu.memory_space<vmem>> -> memref<128xi32, #tpu.memory_space<vmem>>
    %dma_start3A_20 = arith.constant 0 : i32
    %dma_start3A_21 = arith.constant 0 : i32
    %dma_start3A_22 = tpu.memref_slice %arg3[%dma_start3A_20, %dma_start3A_21] : memref<1000000x128xf32, #tpu.memory_space<hbm>> -> memref<1000000x128xf32, #tpu.memory_space<hbm>>
    tpu.enqueue_indirect_dma source(%dma_start3A_22 : memref<1000000x128xf32, #tpu.memory_space<hbm>>) target(%arg10 : memref<128x128xf32, #tpu.memory_space<vmem>>) offsets(%dma_start3A_19 : memref<128xi32, #tpu.memory_space<vmem>>) semaphore(%arg15 : memref<!tpu.dma_semaphore, #tpu.memory_space<semaphore_mem>>)
    "tpu.region"() ({
      %run_scoped3A = tpu.sem_alloc : memref<!tpu.dma_semaphore, #tpu.memory_space<semaphore_mem>>
      tpu.enqueue_dma source(%arg4 : memref<320x64xi32, #tpu.memory_space<hbm>>) target(%arg6 : memref<320x64xi32, #tpu.memory_space<vmem>>) target_semaphore(%run_scoped3A : memref<!tpu.dma_semaphore, #tpu.memory_space<semaphore_mem>>)
      tpu.wait_dma2 semaphore(%run_scoped3A : memref<!tpu.dma_semaphore, #tpu.memory_space<semaphore_mem>>) src(%arg4 : memref<320x64xi32, #tpu.memory_space<hbm>>) dst(%arg6 : memref<320x64xi32, #tpu.memory_space<vmem>>)
      tpu.yield
    }) : () -> ()
    %dma_wait3A = arith.constant 0 : i32
    %dma_wait3A_23 = arith.constant 0 : i32
    %dma_wait3A_24 = tpu.memref_slice %arg3[%dma_wait3A, %dma_wait3A_23] : memref<1000000x128xf32, #tpu.memory_space<hbm>> -> memref<128x128xf32, #tpu.memory_space<hbm>>
    %dma_wait3A_25 = arith.constant 0 : i32
    %dma_wait3A_26 = arith.constant 0 : i32
    %dma_wait3A_27 = tpu.memref_slice %arg3[%dma_wait3A_25, %dma_wait3A_26] : memref<1000000x128xf32, #tpu.memory_space<hbm>> -> memref<128x128xf32, #tpu.memory_space<hbm>>
    tpu.wait_dma2 semaphore(%arg13 : memref<!tpu.dma_semaphore, #tpu.memory_space<semaphore_mem>>) src(%dma_wait3A_27 : memref<128x128xf32, #tpu.memory_space<hbm>>) dst(%arg8 : memref<128x128xf32, #tpu.memory_space<vmem>>)
    %rem3A = arith.constant 0 : i32
    %rem3A_28 = arith.constant 200 : i32
    %rem3A_29 = arith.remsi %rem3A, %rem3A_28 : i32
    %parallel_loop3A = arith.constant 0 : i32
    %parallel_loop3A_30 = arith.constant 128 : i32
    %parallel_loop3A_31 = arith.constant 1 : i32
    scf.for %parallel_loop3A_180 = %parallel_loop3A to %parallel_loop3A_30 step %parallel_loop3A_31  : i32 {
      %parallel_loop3A_181 = arith.addi %rem3A_29, %parallel_loop3A_180 : i32
      %parallel_loop3A_182 = arith.index_cast %parallel_loop3A_181 : i32 to index
      %parallel_loop3A_183 = arith.constant 0 : index
      %parallel_loop3A_184 = tpu.vector_load %arg6[%parallel_loop3A_182, %parallel_loop3A_183] {strides = array<i32>} : memref<320x64xi32, #tpu.memory_space<vmem>>, vector<1x16xi32>,
      %parallel_loop3A_185 = vector.shape_cast %parallel_loop3A_184 : vector<1x16xi32> to vector<16xi32>
      %parallel_loop3A_186 = arith.constant 16 : i32
      %parallel_loop3A_187 = vector.broadcast %parallel_loop3A_186 : i32 to vector<16xi32>
      %parallel_loop3A_188 = arith.shli %parallel_loop3A_185, %parallel_loop3A_187 : vector<16xi32>
      %parallel_loop3A_189 = tpu.bitcast %parallel_loop3A_188 : vector<16xi32> -> vector<16xf32>
      %parallel_loop3A_190 = arith.constant -65536 : i32
      %parallel_loop3A_191 = vector.broadcast %parallel_loop3A_190 : i32 to vector<16xi32>
      %parallel_loop3A_192 = arith.andi %parallel_loop3A_185, %parallel_loop3A_191 : vector<16xi32>
      %parallel_loop3A_193 = tpu.bitcast %parallel_loop3A_192 : vector<16xi32> -> vector<16xf32>
      %parallel_loop3A_194 = arith.index_cast %parallel_loop3A_180 : i32 to index
      %parallel_loop3A_195 = arith.constant 0 : index
      %parallel_loop3A_196 = tpu.vector_load %arg8[%parallel_loop3A_194, %parallel_loop3A_195] {strides = array<i32>} : memref<128x128xf32, #tpu.memory_space<vmem>>, vector<1x16xf32>,
      %parallel_loop3A_197 = vector.shape_cast %parallel_loop3A_196 : vector<1x16xf32> to vector<16xf32>
      %parallel_loop3A_198 = vector.shape_cast %parallel_loop3A_189 : vector<16xf32> to vector<1x16xf32>
      tpu.vector_store %arg8[%parallel_loop3A_194, %parallel_loop3A_195], %parallel_loop3A_198 {add = true, strides = array<i32>} : memref<128x128xf32, #tpu.memory_space<vmem>>, vector<1x16xf32>,
      %parallel_loop3A_199 = arith.index_cast %parallel_loop3A_180 : i32 to index
      %parallel_loop3A_200 = arith.constant 16 : index
      %parallel_loop3A_201 = tpu.vector_load %arg8[%parallel_loop3A_199, %parallel_loop3A_200] {strides = array<i32>} : memref<128x128xf32, #tpu.memory_space<vmem>>, vector<1x16xf32>,
      %parallel_loop3A_202 = vector.shape_cast %parallel_loop3A_201 : vector<1x16xf32> to vector<16xf32>
      %parallel_loop3A_203 = vector.shape_cast %parallel_loop3A_193 : vector<16xf32> to vector<1x16xf32>
      tpu.vector_store %arg8[%parallel_loop3A_199, %parallel_loop3A_200], %parallel_loop3A_203 {add = true, strides = array<i32>} : memref<128x128xf32, #tpu.memory_space<vmem>>, vector<1x16xf32>,
      %parallel_loop3A_204 = arith.index_cast %parallel_loop3A_181 : i32 to index
      %parallel_loop3A_205 = arith.constant 16 : index
      %parallel_loop3A_206 = tpu.vector_load %arg6[%parallel_loop3A_204, %parallel_loop3A_205] {strides = array<i32>} : memref<320x64xi32, #tpu.memory_space<vmem>>, vector<1x16xi32>,
      %parallel_loop3A_207 = vector.shape_cast %parallel_loop3A_206 : vector<1x16xi32> to vector<16xi32>
      %parallel_loop3A_208 = arith.constant 16 : i32
      %parallel_loop3A_209 = vector.broadcast %parallel_loop3A_208 : i32 to vector<16xi32>
      %parallel_loop3A_210 = arith.shli %parallel_loop3A_207, %parallel_loop3A_209 : vector<16xi32>
      %parallel_loop3A_211 = tpu.bitcast %parallel_loop3A_210 : vector<16xi32> -> vector<16xf32>
      %parallel_loop3A_212 = arith.constant -65536 : i32
      %parallel_loop3A_213 = vector.broadcast %parallel_loop3A_212 : i32 to vector<16xi32>
      %parallel_loop3A_214 = arith.andi %parallel_loop3A_207, %parallel_loop3A_213 : vector<16xi32>
      %parallel_loop3A_215 = tpu.bitcast %parallel_loop3A_214 : vector<16xi32> -> vector<16xf32>
      %parallel_loop3A_216 = arith.index_cast %parallel_loop3A_180 : i32 to index
      %parallel_loop3A_217 = arith.constant 32 : index
      %parallel_loop3A_218 = tpu.vector_load %arg8[%parallel_loop3A_216, %parallel_loop3A_217] {strides = array<i32>} : memref<128x128xf32, #tpu.memory_space<vmem>>, vector<1x16xf32>,
      %parallel_loop3A_219 = vector.shape_cast %parallel_loop3A_218 : vector<1x16xf32> to vector<16xf32>
      %parallel_loop3A_220 = vector.shape_cast %parallel_loop3A_211 : vector<16xf32> to vector<1x16xf32>
      tpu.vector_store %arg8[%parallel_loop3A_216, %parallel_loop3A_217], %parallel_loop3A_220 {add = true, strides = array<i32>} : memref<128x128xf32, #tpu.memory_space<vmem>>, vector<1x16xf32>,
      %parallel_loop3A_221 = arith.index_cast %parallel_loop3A_180 : i32 to index
      %parallel_loop3A_222 = arith.constant 48 : index
      %parallel_loop3A_223 = tpu.vector_load %arg8[%parallel_loop3A_221, %parallel_loop3A_222] {strides = array<i32>} : memref<128x128xf32, #tpu.memory_space<vmem>>, vector<1x16xf32>,
      %parallel_loop3A_224 = vector.shape_cast %parallel_loop3A_223 : vector<1x16xf32> to vector<16xf32>
      %parallel_loop3A_225 = vector.shape_cast %parallel_loop3A_215 : vector<16xf32> to vector<1x16xf32>
      tpu.vector_store %arg8[%parallel_loop3A_221, %parallel_loop3A_222], %parallel_loop3A_225 {add = true, strides = array<i32>} : memref<128x128xf32, #tpu.memory_space<vmem>>, vector<1x16xf32>,
      %parallel_loop3A_226 = arith.index_cast %parallel_loop3A_181 : i32 to index
      %parallel_loop3A_227 = arith.constant 32 : index
      %parallel_loop3A_228 = tpu.vector_load %arg6[%parallel_loop3A_226, %parallel_loop3A_227] {strides = array<i32>} : memref<320x64xi32, #tpu.memory_space<vmem>>, vector<1x16xi32>,
      %parallel_loop3A_229 = vector.shape_cast %parallel_loop3A_228 : vector<1x16xi32> to vector<16xi32>
      %parallel_loop3A_230 = arith.constant 16 : i32
      %parallel_loop3A_231 = vector.broadcast %parallel_loop3A_230 : i32 to vector<16xi32>
      %parallel_loop3A_232 = arith.shli %parallel_loop3A_229, %parallel_loop3A_231 : vector<16xi32>
      %parallel_loop3A_233 = tpu.bitcast %parallel_loop3A_232 : vector<16xi32> -> vector<16xf32>
      %parallel_loop3A_234 = arith.constant -65536 : i32
      %parallel_loop3A_235 = vector.broadcast %parallel_loop3A_234 : i32 to vector<16xi32>
      %parallel_loop3A_236 = arith.andi %parallel_loop3A_229, %parallel_loop3A_235 : vector<16xi32>
      %parallel_loop3A_237 = tpu.bitcast %parallel_loop3A_236 : vector<16xi32> -> vector<16xf32>
      %parallel_loop3A_238 = arith.index_cast %parallel_loop3A_180 : i32 to index
      %parallel_loop3A_239 = arith.constant 64 : index
      %parallel_loop3A_240 = tpu.vector_load %arg8[%parallel_loop3A_238, %parallel_loop3A_239] {strides = array<i32>} : memref<128x128xf32, #tpu.memory_space<vmem>>, vector<1x16xf32>,
      %parallel_loop3A_241 = vector.shape_cast %parallel_loop3A_240 : vector<1x16xf32> to vector<16xf32>
      %parallel_loop3A_242 = vector.shape_cast %parallel_loop3A_233 : vector<16xf32> to vector<1x16xf32>
      tpu.vector_store %arg8[%parallel_loop3A_238, %parallel_loop3A_239], %parallel_loop3A_242 {add = true, strides = array<i32>} : memref<128x128xf32, #tpu.memory_space<vmem>>, vector<1x16xf32>,
      %parallel_loop3A_243 = arith.index_cast %parallel_loop3A_180 : i32 to index
      %parallel_loop3A_244 = arith.constant 80 : index
      %parallel_loop3A_245 = tpu.vector_load %arg8[%parallel_loop3A_243, %parallel_loop3A_244] {strides = array<i32>} : memref<128x128xf32, #tpu.memory_space<vmem>>, vector<1x16xf32>,
      %parallel_loop3A_246 = vector.shape_cast %parallel_loop3A_245 : vector<1x16xf32> to vector<16xf32>
      %parallel_loop3A_247 = vector.shape_cast %parallel_loop3A_237 : vector<16xf32> to vector<1x16xf32>
      tpu.vector_store %arg8[%parallel_loop3A_243, %parallel_loop3A_244], %parallel_loop3A_247 {add = true, strides = array<i32>} : memref<128x128xf32, #tpu.memory_space<vmem>>, vector<1x16xf32>,
      %parallel_loop3A_248 = arith.index_cast %parallel_loop3A_181 : i32 to index
      %parallel_loop3A_249 = arith.constant 48 : index
      %parallel_loop3A_250 = tpu.vector_load %arg6[%parallel_loop3A_248, %parallel_loop3A_249] {strides = array<i32>} : memref<320x64xi32, #tpu.memory_space<vmem>>, vector<1x16xi32>,
      %parallel_loop3A_251 = vector.shape_cast %parallel_loop3A_250 : vector<1x16xi32> to vector<16xi32>
      %parallel_loop3A_252 = arith.constant 16 : i32
      %parallel_loop3A_253 = vector.broadcast %parallel_loop3A_252 : i32 to vector<16xi32>
      %parallel_loop3A_254 = arith.shli %parallel_loop3A_251, %parallel_loop3A_253 : vector<16xi32>
      %parallel_loop3A_255 = tpu.bitcast %parallel_loop3A_254 : vector<16xi32> -> vector<16xf32>
      %parallel_loop3A_256 = arith.constant -65536 : i32
      %parallel_loop3A_257 = vector.broadcast %parallel_loop3A_256 : i32 to vector<16xi32>
      %parallel_loop3A_258 = arith.andi %parallel_loop3A_251, %parallel_loop3A_257 : vector<16xi32>
      %parallel_loop3A_259 = tpu.bitcast %parallel_loop3A_258 : vector<16xi32> -> vector<16xf32>
      %parallel_loop3A_260 = arith.index_cast %parallel_loop3A_180 : i32 to index
      %parallel_loop3A_261 = arith.constant 96 : index
      %parallel_loop3A_262 = tpu.vector_load %arg8[%parallel_loop3A_260, %parallel_loop3A_261] {strides = array<i32>} : memref<128x128xf32, #tpu.memory_space<vmem>>, vector<1x16xf32>,
      %parallel_loop3A_263 = vector.shape_cast %parallel_loop3A_262 : vector<1x16xf32> to vector<16xf32>
      %parallel_loop3A_264 = vector.shape_cast %parallel_loop3A_255 : vector<16xf32> to vector<1x16xf32>
      tpu.vector_store %arg8[%parallel_loop3A_260, %parallel_loop3A_261], %parallel_loop3A_264 {add = true, strides = array<i32>} : memref<128x128xf32, #tpu.memory_space<vmem>>, vector<1x16xf32>,
      %parallel_loop3A_265 = arith.index_cast %parallel_loop3A_180 : i32 to index
      %parallel_loop3A_266 = arith.constant 112 : index
      %parallel_loop3A_267 = tpu.vector_load %arg8[%parallel_loop3A_265, %parallel_loop3A_266] {strides = array<i32>} : memref<128x128xf32, #tpu.memory_space<vmem>>, vector<1x16xf32>,
      %parallel_loop3A_268 = vector.shape_cast %parallel_loop3A_267 : vector<1x16xf32> to vector<16xf32>
      %parallel_loop3A_269 = vector.shape_cast %parallel_loop3A_259 : vector<16xf32> to vector<1x16xf32>
      tpu.vector_store %arg8[%parallel_loop3A_265, %parallel_loop3A_266], %parallel_loop3A_269 {add = true, strides = array<i32>} : memref<128x128xf32, #tpu.memory_space<vmem>>, vector<1x16xf32>,
    } {sc.loop_unroll_factor = 4 : i64, sc.parallel_access}
    %add3A_32 = arith.constant 0 : i32
    %add3A_33 = arith.addi %mul3A_2, %add3A_32 : i32
    %dma_start3A_34 = arith.constant 0 : i32
    %dma_start3A_35 = tpu.memref_slice %arg5[%add3A_33, %dma_start3A_34] : memref<204800x128xf32, #tpu.memory_space<hbm>> -> memref<128x128xf32, #tpu.memory_space<hbm>>
    %dma_start3A_36 = arith.constant 0 : i32
    %dma_start3A_37 = tpu.memref_slice %arg5[%add3A_33, %dma_start3A_36] : memref<204800x128xf32, #tpu.memory_space<hbm>> -> memref<128x128xf32, #tpu.memory_space<hbm>>
    tpu.enqueue_dma source(%arg8 : memref<128x128xf32, #tpu.memory_space<vmem>>) target(%dma_start3A_37 : memref<128x128xf32, #tpu.memory_space<hbm>>) target_semaphore(%arg18 : memref<!tpu.dma_semaphore, #tpu.memory_space<semaphore_mem>>)
    %dma_start3A_38 = arith.constant 3 : i32
    %dma_start3A_39 = arith.constant 0 : i32
    %dma_start3A_40 = tpu.memref_slice %arg7[%dma_start3A_38, %dma_start3A_39] : memref<50x128xi32, #tpu.memory_space<vmem>> -> memref<1x128xi32, #tpu.memory_space<vmem>>
    %dma_start3A_41 = tpu.memref_squeeze %dma_start3A_40 : memref<1x128xi32, #tpu.memory_space<vmem>> -> memref<128xi32, #tpu.memory_space<vmem>>
    %dma_start3A_42 = arith.constant 0 : i32
    %dma_start3A_43 = arith.constant 0 : i32
    %dma_start3A_44 = tpu.memref_slice %arg3[%dma_start3A_42, %dma_start3A_43] : memref<1000000x128xf32, #tpu.memory_space<hbm>> -> memref<1000000x128xf32, #tpu.memory_space<hbm>>
    tpu.enqueue_indirect_dma source(%dma_start3A_44 : memref<1000000x128xf32, #tpu.memory_space<hbm>>) target(%arg11 : memref<128x128xf32, #tpu.memory_space<vmem>>) offsets(%dma_start3A_41 : memref<128xi32, #tpu.memory_space<vmem>>) semaphore(%arg16 : memref<!tpu.dma_semaphore, #tpu.memory_space<semaphore_mem>>)
    %dma_wait3A_45 = arith.constant 0 : i32
    %dma_wait3A_46 = arith.constant 0 : i32
    %dma_wait3A_47 = tpu.memref_slice %arg3[%dma_wait3A_45, %dma_wait3A_46] : memref<1000000x128xf32, #tpu.memory_space<hbm>> -> memref<128x128xf32, #tpu.memory_space<hbm>>
    %dma_wait3A_48 = arith.constant 0 : i32
    %dma_wait3A_49 = arith.constant 0 : i32
    %dma_wait3A_50 = tpu.memref_slice %arg3[%dma_wait3A_48, %dma_wait3A_49] : memref<1000000x128xf32, #tpu.memory_space<hbm>> -> memref<128x128xf32, #tpu.memory_space<hbm>>
    tpu.wait_dma2 semaphore(%arg14 : memref<!tpu.dma_semaphore, #tpu.memory_space<semaphore_mem>>) src(%dma_wait3A_50 : memref<128x128xf32, #tpu.memory_space<hbm>>) dst(%arg9 : memref<128x128xf32, #tpu.memory_space<vmem>>)
    %rem3A_51 = arith.constant 128 : i32
    %rem3A_52 = arith.constant 200 : i32
    %rem3A_53 = arith.remsi %rem3A_51, %rem3A_52 : i32
    %parallel_loop3A_54 = arith.constant 0 : i32
    %parallel_loop3A_55 = arith.constant 128 : i32
    %parallel_loop3A_56 = arith.constant 1 : i32
    scf.for %parallel_loop3A_180 = %parallel_loop3A_54 to %parallel_loop3A_55 step %parallel_loop3A_56  : i32 {
      %parallel_loop3A_181 = arith.addi %rem3A_53, %parallel_loop3A_180 : i32
      %parallel_loop3A_182 = arith.index_cast %parallel_loop3A_181 : i32 to index
      %parallel_loop3A_183 = arith.constant 0 : index
      %parallel_loop3A_184 = tpu.vector_load %arg6[%parallel_loop3A_182, %parallel_loop3A_183] {strides = array<i32>} : memref<320x64xi32, #tpu.memory_space<vmem>>, vector<1x16xi32>,
      %parallel_loop3A_185 = vector.shape_cast %parallel_loop3A_184 : vector<1x16xi32> to vector<16xi32>
      %parallel_loop3A_186 = arith.constant 16 : i32
      %parallel_loop3A_187 = vector.broadcast %parallel_loop3A_186 : i32 to vector<16xi32>
      %parallel_loop3A_188 = arith.shli %parallel_loop3A_185, %parallel_loop3A_187 : vector<16xi32>
      %parallel_loop3A_189 = tpu.bitcast %parallel_loop3A_188 : vector<16xi32> -> vector<16xf32>
      %parallel_loop3A_190 = arith.constant -65536 : i32
      %parallel_loop3A_191 = vector.broadcast %parallel_loop3A_190 : i32 to vector<16xi32>
      %parallel_loop3A_192 = arith.andi %parallel_loop3A_185, %parallel_loop3A_191 : vector<16xi32>
      %parallel_loop3A_193 = tpu.bitcast %parallel_loop3A_192 : vector<16xi32> -> vector<16xf32>
      %parallel_loop3A_194 = arith.index_cast %parallel_loop3A_180 : i32 to index
      %parallel_loop3A_195 = arith.constant 0 : index
      %parallel_loop3A_196 = tpu.vector_load %arg9[%parallel_loop3A_194, %parallel_loop3A_195] {strides = array<i32>} : memref<128x128xf32, #tpu.memory_space<vmem>>, vector<1x16xf32>,
      %parallel_loop3A_197 = vector.shape_cast %parallel_loop3A_196 : vector<1x16xf32> to vector<16xf32>
      %parallel_loop3A_198 = vector.shape_cast %parallel_loop3A_189 : vector<16xf32> to vector<1x16xf32>
      tpu.vector_store %arg9[%parallel_loop3A_194, %parallel_loop3A_195], %parallel_loop3A_198 {add = true, strides = array<i32>} : memref<128x128xf32, #tpu.memory_space<vmem>>, vector<1x16xf32>,
      %parallel_loop3A_199 = arith.index_cast %parallel_loop3A_180 : i32 to index
      %parallel_loop3A_200 = arith.constant 16 : index
      %parallel_loop3A_201 = tpu.vector_load %arg9[%parallel_loop3A_199, %parallel_loop3A_200] {strides = array<i32>} : memref<128x128xf32, #tpu.memory_space<vmem>>, vector<1x16xf32>,
      %parallel_loop3A_202 = vector.shape_cast %parallel_loop3A_201 : vector<1x16xf32> to vector<16xf32>
      %parallel_loop3A_203 = vector.shape_cast %parallel_loop3A_193 : vector<16xf32> to vector<1x16xf32>
      tpu.vector_store %arg9[%parallel_loop3A_199, %parallel_loop3A_200], %parallel_loop3A_203 {add = true, strides = array<i32>} : memref<128x128xf32, #tpu.memory_space<vmem>>, vector<1x16xf32>,
      %parallel_loop3A_204 = arith.index_cast %parallel_loop3A_181 : i32 to index
      %parallel_loop3A_205 = arith.constant 16 : index
      %parallel_loop3A_206 = tpu.vector_load %arg6[%parallel_loop3A_204, %parallel_loop3A_205] {strides = array<i32>} : memref<320x64xi32, #tpu.memory_space<vmem>>, vector<1x16xi32>,
      %parallel_loop3A_207 = vector.shape_cast %parallel_loop3A_206 : vector<1x16xi32> to vector<16xi32>
      %parallel_loop3A_208 = arith.constant 16 : i32
      %parallel_loop3A_209 = vector.broadcast %parallel_loop3A_208 : i32 to vector<16xi32>
      %parallel_loop3A_210 = arith.shli %parallel_loop3A_207, %parallel_loop3A_209 : vector<16xi32>
      %parallel_loop3A_211 = tpu.bitcast %parallel_loop3A_210 : vector<16xi32> -> vector<16xf32>
      %parallel_loop3A_212 = arith.constant -65536 : i32
      %parallel_loop3A_213 = vector.broadcast %parallel_loop3A_212 : i32 to vector<16xi32>
      %parallel_loop3A_214 = arith.andi %parallel_loop3A_207, %parallel_loop3A_213 : vector<16xi32>
      %parallel_loop3A_215 = tpu.bitcast %parallel_loop3A_214 : vector<16xi32> -> vector<16xf32>
      %parallel_loop3A_216 = arith.index_cast %parallel_loop3A_180 : i32 to index
      %parallel_loop3A_217 = arith.constant 32 : index
      %parallel_loop3A_218 = tpu.vector_load %arg9[%parallel_loop3A_216, %parallel_loop3A_217] {strides = array<i32>} : memref<128x128xf32, #tpu.memory_space<vmem>>, vector<1x16xf32>,
      %parallel_loop3A_219 = vector.shape_cast %parallel_loop3A_218 : vector<1x16xf32> to vector<16xf32>
      %parallel_loop3A_220 = vector.shape_cast %parallel_loop3A_211 : vector<16xf32> to vector<1x16xf32>
      tpu.vector_store %arg9[%parallel_loop3A_216, %parallel_loop3A_217], %parallel_loop3A_220 {add = true, strides = array<i32>} : memref<128x128xf32, #tpu.memory_space<vmem>>, vector<1x16xf32>,
      %parallel_loop3A_221 = arith.index_cast %parallel_loop3A_180 : i32 to index
      %parallel_loop3A_222 = arith.constant 48 : index
      %parallel_loop3A_223 = tpu.vector_load %arg9[%parallel_loop3A_221, %parallel_loop3A_222] {strides = array<i32>} : memref<128x128xf32, #tpu.memory_space<vmem>>, vector<1x16xf32>,
      %parallel_loop3A_224 = vector.shape_cast %parallel_loop3A_223 : vector<1x16xf32> to vector<16xf32>
      %parallel_loop3A_225 = vector.shape_cast %parallel_loop3A_215 : vector<16xf32> to vector<1x16xf32>
      tpu.vector_store %arg9[%parallel_loop3A_221, %parallel_loop3A_222], %parallel_loop3A_225 {add = true, strides = array<i32>} : memref<128x128xf32, #tpu.memory_space<vmem>>, vector<1x16xf32>,
      %parallel_loop3A_226 = arith.index_cast %parallel_loop3A_181 : i32 to index
      %parallel_loop3A_227 = arith.constant 32 : index
      %parallel_loop3A_228 = tpu.vector_load %arg6[%parallel_loop3A_226, %parallel_loop3A_227] {strides = array<i32>} : memref<320x64xi32, #tpu.memory_space<vmem>>, vector<1x16xi32>,
      %parallel_loop3A_229 = vector.shape_cast %parallel_loop3A_228 : vector<1x16xi32> to vector<16xi32>
      %parallel_loop3A_230 = arith.constant 16 : i32
      %parallel_loop3A_231 = vector.broadcast %parallel_loop3A_230 : i32 to vector<16xi32>
      %parallel_loop3A_232 = arith.shli %parallel_loop3A_229, %parallel_loop3A_231 : vector<16xi32>
      %parallel_loop3A_233 = tpu.bitcast %parallel_loop3A_232 : vector<16xi32> -> vector<16xf32>
      %parallel_loop3A_234 = arith.constant -65536 : i32
      %parallel_loop3A_235 = vector.broadcast %parallel_loop3A_234 : i32 to vector<16xi32>
      %parallel_loop3A_236 = arith.andi %parallel_loop3A_229, %parallel_loop3A_235 : vector<16xi32>
      %parallel_loop3A_237 = tpu.bitcast %parallel_loop3A_236 : vector<16xi32> -> vector<16xf32>
      %parallel_loop3A_238 = arith.index_cast %parallel_loop3A_180 : i32 to index
      %parallel_loop3A_239 = arith.constant 64 : index
      %parallel_loop3A_240 = tpu.vector_load %arg9[%parallel_loop3A_238, %parallel_loop3A_239] {strides = array<i32>} : memref<128x128xf32, #tpu.memory_space<vmem>>, vector<1x16xf32>,
      %parallel_loop3A_241 = vector.shape_cast %parallel_loop3A_240 : vector<1x16xf32> to vector<16xf32>
      %parallel_loop3A_242 = vector.shape_cast %parallel_loop3A_233 : vector<16xf32> to vector<1x16xf32>
      tpu.vector_store %arg9[%parallel_loop3A_238, %parallel_loop3A_239], %parallel_loop3A_242 {add = true, strides = array<i32>} : memref<128x128xf32, #tpu.memory_space<vmem>>, vector<1x16xf32>,
      %parallel_loop3A_243 = arith.index_cast %parallel_loop3A_180 : i32 to index
      %parallel_loop3A_244 = arith.constant 80 : index
      %parallel_loop3A_245 = tpu.vector_load %arg9[%parallel_loop3A_243, %parallel_loop3A_244] {strides = array<i32>} : memref<128x128xf32, #tpu.memory_space<vmem>>, vector<1x16xf32>,
      %parallel_loop3A_246 = vector.shape_cast %parallel_loop3A_245 : vector<1x16xf32> to vector<16xf32>
      %parallel_loop3A_247 = vector.shape_cast %parallel_loop3A_237 : vector<16xf32> to vector<1x16xf32>
      tpu.vector_store %arg9[%parallel_loop3A_243, %parallel_loop3A_244], %parallel_loop3A_247 {add = true, strides = array<i32>} : memref<128x128xf32, #tpu.memory_space<vmem>>, vector<1x16xf32>,
      %parallel_loop3A_248 = arith.index_cast %parallel_loop3A_181 : i32 to index
      %parallel_loop3A_249 = arith.constant 48 : index
      %parallel_loop3A_250 = tpu.vector_load %arg6[%parallel_loop3A_248, %parallel_loop3A_249] {strides = array<i32>} : memref<320x64xi32, #tpu.memory_space<vmem>>, vector<1x16xi32>,
      %parallel_loop3A_251 = vector.shape_cast %parallel_loop3A_250 : vector<1x16xi32> to vector<16xi32>
      %parallel_loop3A_252 = arith.constant 16 : i32
      %parallel_loop3A_253 = vector.broadcast %parallel_loop3A_252 : i32 to vector<16xi32>
      %parallel_loop3A_254 = arith.shli %parallel_loop3A_251, %parallel_loop3A_253 : vector<16xi32>
      %parallel_loop3A_255 = tpu.bitcast %parallel_loop3A_254 : vector<16xi32> -> vector<16xf32>
      %parallel_loop3A_256 = arith.constant -65536 : i32
      %parallel_loop3A_257 = vector.broadcast %parallel_loop3A_256 : i32 to vector<16xi32>
      %parallel_loop3A_258 = arith.andi %parallel_loop3A_251, %parallel_loop3A_257 : vector<16xi32>
      %parallel_loop3A_259 = tpu.bitcast %parallel_loop3A_258 : vector<16xi32> -> vector<16xf32>
      %parallel_loop3A_260 = arith.index_cast %parallel_loop3A_180 : i32 to index
      %parallel_loop3A_261 = arith.constant 96 : index
      %parallel_loop3A_262 = tpu.vector_load %arg9[%parallel_loop3A_260, %parallel_loop3A_261] {strides = array<i32>} : memref<128x128xf32, #tpu.memory_space<vmem>>, vector<1x16xf32>,
      %parallel_loop3A_263 = vector.shape_cast %parallel_loop3A_262 : vector<1x16xf32> to vector<16xf32>
      %parallel_loop3A_264 = vector.shape_cast %parallel_loop3A_255 : vector<16xf32> to vector<1x16xf32>
      tpu.vector_store %arg9[%parallel_loop3A_260, %parallel_loop3A_261], %parallel_loop3A_264 {add = true, strides = array<i32>} : memref<128x128xf32, #tpu.memory_space<vmem>>, vector<1x16xf32>,
      %parallel_loop3A_265 = arith.index_cast %parallel_loop3A_180 : i32 to index
      %parallel_loop3A_266 = arith.constant 112 : index
      %parallel_loop3A_267 = tpu.vector_load %arg9[%parallel_loop3A_265, %parallel_loop3A_266] {strides = array<i32>} : memref<128x128xf32, #tpu.memory_space<vmem>>, vector<1x16xf32>,
      %parallel_loop3A_268 = vector.shape_cast %parallel_loop3A_267 : vector<1x16xf32> to vector<16xf32>
      %parallel_loop3A_269 = vector.shape_cast %parallel_loop3A_259 : vector<16xf32> to vector<1x16xf32>
      tpu.vector_store %arg9[%parallel_loop3A_265, %parallel_loop3A_266], %parallel_loop3A_269 {add = true, strides = array<i32>} : memref<128x128xf32, #tpu.memory_space<vmem>>, vector<1x16xf32>,
    } {sc.loop_unroll_factor = 4 : i64, sc.parallel_access}
    %add3A_57 = arith.constant 128 : i32
    %add3A_58 = arith.addi %mul3A_2, %add3A_57 : i32
    %dma_start3A_59 = arith.constant 0 : i32
    %dma_start3A_60 = tpu.memref_slice %arg5[%add3A_58, %dma_start3A_59] : memref<204800x128xf32, #tpu.memory_space<hbm>> -> memref<128x128xf32, #tpu.memory_space<hbm>>
    %dma_start3A_61 = arith.constant 0 : i32
    %dma_start3A_62 = tpu.memref_slice %arg5[%add3A_58, %dma_start3A_61] : memref<204800x128xf32, #tpu.memory_space<hbm>> -> memref<128x128xf32, #tpu.memory_space<hbm>>
    tpu.enqueue_dma source(%arg9 : memref<128x128xf32, #tpu.memory_space<vmem>>) target(%dma_start3A_62 : memref<128x128xf32, #tpu.memory_space<hbm>>) target_semaphore(%arg19 : memref<!tpu.dma_semaphore, #tpu.memory_space<semaphore_mem>>)
    %dma_start3A_63 = arith.constant 4 : i32
    %dma_start3A_64 = arith.constant 0 : i32
    %dma_start3A_65 = tpu.memref_slice %arg7[%dma_start3A_63, %dma_start3A_64] : memref<50x128xi32, #tpu.memory_space<vmem>> -> memref<1x128xi32, #tpu.memory_space<vmem>>
    %dma_start3A_66 = tpu.memref_squeeze %dma_start3A_65 : memref<1x128xi32, #tpu.memory_space<vmem>> -> memref<128xi32, #tpu.memory_space<vmem>>
    %dma_start3A_67 = arith.constant 0 : i32
    %dma_start3A_68 = arith.constant 0 : i32
    %dma_start3A_69 = tpu.memref_slice %arg3[%dma_start3A_67, %dma_start3A_68] : memref<1000000x128xf32, #tpu.memory_space<hbm>> -> memref<1000000x128xf32, #tpu.memory_space<hbm>>
    tpu.enqueue_indirect_dma source(%dma_start3A_69 : memref<1000000x128xf32, #tpu.memory_space<hbm>>) target(%arg12 : memref<128x128xf32, #tpu.memory_space<vmem>>) offsets(%dma_start3A_66 : memref<128xi32, #tpu.memory_space<vmem>>) semaphore(%arg17 : memref<!tpu.dma_semaphore, #tpu.memory_space<semaphore_mem>>)
    %dma_wait3A_70 = arith.constant 0 : i32
    %dma_wait3A_71 = arith.constant 0 : i32
    %dma_wait3A_72 = tpu.memref_slice %arg3[%dma_wait3A_70, %dma_wait3A_71] : memref<1000000x128xf32, #tpu.memory_space<hbm>> -> memref<128x128xf32, #tpu.memory_space<hbm>>
    %dma_wait3A_73 = arith.constant 0 : i32
    %dma_wait3A_74 = arith.constant 0 : i32
    %dma_wait3A_75 = tpu.memref_slice %arg3[%dma_wait3A_73, %dma_wait3A_74] : memref<1000000x128xf32, #tpu.memory_space<hbm>> -> memref<128x128xf32, #tpu.memory_space<hbm>>
    tpu.wait_dma2 semaphore(%arg15 : memref<!tpu.dma_semaphore, #tpu.memory_space<semaphore_mem>>) src(%dma_wait3A_75 : memref<128x128xf32, #tpu.memory_space<hbm>>) dst(%arg10 : memref<128x128xf32, #tpu.memory_space<vmem>>)
    %rem3A_76 = arith.constant 256 : i32
    %rem3A_77 = arith.constant 200 : i32
    %rem3A_78 = arith.remsi %rem3A_76, %rem3A_77 : i32
    %parallel_loop3A_79 = arith.constant 0 : i32
    %parallel_loop3A_80 = arith.constant 128 : i32
    %parallel_loop3A_81 = arith.constant 1 : i32
    scf.for %parallel_loop3A_180 = %parallel_loop3A_79 to %parallel_loop3A_80 step %parallel_loop3A_81  : i32 {
      %parallel_loop3A_181 = arith.addi %rem3A_78, %parallel_loop3A_180 : i32
      %parallel_loop3A_182 = arith.index_cast %parallel_loop3A_181 : i32 to index
      %parallel_loop3A_183 = arith.constant 0 : index
      %parallel_loop3A_184 = tpu.vector_load %arg6[%parallel_loop3A_182, %parallel_loop3A_183] {strides = array<i32>} : memref<320x64xi32, #tpu.memory_space<vmem>>, vector<1x16xi32>,
      %parallel_loop3A_185 = vector.shape_cast %parallel_loop3A_184 : vector<1x16xi32> to vector<16xi32>
      %parallel_loop3A_186 = arith.constant 16 : i32
      %parallel_loop3A_187 = vector.broadcast %parallel_loop3A_186 : i32 to vector<16xi32>
      %parallel_loop3A_188 = arith.shli %parallel_loop3A_185, %parallel_loop3A_187 : vector<16xi32>
      %parallel_loop3A_189 = tpu.bitcast %parallel_loop3A_188 : vector<16xi32> -> vector<16xf32>
      %parallel_loop3A_190 = arith.constant -65536 : i32
      %parallel_loop3A_191 = vector.broadcast %parallel_loop3A_190 : i32 to vector<16xi32>
      %parallel_loop3A_192 = arith.andi %parallel_loop3A_185, %parallel_loop3A_191 : vector<16xi32>
      %parallel_loop3A_193 = tpu.bitcast %parallel_loop3A_192 : vector<16xi32> -> vector<16xf32>
      %parallel_loop3A_194 = arith.index_cast %parallel_loop3A_180 : i32 to index
      %parallel_loop3A_195 = arith.constant 0 : index
      %parallel_loop3A_196 = tpu.vector_load %arg10[%parallel_loop3A_194, %parallel_loop3A_195] {strides = array<i32>} : memref<128x128xf32, #tpu.memory_space<vmem>>, vector<1x16xf32>,
      %parallel_loop3A_197 = vector.shape_cast %parallel_loop3A_196 : vector<1x16xf32> to vector<16xf32>
      %parallel_loop3A_198 = vector.shape_cast %parallel_loop3A_189 : vector<16xf32> to vector<1x16xf32>
      tpu.vector_store %arg10[%parallel_loop3A_194, %parallel_loop3A_195], %parallel_loop3A_198 {add = true, strides = array<i32>} : memref<128x128xf32, #tpu.memory_space<vmem>>, vector<1x16xf32>,
      %parallel_loop3A_199 = arith.index_cast %parallel_loop3A_180 : i32 to index
      %parallel_loop3A_200 = arith.constant 16 : index
      %parallel_loop3A_201 = tpu.vector_load %arg10[%parallel_loop3A_199, %parallel_loop3A_200] {strides = array<i32>} : memref<128x128xf32, #tpu.memory_space<vmem>>, vector<1x16xf32>,
      %parallel_loop3A_202 = vector.shape_cast %parallel_loop3A_201 : vector<1x16xf32> to vector<16xf32>
      %parallel_loop3A_203 = vector.shape_cast %parallel_loop3A_193 : vector<16xf32> to vector<1x16xf32>
      tpu.vector_store %arg10[%parallel_loop3A_199, %parallel_loop3A_200], %parallel_loop3A_203 {add = true, strides = array<i32>} : memref<128x128xf32, #tpu.memory_space<vmem>>, vector<1x16xf32>,
      %parallel_loop3A_204 = arith.index_cast %parallel_loop3A_181 : i32 to index
      %parallel_loop3A_205 = arith.constant 16 : index
      %parallel_loop3A_206 = tpu.vector_load %arg6[%parallel_loop3A_204, %parallel_loop3A_205] {strides = array<i32>} : memref<320x64xi32, #tpu.memory_space<vmem>>, vector<1x16xi32>,
      %parallel_loop3A_207 = vector.shape_cast %parallel_loop3A_206 : vector<1x16xi32> to vector<16xi32>
      %parallel_loop3A_208 = arith.constant 16 : i32
      %parallel_loop3A_209 = vector.broadcast %parallel_loop3A_208 : i32 to vector<16xi32>
      %parallel_loop3A_210 = arith.shli %parallel_loop3A_207, %parallel_loop3A_209 : vector<16xi32>
      %parallel_loop3A_211 = tpu.bitcast %parallel_loop3A_210 : vector<16xi32> -> vector<16xf32>
      %parallel_loop3A_212 = arith.constant -65536 : i32
      %parallel_loop3A_213 = vector.broadcast %parallel_loop3A_212 : i32 to vector<16xi32>
      %parallel_loop3A_214 = arith.andi %parallel_loop3A_207, %parallel_loop3A_213 : vector<16xi32>
      %parallel_loop3A_215 = tpu.bitcast %parallel_loop3A_214 : vector<16xi32> -> vector<16xf32>
      %parallel_loop3A_216 = arith.index_cast %parallel_loop3A_180 : i32 to index
      %parallel_loop3A_217 = arith.constant 32 : index
      %parallel_loop3A_218 = tpu.vector_load %arg10[%parallel_loop3A_216, %parallel_loop3A_217] {strides = array<i32>} : memref<128x128xf32, #tpu.memory_space<vmem>>, vector<1x16xf32>,
      %parallel_loop3A_219 = vector.shape_cast %parallel_loop3A_218 : vector<1x16xf32> to vector<16xf32>
      %parallel_loop3A_220 = vector.shape_cast %parallel_loop3A_211 : vector<16xf32> to vector<1x16xf32>
      tpu.vector_store %arg10[%parallel_loop3A_216, %parallel_loop3A_217], %parallel_loop3A_220 {add = true, strides = array<i32>} : memref<128x128xf32, #tpu.memory_space<vmem>>, vector<1x16xf32>,
      %parallel_loop3A_221 = arith.index_cast %parallel_loop3A_180 : i32 to index
      %parallel_loop3A_222 = arith.constant 48 : index
      %parallel_loop3A_223 = tpu.vector_load %arg10[%parallel_loop3A_221, %parallel_loop3A_222] {strides = array<i32>} : memref<128x128xf32, #tpu.memory_space<vmem>>, vector<1x16xf32>,
      %parallel_loop3A_224 = vector.shape_cast %parallel_loop3A_223 : vector<1x16xf32> to vector<16xf32>
      %parallel_loop3A_225 = vector.shape_cast %parallel_loop3A_215 : vector<16xf32> to vector<1x16xf32>
      tpu.vector_store %arg10[%parallel_loop3A_221, %parallel_loop3A_222], %parallel_loop3A_225 {add = true, strides = array<i32>} : memref<128x128xf32, #tpu.memory_space<vmem>>, vector<1x16xf32>,
      %parallel_loop3A_226 = arith.index_cast %parallel_loop3A_181 : i32 to index
      %parallel_loop3A_227 = arith.constant 32 : index
      %parallel_loop3A_228 = tpu.vector_load %arg6[%parallel_loop3A_226, %parallel_loop3A_227] {strides = array<i32>} : memref<320x64xi32, #tpu.memory_space<vmem>>, vector<1x16xi32>,
      %parallel_loop3A_229 = vector.shape_cast %parallel_loop3A_228 : vector<1x16xi32> to vector<16xi32>
      %parallel_loop3A_230 = arith.constant 16 : i32
      %parallel_loop3A_231 = vector.broadcast %parallel_loop3A_230 : i32 to vector<16xi32>
      %parallel_loop3A_232 = arith.shli %parallel_loop3A_229, %parallel_loop3A_231 : vector<16xi32>
      %parallel_loop3A_233 = tpu.bitcast %parallel_loop3A_232 : vector<16xi32> -> vector<16xf32>
      %parallel_loop3A_234 = arith.constant -65536 : i32
      %parallel_loop3A_235 = vector.broadcast %parallel_loop3A_234 : i32 to vector<16xi32>
      %parallel_loop3A_236 = arith.andi %parallel_loop3A_229, %parallel_loop3A_235 : vector<16xi32>
      %parallel_loop3A_237 = tpu.bitcast %parallel_loop3A_236 : vector<16xi32> -> vector<16xf32>
      %parallel_loop3A_238 = arith.index_cast %parallel_loop3A_180 : i32 to index
      %parallel_loop3A_239 = arith.constant 64 : index
      %parallel_loop3A_240 = tpu.vector_load %arg10[%parallel_loop3A_238, %parallel_loop3A_239] {strides = array<i32>} : memref<128x128xf32, #tpu.memory_space<vmem>>, vector<1x16xf32>,
      %parallel_loop3A_241 = vector.shape_cast %parallel_loop3A_240 : vector<1x16xf32> to vector<16xf32>
      %parallel_loop3A_242 = vector.shape_cast %parallel_loop3A_233 : vector<16xf32> to vector<1x16xf32>
      tpu.vector_store %arg10[%parallel_loop3A_238, %parallel_loop3A_239], %parallel_loop3A_242 {add = true, strides = array<i32>} : memref<128x128xf32, #tpu.memory_space<vmem>>, vector<1x16xf32>,
      %parallel_loop3A_243 = arith.index_cast %parallel_loop3A_180 : i32 to index
      %parallel_loop3A_244 = arith.constant 80 : index
      %parallel_loop3A_245 = tpu.vector_load %arg10[%parallel_loop3A_243, %parallel_loop3A_244] {strides = array<i32>} : memref<128x128xf32, #tpu.memory_space<vmem>>, vector<1x16xf32>,
      %parallel_loop3A_246 = vector.shape_cast %parallel_loop3A_245 : vector<1x16xf32> to vector<16xf32>
      %parallel_loop3A_247 = vector.shape_cast %parallel_loop3A_237 : vector<16xf32> to vector<1x16xf32>
      tpu.vector_store %arg10[%parallel_loop3A_243, %parallel_loop3A_244], %parallel_loop3A_247 {add = true, strides = array<i32>} : memref<128x128xf32, #tpu.memory_space<vmem>>, vector<1x16xf32>,
      %parallel_loop3A_248 = arith.index_cast %parallel_loop3A_181 : i32 to index
      %parallel_loop3A_249 = arith.constant 48 : index
      %parallel_loop3A_250 = tpu.vector_load %arg6[%parallel_loop3A_248, %parallel_loop3A_249] {strides = array<i32>} : memref<320x64xi32, #tpu.memory_space<vmem>>, vector<1x16xi32>,
      %parallel_loop3A_251 = vector.shape_cast %parallel_loop3A_250 : vector<1x16xi32> to vector<16xi32>
      %parallel_loop3A_252 = arith.constant 16 : i32
      %parallel_loop3A_253 = vector.broadcast %parallel_loop3A_252 : i32 to vector<16xi32>
      %parallel_loop3A_254 = arith.shli %parallel_loop3A_251, %parallel_loop3A_253 : vector<16xi32>
      %parallel_loop3A_255 = tpu.bitcast %parallel_loop3A_254 : vector<16xi32> -> vector<16xf32>
      %parallel_loop3A_256 = arith.constant -65536 : i32
      %parallel_loop3A_257 = vector.broadcast %parallel_loop3A_256 : i32 to vector<16xi32>
      %parallel_loop3A_258 = arith.andi %parallel_loop3A_251, %parallel_loop3A_257 : vector<16xi32>
      %parallel_loop3A_259 = tpu.bitcast %parallel_loop3A_258 : vector<16xi32> -> vector<16xf32>
      %parallel_loop3A_260 = arith.index_cast %parallel_loop3A_180 : i32 to index
      %parallel_loop3A_261 = arith.constant 96 : index
      %parallel_loop3A_262 = tpu.vector_load %arg10[%parallel_loop3A_260, %parallel_loop3A_261] {strides = array<i32>} : memref<128x128xf32, #tpu.memory_space<vmem>>, vector<1x16xf32>,
      %parallel_loop3A_263 = vector.shape_cast %parallel_loop3A_262 : vector<1x16xf32> to vector<16xf32>
      %parallel_loop3A_264 = vector.shape_cast %parallel_loop3A_255 : vector<16xf32> to vector<1x16xf32>
      tpu.vector_store %arg10[%parallel_loop3A_260, %parallel_loop3A_261], %parallel_loop3A_264 {add = true, strides = array<i32>} : memref<128x128xf32, #tpu.memory_space<vmem>>, vector<1x16xf32>,
      %parallel_loop3A_265 = arith.index_cast %parallel_loop3A_180 : i32 to index
      %parallel_loop3A_266 = arith.constant 112 : index
      %parallel_loop3A_267 = tpu.vector_load %arg10[%parallel_loop3A_265, %parallel_loop3A_266] {strides = array<i32>} : memref<128x128xf32, #tpu.memory_space<vmem>>, vector<1x16xf32>,
      %parallel_loop3A_268 = vector.shape_cast %parallel_loop3A_267 : vector<1x16xf32> to vector<16xf32>
      %parallel_loop3A_269 = vector.shape_cast %parallel_loop3A_259 : vector<16xf32> to vector<1x16xf32>
      tpu.vector_store %arg10[%parallel_loop3A_265, %parallel_loop3A_266], %parallel_loop3A_269 {add = true, strides = array<i32>} : memref<128x128xf32, #tpu.memory_space<vmem>>, vector<1x16xf32>,
    } {sc.loop_unroll_factor = 4 : i64, sc.parallel_access}
    %add3A_82 = arith.constant 256 : i32
    %add3A_83 = arith.addi %mul3A_2, %add3A_82 : i32
    %dma_start3A_84 = arith.constant 0 : i32
    %dma_start3A_85 = tpu.memref_slice %arg5[%add3A_83, %dma_start3A_84] : memref<204800x128xf32, #tpu.memory_space<hbm>> -> memref<128x128xf32, #tpu.memory_space<hbm>>
    %dma_start3A_86 = arith.constant 0 : i32
    %dma_start3A_87 = tpu.memref_slice %arg5[%add3A_83, %dma_start3A_86] : memref<204800x128xf32, #tpu.memory_space<hbm>> -> memref<128x128xf32, #tpu.memory_space<hbm>>
    tpu.enqueue_dma source(%arg10 : memref<128x128xf32, #tpu.memory_space<vmem>>) target(%dma_start3A_87 : memref<128x128xf32, #tpu.memory_space<hbm>>) target_semaphore(%arg20 : memref<!tpu.dma_semaphore, #tpu.memory_space<semaphore_mem>>)
    %dma_wait3A_88 = arith.constant 0 : i32
    %dma_wait3A_89 = arith.constant 0 : i32
    %dma_wait3A_90 = tpu.memref_slice %arg5[%dma_wait3A_88, %dma_wait3A_89] : memref<204800x128xf32, #tpu.memory_space<hbm>> -> memref<128x128xf32, #tpu.memory_space<hbm>>
    %dma_wait3A_91 = arith.constant 0 : i32
    %dma_wait3A_92 = arith.constant 0 : i32
    %dma_wait3A_93 = tpu.memref_slice %arg5[%dma_wait3A_91, %dma_wait3A_92] : memref<204800x128xf32, #tpu.memory_space<hbm>> -> memref<128x128xf32, #tpu.memory_space<hbm>>
    tpu.wait_dma2 semaphore(%arg18 : memref<!tpu.dma_semaphore, #tpu.memory_space<semaphore_mem>>) src(%arg8 : memref<128x128xf32, #tpu.memory_space<vmem>>) dst(%dma_wait3A_93 : memref<128x128xf32, #tpu.memory_space<hbm>>)
    %dma_start3A_94 = arith.constant 5 : i32
    %dma_start3A_95 = arith.constant 0 : i32
    %dma_start3A_96 = tpu.memref_slice %arg7[%dma_start3A_94, %dma_start3A_95] : memref<50x128xi32, #tpu.memory_space<vmem>> -> memref<1x128xi32, #tpu.memory_space<vmem>>
    %dma_start3A_97 = tpu.memref_squeeze %dma_start3A_96 : memref<1x128xi32, #tpu.memory_space<vmem>> -> memref<128xi32, #tpu.memory_space<vmem>>
    %dma_start3A_98 = arith.constant 0 : i32
    %dma_start3A_99 = arith.constant 0 : i32
    %dma_start3A_100 = tpu.memref_slice %arg3[%dma_start3A_98, %dma_start3A_99] : memref<1000000x128xf32, #tpu.memory_space<hbm>> -> memref<1000000x128xf32, #tpu.memory_space<hbm>>
    tpu.enqueue_indirect_dma source(%dma_start3A_100 : memref<1000000x128xf32, #tpu.memory_space<hbm>>) target(%arg8 : memref<128x128xf32, #tpu.memory_space<vmem>>) offsets(%dma_start3A_97 : memref<128xi32, #tpu.memory_space<vmem>>) semaphore(%arg13 : memref<!tpu.dma_semaphore, #tpu.memory_space<semaphore_mem>>)
    %dma_wait3A_101 = arith.constant 0 : i32
    %dma_wait3A_102 = arith.constant 0 : i32
    %dma_wait3A_103 = tpu.memref_slice %arg3[%dma_wait3A_101, %dma_wait3A_102] : memref<1000000x128xf32, #tpu.memory_space<hbm>> -> memref<128x128xf32, #tpu.memory_space<hbm>>
    %dma_wait3A_104 = arith.constant 0 : i32
    %dma_wait3A_105 = arith.constant 0 : i32
    %dma_wait3A_106 = tpu.memref_slice %arg3[%dma_wait3A_104, %dma_wait3A_105] : memref<1000000x128xf32, #tpu.memory_space<hbm>> -> memref<128x128xf32, #tpu.memory_space<hbm>>
    tpu.wait_dma2 semaphore(%arg16 : memref<!tpu.dma_semaphore, #tpu.memory_space<semaphore_mem>>) src(%dma_wait3A_106 : memref<128x128xf32, #tpu.memory_space<hbm>>) dst(%arg11 : memref<128x128xf32, #tpu.memory_space<vmem>>)
    %rem3A_107 = arith.constant 384 : i32
    %rem3A_108 = arith.constant 200 : i32
    %rem3A_109 = arith.remsi %rem3A_107, %rem3A_108 : i32
    %parallel_loop3A_110 = arith.constant 0 : i32
    %parallel_loop3A_111 = arith.constant 128 : i32
    %parallel_loop3A_112 = arith.constant 1 : i32
    scf.for %parallel_loop3A_180 = %parallel_loop3A_110 to %parallel_loop3A_111 step %parallel_loop3A_112  : i32 {
      %parallel_loop3A_181 = arith.addi %rem3A_109, %parallel_loop3A_180 : i32
      %parallel_loop3A_182 = arith.index_cast %parallel_loop3A_181 : i32 to index
      %parallel_loop3A_183 = arith.constant 0 : index
      %parallel_loop3A_184 = tpu.vector_load %arg6[%parallel_loop3A_182, %parallel_loop3A_183] {strides = array<i32>} : memref<320x64xi32, #tpu.memory_space<vmem>>, vector<1x16xi32>,
      %parallel_loop3A_185 = vector.shape_cast %parallel_loop3A_184 : vector<1x16xi32> to vector<16xi32>
      %parallel_loop3A_186 = arith.constant 16 : i32
      %parallel_loop3A_187 = vector.broadcast %parallel_loop3A_186 : i32 to vector<16xi32>
      %parallel_loop3A_188 = arith.shli %parallel_loop3A_185, %parallel_loop3A_187 : vector<16xi32>
      %parallel_loop3A_189 = tpu.bitcast %parallel_loop3A_188 : vector<16xi32> -> vector<16xf32>
      %parallel_loop3A_190 = arith.constant -65536 : i32
      %parallel_loop3A_191 = vector.broadcast %parallel_loop3A_190 : i32 to vector<16xi32>
      %parallel_loop3A_192 = arith.andi %parallel_loop3A_185, %parallel_loop3A_191 : vector<16xi32>
      %parallel_loop3A_193 = tpu.bitcast %parallel_loop3A_192 : vector<16xi32> -> vector<16xf32>
      %parallel_loop3A_194 = arith.index_cast %parallel_loop3A_180 : i32 to index
      %parallel_loop3A_195 = arith.constant 0 : index
      %parallel_loop3A_196 = tpu.vector_load %arg11[%parallel_loop3A_194, %parallel_loop3A_195] {strides = array<i32>} : memref<128x128xf32, #tpu.memory_space<vmem>>, vector<1x16xf32>,
      %parallel_loop3A_197 = vector.shape_cast %parallel_loop3A_196 : vector<1x16xf32> to vector<16xf32>
      %parallel_loop3A_198 = vector.shape_cast %parallel_loop3A_189 : vector<16xf32> to vector<1x16xf32>
      tpu.vector_store %arg11[%parallel_loop3A_194, %parallel_loop3A_195], %parallel_loop3A_198 {add = true, strides = array<i32>} : memref<128x128xf32, #tpu.memory_space<vmem>>, vector<1x16xf32>,
      %parallel_loop3A_199 = arith.index_cast %parallel_loop3A_180 : i32 to index
      %parallel_loop3A_200 = arith.constant 16 : index
      %parallel_loop3A_201 = tpu.vector_load %arg11[%parallel_loop3A_199, %parallel_loop3A_200] {strides = array<i32>} : memref<128x128xf32, #tpu.memory_space<vmem>>, vector<1x16xf32>,
      %parallel_loop3A_202 = vector.shape_cast %parallel_loop3A_201 : vector<1x16xf32> to vector<16xf32>
      %parallel_loop3A_203 = vector.shape_cast %parallel_loop3A_193 : vector<16xf32> to vector<1x16xf32>
      tpu.vector_store %arg11[%parallel_loop3A_199, %parallel_loop3A_200], %parallel_loop3A_203 {add = true, strides = array<i32>} : memref<128x128xf32, #tpu.memory_space<vmem>>, vector<1x16xf32>,
      %parallel_loop3A_204 = arith.index_cast %parallel_loop3A_181 : i32 to index
      %parallel_loop3A_205 = arith.constant 16 : index
      %parallel_loop3A_206 = tpu.vector_load %arg6[%parallel_loop3A_204, %parallel_loop3A_205] {strides = array<i32>} : memref<320x64xi32, #tpu.memory_space<vmem>>, vector<1x16xi32>,
      %parallel_loop3A_207 = vector.shape_cast %parallel_loop3A_206 : vector<1x16xi32> to vector<16xi32>
      %parallel_loop3A_208 = arith.constant 16 : i32
      %parallel_loop3A_209 = vector.broadcast %parallel_loop3A_208 : i32 to vector<16xi32>
      %parallel_loop3A_210 = arith.shli %parallel_loop3A_207, %parallel_loop3A_209 : vector<16xi32>
      %parallel_loop3A_211 = tpu.bitcast %parallel_loop3A_210 : vector<16xi32> -> vector<16xf32>
      %parallel_loop3A_212 = arith.constant -65536 : i32
      %parallel_loop3A_213 = vector.broadcast %parallel_loop3A_212 : i32 to vector<16xi32>
      %parallel_loop3A_214 = arith.andi %parallel_loop3A_207, %parallel_loop3A_213 : vector<16xi32>
      %parallel_loop3A_215 = tpu.bitcast %parallel_loop3A_214 : vector<16xi32> -> vector<16xf32>
      %parallel_loop3A_216 = arith.index_cast %parallel_loop3A_180 : i32 to index
      %parallel_loop3A_217 = arith.constant 32 : index
      %parallel_loop3A_218 = tpu.vector_load %arg11[%parallel_loop3A_216, %parallel_loop3A_217] {strides = array<i32>} : memref<128x128xf32, #tpu.memory_space<vmem>>, vector<1x16xf32>,
      %parallel_loop3A_219 = vector.shape_cast %parallel_loop3A_218 : vector<1x16xf32> to vector<16xf32>
      %parallel_loop3A_220 = vector.shape_cast %parallel_loop3A_211 : vector<16xf32> to vector<1x16xf32>
      tpu.vector_store %arg11[%parallel_loop3A_216, %parallel_loop3A_217], %parallel_loop3A_220 {add = true, strides = array<i32>} : memref<128x128xf32, #tpu.memory_space<vmem>>, vector<1x16xf32>,
      %parallel_loop3A_221 = arith.index_cast %parallel_loop3A_180 : i32 to index
      %parallel_loop3A_222 = arith.constant 48 : index
      %parallel_loop3A_223 = tpu.vector_load %arg11[%parallel_loop3A_221, %parallel_loop3A_222] {strides = array<i32>} : memref<128x128xf32, #tpu.memory_space<vmem>>, vector<1x16xf32>,
      %parallel_loop3A_224 = vector.shape_cast %parallel_loop3A_223 : vector<1x16xf32> to vector<16xf32>
      %parallel_loop3A_225 = vector.shape_cast %parallel_loop3A_215 : vector<16xf32> to vector<1x16xf32>
      tpu.vector_store %arg11[%parallel_loop3A_221, %parallel_loop3A_222], %parallel_loop3A_225 {add = true, strides = array<i32>} : memref<128x128xf32, #tpu.memory_space<vmem>>, vector<1x16xf32>,
      %parallel_loop3A_226 = arith.index_cast %parallel_loop3A_181 : i32 to index
      %parallel_loop3A_227 = arith.constant 32 : index
      %parallel_loop3A_228 = tpu.vector_load %arg6[%parallel_loop3A_226, %parallel_loop3A_227] {strides = array<i32>} : memref<320x64xi32, #tpu.memory_space<vmem>>, vector<1x16xi32>,
      %parallel_loop3A_229 = vector.shape_cast %parallel_loop3A_228 : vector<1x16xi32> to vector<16xi32>
      %parallel_loop3A_230 = arith.constant 16 : i32
      %parallel_loop3A_231 = vector.broadcast %parallel_loop3A_230 : i32 to vector<16xi32>
      %parallel_loop3A_232 = arith.shli %parallel_loop3A_229, %parallel_loop3A_231 : vector<16xi32>
      %parallel_loop3A_233 = tpu.bitcast %parallel_loop3A_232 : vector<16xi32> -> vector<16xf32>
      %parallel_loop3A_234 = arith.constant -65536 : i32
      %parallel_loop3A_235 = vector.broadcast %parallel_loop3A_234 : i32 to vector<16xi32>
      %parallel_loop3A_236 = arith.andi %parallel_loop3A_229, %parallel_loop3A_235 : vector<16xi32>
      %parallel_loop3A_237 = tpu.bitcast %parallel_loop3A_236 : vector<16xi32> -> vector<16xf32>
      %parallel_loop3A_238 = arith.index_cast %parallel_loop3A_180 : i32 to index
      %parallel_loop3A_239 = arith.constant 64 : index
      %parallel_loop3A_240 = tpu.vector_load %arg11[%parallel_loop3A_238, %parallel_loop3A_239] {strides = array<i32>} : memref<128x128xf32, #tpu.memory_space<vmem>>, vector<1x16xf32>,
      %parallel_loop3A_241 = vector.shape_cast %parallel_loop3A_240 : vector<1x16xf32> to vector<16xf32>
      %parallel_loop3A_242 = vector.shape_cast %parallel_loop3A_233 : vector<16xf32> to vector<1x16xf32>
      tpu.vector_store %arg11[%parallel_loop3A_238, %parallel_loop3A_239], %parallel_loop3A_242 {add = true, strides = array<i32>} : memref<128x128xf32, #tpu.memory_space<vmem>>, vector<1x16xf32>,
      %parallel_loop3A_243 = arith.index_cast %parallel_loop3A_180 : i32 to index
      %parallel_loop3A_244 = arith.constant 80 : index
      %parallel_loop3A_245 = tpu.vector_load %arg11[%parallel_loop3A_243, %parallel_loop3A_244] {strides = array<i32>} : memref<128x128xf32, #tpu.memory_space<vmem>>, vector<1x16xf32>,
      %parallel_loop3A_246 = vector.shape_cast %parallel_loop3A_245 : vector<1x16xf32> to vector<16xf32>
      %parallel_loop3A_247 = vector.shape_cast %parallel_loop3A_237 : vector<16xf32> to vector<1x16xf32>
      tpu.vector_store %arg11[%parallel_loop3A_243, %parallel_loop3A_244], %parallel_loop3A_247 {add = true, strides = array<i32>} : memref<128x128xf32, #tpu.memory_space<vmem>>, vector<1x16xf32>,
      %parallel_loop3A_248 = arith.index_cast %parallel_loop3A_181 : i32 to index
      %parallel_loop3A_249 = arith.constant 48 : index
      %parallel_loop3A_250 = tpu.vector_load %arg6[%parallel_loop3A_248, %parallel_loop3A_249] {strides = array<i32>} : memref<320x64xi32, #tpu.memory_space<vmem>>, vector<1x16xi32>,
      %parallel_loop3A_251 = vector.shape_cast %parallel_loop3A_250 : vector<1x16xi32> to vector<16xi32>
      %parallel_loop3A_252 = arith.constant 16 : i32
      %parallel_loop3A_253 = vector.broadcast %parallel_loop3A_252 : i32 to vector<16xi32>
      %parallel_loop3A_254 = arith.shli %parallel_loop3A_251, %parallel_loop3A_253 : vector<16xi32>
      %parallel_loop3A_255 = tpu.bitcast %parallel_loop3A_254 : vector<16xi32> -> vector<16xf32>
      %parallel_loop3A_256 = arith.constant -65536 : i32
      %parallel_loop3A_257 = vector.broadcast %parallel_loop3A_256 : i32 to vector<16xi32>
      %parallel_loop3A_258 = arith.andi %parallel_loop3A_251, %parallel_loop3A_257 : vector<16xi32>
      %parallel_loop3A_259 = tpu.bitcast %parallel_loop3A_258 : vector<16xi32> -> vector<16xf32>
      %parallel_loop3A_260 = arith.index_cast %parallel_loop3A_180 : i32 to index
      %parallel_loop3A_261 = arith.constant 96 : index
      %parallel_loop3A_262 = tpu.vector_load %arg11[%parallel_loop3A_260, %parallel_loop3A_261] {strides = array<i32>} : memref<128x128xf32, #tpu.memory_space<vmem>>, vector<1x16xf32>,
      %parallel_loop3A_263 = vector.shape_cast %parallel_loop3A_262 : vector<1x16xf32> to vector<16xf32>
      %parallel_loop3A_264 = vector.shape_cast %parallel_loop3A_255 : vector<16xf32> to vector<1x16xf32>
      tpu.vector_store %arg11[%parallel_loop3A_260, %parallel_loop3A_261], %parallel_loop3A_264 {add = true, strides = array<i32>} : memref<128x128xf32, #tpu.memory_space<vmem>>, vector<1x16xf32>,
      %parallel_loop3A_265 = arith.index_cast %parallel_loop3A_180 : i32 to index
      %parallel_loop3A_266 = arith.constant 112 : index
      %parallel_loop3A_267 = tpu.vector_load %arg11[%parallel_loop3A_265, %parallel_loop3A_266] {strides = array<i32>} : memref<128x128xf32, #tpu.memory_space<vmem>>, vector<1x16xf32>,
      %parallel_loop3A_268 = vector.shape_cast %parallel_loop3A_267 : vector<1x16xf32> to vector<16xf32>
      %parallel_loop3A_269 = vector.shape_cast %parallel_loop3A_259 : vector<16xf32> to vector<1x16xf32>
      tpu.vector_store %arg11[%parallel_loop3A_265, %parallel_loop3A_266], %parallel_loop3A_269 {add = true, strides = array<i32>} : memref<128x128xf32, #tpu.memory_space<vmem>>, vector<1x16xf32>,
    } {sc.loop_unroll_factor = 4 : i64, sc.parallel_access}
    %add3A_113 = arith.constant 384 : i32
    %add3A_114 = arith.addi %mul3A_2, %add3A_113 : i32
    %dma_start3A_115 = arith.constant 0 : i32
    %dma_start3A_116 = tpu.memref_slice %arg5[%add3A_114, %dma_start3A_115] : memref<204800x128xf32, #tpu.memory_space<hbm>> -> memref<128x128xf32, #tpu.memory_space<hbm>>
    %dma_start3A_117 = arith.constant 0 : i32
    %dma_start3A_118 = tpu.memref_slice %arg5[%add3A_114, %dma_start3A_117] : memref<204800x128xf32, #tpu.memory_space<hbm>> -> memref<128x128xf32, #tpu.memory_space<hbm>>
    tpu.enqueue_dma source(%arg11 : memref<128x128xf32, #tpu.memory_space<vmem>>) target(%dma_start3A_118 : memref<128x128xf32, #tpu.memory_space<hbm>>) target_semaphore(%arg21 : memref<!tpu.dma_semaphore, #tpu.memory_space<semaphore_mem>>)
    %dma_wait3A_119 = arith.constant 0 : i32
    %dma_wait3A_120 = arith.constant 0 : i32
    %dma_wait3A_121 = tpu.memref_slice %arg5[%dma_wait3A_119, %dma_wait3A_120] : memref<204800x128xf32, #tpu.memory_space<hbm>> -> memref<128x128xf32, #tpu.memory_space<hbm>>
    %dma_wait3A_122 = arith.constant 0 : i32
    %dma_wait3A_123 = arith.constant 0 : i32
    %dma_wait3A_124 = tpu.memref_slice %arg5[%dma_wait3A_122, %dma_wait3A_123] : memref<204800x128xf32, #tpu.memory_space<hbm>> -> memref<128x128xf32, #tpu.memory_space<hbm>>
    tpu.wait_dma2 semaphore(%arg19 : memref<!tpu.dma_semaphore, #tpu.memory_space<semaphore_mem>>) src(%arg9 : memref<128x128xf32, #tpu.memory_space<vmem>>) dst(%dma_wait3A_124 : memref<128x128xf32, #tpu.memory_space<hbm>>)
    %dma_start3A_125 = arith.constant 6 : i32
    %dma_start3A_126 = arith.constant 0 : i32
    %dma_start3A_127 = tpu.memref_slice %arg7[%dma_start3A_125, %dma_start3A_126] : memref<50x128xi32, #tpu.memory_space<vmem>> -> memref<1x128xi32, #tpu.memory_space<vmem>>
    %dma_start3A_128 = tpu.memref_squeeze %dma_start3A_127 : memref<1x128xi32, #tpu.memory_space<vmem>> -> memref<128xi32, #tpu.memory_space<vmem>>
    %dma_start3A_129 = arith.constant 0 : i32
    %dma_start3A_130 = arith.constant 0 : i32
    %dma_start3A_131 = tpu.memref_slice %arg3[%dma_start3A_129, %dma_start3A_130] : memref<1000000x128xf32, #tpu.memory_space<hbm>> -> memref<1000000x128xf32, #tpu.memory_space<hbm>>
    tpu.enqueue_indirect_dma source(%dma_start3A_131 : memref<1000000x128xf32, #tpu.memory_space<hbm>>) target(%arg9 : memref<128x128xf32, #tpu.memory_space<vmem>>) offsets(%dma_start3A_128 : memref<128xi32, #tpu.memory_space<vmem>>) semaphore(%arg14 : memref<!tpu.dma_semaphore, #tpu.memory_space<semaphore_mem>>)
    %dma_wait3A_132 = arith.constant 0 : i32
    %dma_wait3A_133 = arith.constant 0 : i32
    %dma_wait3A_134 = tpu.memref_slice %arg3[%dma_wait3A_132, %dma_wait3A_133] : memref<1000000x128xf32, #tpu.memory_space<hbm>> -> memref<128x128xf32, #tpu.memory_space<hbm>>
    %dma_wait3A_135 = arith.constant 0 : i32
    %dma_wait3A_136 = arith.constant 0 : i32
    %dma_wait3A_137 = tpu.memref_slice %arg3[%dma_wait3A_135, %dma_wait3A_136] : memref<1000000x128xf32, #tpu.memory_space<hbm>> -> memref<128x128xf32, #tpu.memory_space<hbm>>
    tpu.wait_dma2 semaphore(%arg17 : memref<!tpu.dma_semaphore, #tpu.memory_space<semaphore_mem>>) src(%dma_wait3A_137 : memref<128x128xf32, #tpu.memory_space<hbm>>) dst(%arg12 : memref<128x128xf32, #tpu.memory_space<vmem>>)
    %rem3A_138 = arith.constant 512 : i32
    %rem3A_139 = arith.constant 200 : i32
    %rem3A_140 = arith.remsi %rem3A_138, %rem3A_139 : i32
    %parallel_loop3A_141 = arith.constant 0 : i32
    %parallel_loop3A_142 = arith.constant 128 : i32
    %parallel_loop3A_143 = arith.constant 1 : i32
    scf.for %parallel_loop3A_180 = %parallel_loop3A_141 to %parallel_loop3A_142 step %parallel_loop3A_143  : i32 {
      %parallel_loop3A_181 = arith.addi %rem3A_140, %parallel_loop3A_180 : i32
      %parallel_loop3A_182 = arith.index_cast %parallel_loop3A_181 : i32 to index
      %parallel_loop3A_183 = arith.constant 0 : index
      %parallel_loop3A_184 = tpu.vector_load %arg6[%parallel_loop3A_182, %parallel_loop3A_183] {strides = array<i32>} : memref<320x64xi32, #tpu.memory_space<vmem>>, vector<1x16xi32>,
      %parallel_loop3A_185 = vector.shape_cast %parallel_loop3A_184 : vector<1x16xi32> to vector<16xi32>
      %parallel_loop3A_186 = arith.constant 16 : i32
      %parallel_loop3A_187 = vector.broadcast %parallel_loop3A_186 : i32 to vector<16xi32>
      %parallel_loop3A_188 = arith.shli %parallel_loop3A_185, %parallel_loop3A_187 : vector<16xi32>
      %parallel_loop3A_189 = tpu.bitcast %parallel_loop3A_188 : vector<16xi32> -> vector<16xf32>
      %parallel_loop3A_190 = arith.constant -65536 : i32
      %parallel_loop3A_191 = vector.broadcast %parallel_loop3A_190 : i32 to vector<16xi32>
      %parallel_loop3A_192 = arith.andi %parallel_loop3A_185, %parallel_loop3A_191 : vector<16xi32>
      %parallel_loop3A_193 = tpu.bitcast %parallel_loop3A_192 : vector<16xi32> -> vector<16xf32>
      %parallel_loop3A_194 = arith.index_cast %parallel_loop3A_180 : i32 to index
      %parallel_loop3A_195 = arith.constant 0 : index
      %parallel_loop3A_196 = tpu.vector_load %arg12[%parallel_loop3A_194, %parallel_loop3A_195] {strides = array<i32>} : memref<128x128xf32, #tpu.memory_space<vmem>>, vector<1x16xf32>,
      %parallel_loop3A_197 = vector.shape_cast %parallel_loop3A_196 : vector<1x16xf32> to vector<16xf32>
      %parallel_loop3A_198 = vector.shape_cast %parallel_loop3A_189 : vector<16xf32> to vector<1x16xf32>
      tpu.vector_store %arg12[%parallel_loop3A_194, %parallel_loop3A_195], %parallel_loop3A_198 {add = true, strides = array<i32>} : memref<128x128xf32, #tpu.memory_space<vmem>>, vector<1x16xf32>,
      %parallel_loop3A_199 = arith.index_cast %parallel_loop3A_180 : i32 to index
      %parallel_loop3A_200 = arith.constant 16 : index
      %parallel_loop3A_201 = tpu.vector_load %arg12[%parallel_loop3A_199, %parallel_loop3A_200] {strides = array<i32>} : memref<128x128xf32, #tpu.memory_space<vmem>>, vector<1x16xf32>,
      %parallel_loop3A_202 = vector.shape_cast %parallel_loop3A_201 : vector<1x16xf32> to vector<16xf32>
      %parallel_loop3A_203 = vector.shape_cast %parallel_loop3A_193 : vector<16xf32> to vector<1x16xf32>
      tpu.vector_store %arg12[%parallel_loop3A_199, %parallel_loop3A_200], %parallel_loop3A_203 {add = true, strides = array<i32>} : memref<128x128xf32, #tpu.memory_space<vmem>>, vector<1x16xf32>,
      %parallel_loop3A_204 = arith.index_cast %parallel_loop3A_181 : i32 to index
      %parallel_loop3A_205 = arith.constant 16 : index
      %parallel_loop3A_206 = tpu.vector_load %arg6[%parallel_loop3A_204, %parallel_loop3A_205] {strides = array<i32>} : memref<320x64xi32, #tpu.memory_space<vmem>>, vector<1x16xi32>,
      %parallel_loop3A_207 = vector.shape_cast %parallel_loop3A_206 : vector<1x16xi32> to vector<16xi32>
      %parallel_loop3A_208 = arith.constant 16 : i32
      %parallel_loop3A_209 = vector.broadcast %parallel_loop3A_208 : i32 to vector<16xi32>
      %parallel_loop3A_210 = arith.shli %parallel_loop3A_207, %parallel_loop3A_209 : vector<16xi32>
      %parallel_loop3A_211 = tpu.bitcast %parallel_loop3A_210 : vector<16xi32> -> vector<16xf32>
      %parallel_loop3A_212 = arith.constant -65536 : i32
      %parallel_loop3A_213 = vector.broadcast %parallel_loop3A_212 : i32 to vector<16xi32>
      %parallel_loop3A_214 = arith.andi %parallel_loop3A_207, %parallel_loop3A_213 : vector<16xi32>
      %parallel_loop3A_215 = tpu.bitcast %parallel_loop3A_214 : vector<16xi32> -> vector<16xf32>
      %parallel_loop3A_216 = arith.index_cast %parallel_loop3A_180 : i32 to index
      %parallel_loop3A_217 = arith.constant 32 : index
      %parallel_loop3A_218 = tpu.vector_load %arg12[%parallel_loop3A_216, %parallel_loop3A_217] {strides = array<i32>} : memref<128x128xf32, #tpu.memory_space<vmem>>, vector<1x16xf32>,
      %parallel_loop3A_219 = vector.shape_cast %parallel_loop3A_218 : vector<1x16xf32> to vector<16xf32>
      %parallel_loop3A_220 = vector.shape_cast %parallel_loop3A_211 : vector<16xf32> to vector<1x16xf32>
      tpu.vector_store %arg12[%parallel_loop3A_216, %parallel_loop3A_217], %parallel_loop3A_220 {add = true, strides = array<i32>} : memref<128x128xf32, #tpu.memory_space<vmem>>, vector<1x16xf32>,
      %parallel_loop3A_221 = arith.index_cast %parallel_loop3A_180 : i32 to index
      %parallel_loop3A_222 = arith.constant 48 : index
      %parallel_loop3A_223 = tpu.vector_load %arg12[%parallel_loop3A_221, %parallel_loop3A_222] {strides = array<i32>} : memref<128x128xf32, #tpu.memory_space<vmem>>, vector<1x16xf32>,
      %parallel_loop3A_224 = vector.shape_cast %parallel_loop3A_223 : vector<1x16xf32> to vector<16xf32>
      %parallel_loop3A_225 = vector.shape_cast %parallel_loop3A_215 : vector<16xf32> to vector<1x16xf32>
      tpu.vector_store %arg12[%parallel_loop3A_221, %parallel_loop3A_222], %parallel_loop3A_225 {add = true, strides = array<i32>} : memref<128x128xf32, #tpu.memory_space<vmem>>, vector<1x16xf32>,
      %parallel_loop3A_226 = arith.index_cast %parallel_loop3A_181 : i32 to index
      %parallel_loop3A_227 = arith.constant 32 : index
      %parallel_loop3A_228 = tpu.vector_load %arg6[%parallel_loop3A_226, %parallel_loop3A_227] {strides = array<i32>} : memref<320x64xi32, #tpu.memory_space<vmem>>, vector<1x16xi32>,
      %parallel_loop3A_229 = vector.shape_cast %parallel_loop3A_228 : vector<1x16xi32> to vector<16xi32>
      %parallel_loop3A_230 = arith.constant 16 : i32
      %parallel_loop3A_231 = vector.broadcast %parallel_loop3A_230 : i32 to vector<16xi32>
      %parallel_loop3A_232 = arith.shli %parallel_loop3A_229, %parallel_loop3A_231 : vector<16xi32>
      %parallel_loop3A_233 = tpu.bitcast %parallel_loop3A_232 : vector<16xi32> -> vector<16xf32>
      %parallel_loop3A_234 = arith.constant -65536 : i32
      %parallel_loop3A_235 = vector.broadcast %parallel_loop3A_234 : i32 to vector<16xi32>
      %parallel_loop3A_236 = arith.andi %parallel_loop3A_229, %parallel_loop3A_235 : vector<16xi32>
      %parallel_loop3A_237 = tpu.bitcast %parallel_loop3A_236 : vector<16xi32> -> vector<16xf32>
      %parallel_loop3A_238 = arith.index_cast %parallel_loop3A_180 : i32 to index
      %parallel_loop3A_239 = arith.constant 64 : index
      %parallel_loop3A_240 = tpu.vector_load %arg12[%parallel_loop3A_238, %parallel_loop3A_239] {strides = array<i32>} : memref<128x128xf32, #tpu.memory_space<vmem>>, vector<1x16xf32>,
      %parallel_loop3A_241 = vector.shape_cast %parallel_loop3A_240 : vector<1x16xf32> to vector<16xf32>
      %parallel_loop3A_242 = vector.shape_cast %parallel_loop3A_233 : vector<16xf32> to vector<1x16xf32>
      tpu.vector_store %arg12[%parallel_loop3A_238, %parallel_loop3A_239], %parallel_loop3A_242 {add = true, strides = array<i32>} : memref<128x128xf32, #tpu.memory_space<vmem>>, vector<1x16xf32>,
      %parallel_loop3A_243 = arith.index_cast %parallel_loop3A_180 : i32 to index
      %parallel_loop3A_244 = arith.constant 80 : index
      %parallel_loop3A_245 = tpu.vector_load %arg12[%parallel_loop3A_243, %parallel_loop3A_244] {strides = array<i32>} : memref<128x128xf32, #tpu.memory_space<vmem>>, vector<1x16xf32>,
      %parallel_loop3A_246 = vector.shape_cast %parallel_loop3A_245 : vector<1x16xf32> to vector<16xf32>
      %parallel_loop3A_247 = vector.shape_cast %parallel_loop3A_237 : vector<16xf32> to vector<1x16xf32>
      tpu.vector_store %arg12[%parallel_loop3A_243, %parallel_loop3A_244], %parallel_loop3A_247 {add = true, strides = array<i32>} : memref<128x128xf32, #tpu.memory_space<vmem>>, vector<1x16xf32>,
      %parallel_loop3A_248 = arith.index_cast %parallel_loop3A_181 : i32 to index
      %parallel_loop3A_249 = arith.constant 48 : index
      %parallel_loop3A_250 = tpu.vector_load %arg6[%parallel_loop3A_248, %parallel_loop3A_249] {strides = array<i32>} : memref<320x64xi32, #tpu.memory_space<vmem>>, vector<1x16xi32>,
      %parallel_loop3A_251 = vector.shape_cast %parallel_loop3A_250 : vector<1x16xi32> to vector<16xi32>
      %parallel_loop3A_252 = arith.constant 16 : i32
      %parallel_loop3A_253 = vector.broadcast %parallel_loop3A_252 : i32 to vector<16xi32>
      %parallel_loop3A_254 = arith.shli %parallel_loop3A_251, %parallel_loop3A_253 : vector<16xi32>
      %parallel_loop3A_255 = tpu.bitcast %parallel_loop3A_254 : vector<16xi32> -> vector<16xf32>
      %parallel_loop3A_256 = arith.constant -65536 : i32
      %parallel_loop3A_257 = vector.broadcast %parallel_loop3A_256 : i32 to vector<16xi32>
      %parallel_loop3A_258 = arith.andi %parallel_loop3A_251, %parallel_loop3A_257 : vector<16xi32>
      %parallel_loop3A_259 = tpu.bitcast %parallel_loop3A_258 : vector<16xi32> -> vector<16xf32>
      %parallel_loop3A_260 = arith.index_cast %parallel_loop3A_180 : i32 to index
      %parallel_loop3A_261 = arith.constant 96 : index
      %parallel_loop3A_262 = tpu.vector_load %arg12[%parallel_loop3A_260, %parallel_loop3A_261] {strides = array<i32>} : memref<128x128xf32, #tpu.memory_space<vmem>>, vector<1x16xf32>,
      %parallel_loop3A_263 = vector.shape_cast %parallel_loop3A_262 : vector<1x16xf32> to vector<16xf32>
      %parallel_loop3A_264 = vector.shape_cast %parallel_loop3A_255 : vector<16xf32> to vector<1x16xf32>
      tpu.vector_store %arg12[%parallel_loop3A_260, %parallel_loop3A_261], %parallel_loop3A_264 {add = true, strides = array<i32>} : memref<128x128xf32, #tpu.memory_space<vmem>>, vector<1x16xf32>,
      %parallel_loop3A_265 = arith.index_cast %parallel_loop3A_180 : i32 to index
      %parallel_loop3A_266 = arith.constant 112 : index
      %parallel_loop3A_267 = tpu.vector_load %arg12[%parallel_loop3A_265, %parallel_loop3A_266] {strides = array<i32>} : memref<128x128xf32, #tpu.memory_space<vmem>>, vector<1x16xf32>,
      %parallel_loop3A_268 = vector.shape_cast %parallel_loop3A_267 : vector<1x16xf32> to vector<16xf32>
      %parallel_loop3A_269 = vector.shape_cast %parallel_loop3A_259 : vector<16xf32> to vector<1x16xf32>
      tpu.vector_store %arg12[%parallel_loop3A_265, %parallel_loop3A_266], %parallel_loop3A_269 {add = true, strides = array<i32>} : memref<128x128xf32, #tpu.memory_space<vmem>>, vector<1x16xf32>,
    } {sc.loop_unroll_factor = 4 : i64, sc.parallel_access}
    %add3A_144 = arith.constant 512 : i32
    %add3A_145 = arith.addi %mul3A_2, %add3A_144 : i32
    %dma_start3A_146 = arith.constant 0 : i32
    %dma_start3A_147 = tpu.memref_slice %arg5[%add3A_145, %dma_start3A_146] : memref<204800x128xf32, #tpu.memory_space<hbm>> -> memref<128x128xf32, #tpu.memory_space<hbm>>
    %dma_start3A_148 = arith.constant 0 : i32
    %dma_start3A_149 = tpu.memref_slice %arg5[%add3A_145, %dma_start3A_148] : memref<204800x128xf32, #tpu.memory_space<hbm>> -> memref<128x128xf32, #tpu.memory_space<hbm>>
    tpu.enqueue_dma source(%arg12 : memref<128x128xf32, #tpu.memory_space<vmem>>) target(%dma_start3A_149 : memref<128x128xf32, #tpu.memory_space<hbm>>) target_semaphore(%arg22 : memref<!tpu.dma_semaphore, #tpu.memory_space<semaphore_mem>>)
    %dma_wait3A_150 = arith.constant 0 : i32
    %dma_wait3A_151 = arith.constant 0 : i32
    %dma_wait3A_152 = tpu.memref_slice %arg5[%dma_wait3A_150, %dma_wait3A_151] : memref<204800x128xf32, #tpu.memory_space<hbm>> -> memref<128x128xf32, #tpu.memory_space<hbm>>
    %dma_wait3A_153 = arith.constant 0 : i32
    %dma_wait3A_154 = arith.constant 0 : i32
    %dma_wait3A_155 = tpu.memref_slice %arg5[%dma_wait3A_153, %dma_wait3A_154] : memref<204800x128xf32, #tpu.memory_space<hbm>> -> memref<128x128xf32, #tpu.memory_space<hbm>>
    tpu.wait_dma2 semaphore(%arg20 : memref<!tpu.dma_semaphore, #tpu.memory_space<semaphore_mem>>) src(%arg10 : memref<128x128xf32, #tpu.memory_space<vmem>>) dst(%dma_wait3A_155 : memref<128x128xf32, #tpu.memory_space<hbm>>)
    %dma_start3A_156 = arith.constant 7 : i32
    %dma_start3A_157 = arith.constant 0 : i32
    %dma_start3A_158 = tpu.memref_slice %arg7[%dma_start3A_156, %dma_start3A_157] : memref<50x128xi32, #tpu.memory_space<vmem>> -> memref<1x128xi32, #tpu.memory_space<vmem>>
    %dma_start3A_159 = tpu.memref_squeeze %dma_start3A_158 : memref<1x128xi32, #tpu.memory_space<vmem>> -> memref<128xi32, #tpu.memory_space<vmem>>
    %dma_start3A_160 = arith.constant 0 : i32
    %dma_start3A_161 = arith.constant 0 : i32
    %dma_start3A_162 = tpu.memref_slice %arg3[%dma_start3A_160, %dma_start3A_161] : memref<1000000x128xf32, #tpu.memory_space<hbm>> -> memref<1000000x128xf32, #tpu.memory_space<hbm>>
    tpu.enqueue_indirect_dma source(%dma_start3A_162 : memref<1000000x128xf32, #tpu.memory_space<hbm>>) target(%arg10 : memref<128x128xf32, #tpu.memory_space<vmem>>) offsets(%dma_start3A_159 : memref<128xi32, #tpu.memory_space<vmem>>) semaphore(%arg15 : memref<!tpu.dma_semaphore, #tpu.memory_space<semaphore_mem>>)
    %scan3A = arith.constant 0 : i32
    %scan3A_163 = arith.constant 1 : i32
    %scan3A_164 = arith.constant 9 : i32
    %scan3A_165 = arith.addi %scan3A_163, %scan3A_164 : i32
    %scan3A_166 = arith.constant 1 : i32
    scf.for %scan3A_180 = %scan3A_163 to %scan3A_165 step %scan3A_166  : i32 {
      %mul3A_181 = arith.constant 5 : i32
      %mul3A_182 = arith.muli %scan3A_180, %mul3A_181 : i32
      %add3A_183 = arith.constant 0 : i32
      %add3A_184 = arith.addi %mul3A_182, %add3A_183 : i32
      %dma_wait3A_185 = arith.constant 0 : i32
      %dma_wait3A_186 = arith.constant 0 : i32
      %dma_wait3A_187 = tpu.memref_slice %arg3[%dma_wait3A_185, %dma_wait3A_186] : memref<1000000x128xf32, #tpu.memory_space<hbm>> -> memref<128x128xf32, #tpu.memory_space<hbm>>
      %dma_wait3A_188 = arith.constant 0 : i32
      %dma_wait3A_189 = arith.constant 0 : i32
      %dma_wait3A_190 = tpu.memref_slice %arg3[%dma_wait3A_188, %dma_wait3A_189] : memref<1000000x128xf32, #tpu.memory_space<hbm>> -> memref<128x128xf32, #tpu.memory_space<hbm>>
      tpu.wait_dma2 semaphore(%arg13 : memref<!tpu.dma_semaphore, #tpu.memory_space<semaphore_mem>>) src(%dma_wait3A_190 : memref<128x128xf32, #tpu.memory_space<hbm>>) dst(%arg8 : memref<128x128xf32, #tpu.memory_space<vmem>>)
      %mul3A_191 = arith.constant 128 : i32
      %mul3A_192 = arith.muli %add3A_184, %mul3A_191 : i32
      %rem3A_193 = arith.constant 200 : i32
      %rem3A_194 = arith.remsi %mul3A_192, %rem3A_193 : i32
      %parallel_loop3A_195 = arith.constant 0 : i32
      %parallel_loop3A_196 = arith.constant 128 : i32
      %parallel_loop3A_197 = arith.constant 1 : i32
      scf.for %parallel_loop3A_355 = %parallel_loop3A_195 to %parallel_loop3A_196 step %parallel_loop3A_197  : i32 {
        %parallel_loop3A_356 = arith.addi %rem3A_194, %parallel_loop3A_355 : i32
        %parallel_loop3A_357 = arith.index_cast %parallel_loop3A_356 : i32 to index
        %parallel_loop3A_358 = arith.constant 0 : index
        %parallel_loop3A_359 = tpu.vector_load %arg6[%parallel_loop3A_357, %parallel_loop3A_358] {strides = array<i32>} : memref<320x64xi32, #tpu.memory_space<vmem>>, vector<1x16xi32>,
        %parallel_loop3A_360 = vector.shape_cast %parallel_loop3A_359 : vector<1x16xi32> to vector<16xi32>
        %parallel_loop3A_361 = arith.constant 16 : i32
        %parallel_loop3A_362 = vector.broadcast %parallel_loop3A_361 : i32 to vector<16xi32>
        %parallel_loop3A_363 = arith.shli %parallel_loop3A_360, %parallel_loop3A_362 : vector<16xi32>
        %parallel_loop3A_364 = tpu.bitcast %parallel_loop3A_363 : vector<16xi32> -> vector<16xf32>
        %parallel_loop3A_365 = arith.constant -65536 : i32
        %parallel_loop3A_366 = vector.broadcast %parallel_loop3A_365 : i32 to vector<16xi32>
        %parallel_loop3A_367 = arith.andi %parallel_loop3A_360, %parallel_loop3A_366 : vector<16xi32>
        %parallel_loop3A_368 = tpu.bitcast %parallel_loop3A_367 : vector<16xi32> -> vector<16xf32>
        %parallel_loop3A_369 = arith.index_cast %parallel_loop3A_355 : i32 to index
        %parallel_loop3A_370 = arith.constant 0 : index
        %parallel_loop3A_371 = tpu.vector_load %arg8[%parallel_loop3A_369, %parallel_loop3A_370] {strides = array<i32>} : memref<128x128xf32, #tpu.memory_space<vmem>>, vector<1x16xf32>,
        %parallel_loop3A_372 = vector.shape_cast %parallel_loop3A_371 : vector<1x16xf32> to vector<16xf32>
        %parallel_loop3A_373 = vector.shape_cast %parallel_loop3A_364 : vector<16xf32> to vector<1x16xf32>
        tpu.vector_store %arg8[%parallel_loop3A_369, %parallel_loop3A_370], %parallel_loop3A_373 {add = true, strides = array<i32>} : memref<128x128xf32, #tpu.memory_space<vmem>>, vector<1x16xf32>,
        %parallel_loop3A_374 = arith.index_cast %parallel_loop3A_355 : i32 to index
        %parallel_loop3A_375 = arith.constant 16 : index
        %parallel_loop3A_376 = tpu.vector_load %arg8[%parallel_loop3A_374, %parallel_loop3A_375] {strides = array<i32>} : memref<128x128xf32, #tpu.memory_space<vmem>>, vector<1x16xf32>,
        %parallel_loop3A_377 = vector.shape_cast %parallel_loop3A_376 : vector<1x16xf32> to vector<16xf32>
        %parallel_loop3A_378 = vector.shape_cast %parallel_loop3A_368 : vector<16xf32> to vector<1x16xf32>
        tpu.vector_store %arg8[%parallel_loop3A_374, %parallel_loop3A_375], %parallel_loop3A_378 {add = true, strides = array<i32>} : memref<128x128xf32, #tpu.memory_space<vmem>>, vector<1x16xf32>,
        %parallel_loop3A_379 = arith.index_cast %parallel_loop3A_356 : i32 to index
        %parallel_loop3A_380 = arith.constant 16 : index
        %parallel_loop3A_381 = tpu.vector_load %arg6[%parallel_loop3A_379, %parallel_loop3A_380] {strides = array<i32>} : memref<320x64xi32, #tpu.memory_space<vmem>>, vector<1x16xi32>,
        %parallel_loop3A_382 = vector.shape_cast %parallel_loop3A_381 : vector<1x16xi32> to vector<16xi32>
        %parallel_loop3A_383 = arith.constant 16 : i32
        %parallel_loop3A_384 = vector.broadcast %parallel_loop3A_383 : i32 to vector<16xi32>
        %parallel_loop3A_385 = arith.shli %parallel_loop3A_382, %parallel_loop3A_384 : vector<16xi32>
        %parallel_loop3A_386 = tpu.bitcast %parallel_loop3A_385 : vector<16xi32> -> vector<16xf32>
        %parallel_loop3A_387 = arith.constant -65536 : i32
        %parallel_loop3A_388 = vector.broadcast %parallel_loop3A_387 : i32 to vector<16xi32>
        %parallel_loop3A_389 = arith.andi %parallel_loop3A_382, %parallel_loop3A_388 : vector<16xi32>
        %parallel_loop3A_390 = tpu.bitcast %parallel_loop3A_389 : vector<16xi32> -> vector<16xf32>
        %parallel_loop3A_391 = arith.index_cast %parallel_loop3A_355 : i32 to index
        %parallel_loop3A_392 = arith.constant 32 : index
        %parallel_loop3A_393 = tpu.vector_load %arg8[%parallel_loop3A_391, %parallel_loop3A_392] {strides = array<i32>} : memref<128x128xf32, #tpu.memory_space<vmem>>, vector<1x16xf32>,
        %parallel_loop3A_394 = vector.shape_cast %parallel_loop3A_393 : vector<1x16xf32> to vector<16xf32>
        %parallel_loop3A_395 = vector.shape_cast %parallel_loop3A_386 : vector<16xf32> to vector<1x16xf32>
        tpu.vector_store %arg8[%parallel_loop3A_391, %parallel_loop3A_392], %parallel_loop3A_395 {add = true, strides = array<i32>} : memref<128x128xf32, #tpu.memory_space<vmem>>, vector<1x16xf32>,
        %parallel_loop3A_396 = arith.index_cast %parallel_loop3A_355 : i32 to index
        %parallel_loop3A_397 = arith.constant 48 : index
        %parallel_loop3A_398 = tpu.vector_load %arg8[%parallel_loop3A_396, %parallel_loop3A_397] {strides = array<i32>} : memref<128x128xf32, #tpu.memory_space<vmem>>, vector<1x16xf32>,
        %parallel_loop3A_399 = vector.shape_cast %parallel_loop3A_398 : vector<1x16xf32> to vector<16xf32>
        %parallel_loop3A_400 = vector.shape_cast %parallel_loop3A_390 : vector<16xf32> to vector<1x16xf32>
        tpu.vector_store %arg8[%parallel_loop3A_396, %parallel_loop3A_397], %parallel_loop3A_400 {add = true, strides = array<i32>} : memref<128x128xf32, #tpu.memory_space<vmem>>, vector<1x16xf32>,
        %parallel_loop3A_401 = arith.index_cast %parallel_loop3A_356 : i32 to index
        %parallel_loop3A_402 = arith.constant 32 : index
        %parallel_loop3A_403 = tpu.vector_load %arg6[%parallel_loop3A_401, %parallel_loop3A_402] {strides = array<i32>} : memref<320x64xi32, #tpu.memory_space<vmem>>, vector<1x16xi32>,
        %parallel_loop3A_404 = vector.shape_cast %parallel_loop3A_403 : vector<1x16xi32> to vector<16xi32>
        %parallel_loop3A_405 = arith.constant 16 : i32
        %parallel_loop3A_406 = vector.broadcast %parallel_loop3A_405 : i32 to vector<16xi32>
        %parallel_loop3A_407 = arith.shli %parallel_loop3A_404, %parallel_loop3A_406 : vector<16xi32>
        %parallel_loop3A_408 = tpu.bitcast %parallel_loop3A_407 : vector<16xi32> -> vector<16xf32>
        %parallel_loop3A_409 = arith.constant -65536 : i32
        %parallel_loop3A_410 = vector.broadcast %parallel_loop3A_409 : i32 to vector<16xi32>
        %parallel_loop3A_411 = arith.andi %parallel_loop3A_404, %parallel_loop3A_410 : vector<16xi32>
        %parallel_loop3A_412 = tpu.bitcast %parallel_loop3A_411 : vector<16xi32> -> vector<16xf32>
        %parallel_loop3A_413 = arith.index_cast %parallel_loop3A_355 : i32 to index
        %parallel_loop3A_414 = arith.constant 64 : index
        %parallel_loop3A_415 = tpu.vector_load %arg8[%parallel_loop3A_413, %parallel_loop3A_414] {strides = array<i32>} : memref<128x128xf32, #tpu.memory_space<vmem>>, vector<1x16xf32>,
        %parallel_loop3A_416 = vector.shape_cast %parallel_loop3A_415 : vector<1x16xf32> to vector<16xf32>
        %parallel_loop3A_417 = vector.shape_cast %parallel_loop3A_408 : vector<16xf32> to vector<1x16xf32>
        tpu.vector_store %arg8[%parallel_loop3A_413, %parallel_loop3A_414], %parallel_loop3A_417 {add = true, strides = array<i32>} : memref<128x128xf32, #tpu.memory_space<vmem>>, vector<1x16xf32>,
        %parallel_loop3A_418 = arith.index_cast %parallel_loop3A_355 : i32 to index
        %parallel_loop3A_419 = arith.constant 80 : index
        %parallel_loop3A_420 = tpu.vector_load %arg8[%parallel_loop3A_418, %parallel_loop3A_419] {strides = array<i32>} : memref<128x128xf32, #tpu.memory_space<vmem>>, vector<1x16xf32>,
        %parallel_loop3A_421 = vector.shape_cast %parallel_loop3A_420 : vector<1x16xf32> to vector<16xf32>
        %parallel_loop3A_422 = vector.shape_cast %parallel_loop3A_412 : vector<16xf32> to vector<1x16xf32>
        tpu.vector_store %arg8[%parallel_loop3A_418, %parallel_loop3A_419], %parallel_loop3A_422 {add = true, strides = array<i32>} : memref<128x128xf32, #tpu.memory_space<vmem>>, vector<1x16xf32>,
        %parallel_loop3A_423 = arith.index_cast %parallel_loop3A_356 : i32 to index
        %parallel_loop3A_424 = arith.constant 48 : index
        %parallel_loop3A_425 = tpu.vector_load %arg6[%parallel_loop3A_423, %parallel_loop3A_424] {strides = array<i32>} : memref<320x64xi32, #tpu.memory_space<vmem>>, vector<1x16xi32>,
        %parallel_loop3A_426 = vector.shape_cast %parallel_loop3A_425 : vector<1x16xi32> to vector<16xi32>
        %parallel_loop3A_427 = arith.constant 16 : i32
        %parallel_loop3A_428 = vector.broadcast %parallel_loop3A_427 : i32 to vector<16xi32>
        %parallel_loop3A_429 = arith.shli %parallel_loop3A_426, %parallel_loop3A_428 : vector<16xi32>
        %parallel_loop3A_430 = tpu.bitcast %parallel_loop3A_429 : vector<16xi32> -> vector<16xf32>
        %parallel_loop3A_431 = arith.constant -65536 : i32
        %parallel_loop3A_432 = vector.broadcast %parallel_loop3A_431 : i32 to vector<16xi32>
        %parallel_loop3A_433 = arith.andi %parallel_loop3A_426, %parallel_loop3A_432 : vector<16xi32>
        %parallel_loop3A_434 = tpu.bitcast %parallel_loop3A_433 : vector<16xi32> -> vector<16xf32>
        %parallel_loop3A_435 = arith.index_cast %parallel_loop3A_355 : i32 to index
        %parallel_loop3A_436 = arith.constant 96 : index
        %parallel_loop3A_437 = tpu.vector_load %arg8[%parallel_loop3A_435, %parallel_loop3A_436] {strides = array<i32>} : memref<128x128xf32, #tpu.memory_space<vmem>>, vector<1x16xf32>,
        %parallel_loop3A_438 = vector.shape_cast %parallel_loop3A_437 : vector<1x16xf32> to vector<16xf32>
        %parallel_loop3A_439 = vector.shape_cast %parallel_loop3A_430 : vector<16xf32> to vector<1x16xf32>
        tpu.vector_store %arg8[%parallel_loop3A_435, %parallel_loop3A_436], %parallel_loop3A_439 {add = true, strides = array<i32>} : memref<128x128xf32, #tpu.memory_space<vmem>>, vector<1x16xf32>,
        %parallel_loop3A_440 = arith.index_cast %parallel_loop3A_355 : i32 to index
        %parallel_loop3A_441 = arith.constant 112 : index
        %parallel_loop3A_442 = tpu.vector_load %arg8[%parallel_loop3A_440, %parallel_loop3A_441] {strides = array<i32>} : memref<128x128xf32, #tpu.memory_space<vmem>>, vector<1x16xf32>,
        %parallel_loop3A_443 = vector.shape_cast %parallel_loop3A_442 : vector<1x16xf32> to vector<16xf32>
        %parallel_loop3A_444 = vector.shape_cast %parallel_loop3A_434 : vector<16xf32> to vector<1x16xf32>
        tpu.vector_store %arg8[%parallel_loop3A_440, %parallel_loop3A_441], %parallel_loop3A_444 {add = true, strides = array<i32>} : memref<128x128xf32, #tpu.memory_space<vmem>>, vector<1x16xf32>,
      } {sc.loop_unroll_factor = 4 : i64, sc.parallel_access}
      %mul3A_198 = arith.constant 128 : i32
      %mul3A_199 = arith.muli %add3A_184, %mul3A_198 : i32
      %add3A_200 = arith.addi %mul3A_2, %mul3A_199 : i32
      %dma_start3A_201 = arith.constant 0 : i32
      %dma_start3A_202 = tpu.memref_slice %arg5[%add3A_200, %dma_start3A_201] : memref<204800x128xf32, #tpu.memory_space<hbm>> -> memref<128x128xf32, #tpu.memory_space<hbm>>
      %dma_start3A_203 = arith.constant 0 : i32
      %dma_start3A_204 = tpu.memref_slice %arg5[%add3A_200, %dma_start3A_203] : memref<204800x128xf32, #tpu.memory_space<hbm>> -> memref<128x128xf32, #tpu.memory_space<hbm>>
      tpu.enqueue_dma source(%arg8 : memref<128x128xf32, #tpu.memory_space<vmem>>) target(%dma_start3A_204 : memref<128x128xf32, #tpu.memory_space<hbm>>) target_semaphore(%arg18 : memref<!tpu.dma_semaphore, #tpu.memory_space<semaphore_mem>>)
      %dma_wait3A_205 = arith.constant 0 : i32
      %dma_wait3A_206 = arith.constant 0 : i32
      %dma_wait3A_207 = tpu.memref_slice %arg5[%dma_wait3A_205, %dma_wait3A_206] : memref<204800x128xf32, #tpu.memory_space<hbm>> -> memref<128x128xf32, #tpu.memory_space<hbm>>
      %dma_wait3A_208 = arith.constant 0 : i32
      %dma_wait3A_209 = arith.constant 0 : i32
      %dma_wait3A_210 = tpu.memref_slice %arg5[%dma_wait3A_208, %dma_wait3A_209] : memref<204800x128xf32, #tpu.memory_space<hbm>> -> memref<128x128xf32, #tpu.memory_space<hbm>>
      tpu.wait_dma2 semaphore(%arg21 : memref<!tpu.dma_semaphore, #tpu.memory_space<semaphore_mem>>) src(%arg11 : memref<128x128xf32, #tpu.memory_space<vmem>>) dst(%dma_wait3A_210 : memref<128x128xf32, #tpu.memory_space<hbm>>)
      %add3A_211 = arith.constant 3 : i32
      %add3A_212 = arith.addi %add3A_184, %add3A_211 : i32
      %lt3A = arith.constant 50 : i32
      %lt3A_213 = arith.cmpi slt, %add3A_212, %lt3A : i32
      %convert_element_type3A = arith.extui %lt3A_213 : i1 to i32
      %cond3A = arith.constant 0 : i32
      %cond3A_214 = arith.cmpi ne, %convert_element_type3A, %cond3A : i32
      scf.if %cond3A_214 {
        %add3A_355 = arith.constant 3 : i32
        %add3A_356 = arith.addi %add3A_184, %add3A_355 : i32
        %dma_start3A_357 = arith.constant 0 : i32
        %dma_start3A_358 = tpu.memref_slice %arg7[%add3A_356, %dma_start3A_357] : memref<50x128xi32, #tpu.memory_space<vmem>> -> memref<1x128xi32, #tpu.memory_space<vmem>>
        %dma_start3A_359 = tpu.memref_squeeze %dma_start3A_358 : memref<1x128xi32, #tpu.memory_space<vmem>> -> memref<128xi32, #tpu.memory_space<vmem>>
        %dma_start3A_360 = arith.constant 0 : i32
        %dma_start3A_361 = arith.constant 0 : i32
        %dma_start3A_362 = tpu.memref_slice %arg3[%dma_start3A_360, %dma_start3A_361] : memref<1000000x128xf32, #tpu.memory_space<hbm>> -> memref<1000000x128xf32, #tpu.memory_space<hbm>>
        tpu.enqueue_indirect_dma source(%dma_start3A_362 : memref<1000000x128xf32, #tpu.memory_space<hbm>>) target(%arg11 : memref<128x128xf32, #tpu.memory_space<vmem>>) offsets(%dma_start3A_359 : memref<128xi32, #tpu.memory_space<vmem>>) semaphore(%arg16 : memref<!tpu.dma_semaphore, #tpu.memory_space<semaphore_mem>>)
      } else {
      }
      %add3A_215 = arith.constant 1 : i32
      %add3A_216 = arith.addi %mul3A_182, %add3A_215 : i32
      %dma_wait3A_217 = arith.constant 0 : i32
      %dma_wait3A_218 = arith.constant 0 : i32
      %dma_wait3A_219 = tpu.memref_slice %arg3[%dma_wait3A_217, %dma_wait3A_218] : memref<1000000x128xf32, #tpu.memory_space<hbm>> -> memref<128x128xf32, #tpu.memory_space<hbm>>
      %dma_wait3A_220 = arith.constant 0 : i32
      %dma_wait3A_221 = arith.constant 0 : i32
      %dma_wait3A_222 = tpu.memref_slice %arg3[%dma_wait3A_220, %dma_wait3A_221] : memref<1000000x128xf32, #tpu.memory_space<hbm>> -> memref<128x128xf32, #tpu.memory_space<hbm>>
      tpu.wait_dma2 semaphore(%arg14 : memref<!tpu.dma_semaphore, #tpu.memory_space<semaphore_mem>>) src(%dma_wait3A_222 : memref<128x128xf32, #tpu.memory_space<hbm>>) dst(%arg9 : memref<128x128xf32, #tpu.memory_space<vmem>>)
      %mul3A_223 = arith.constant 128 : i32
      %mul3A_224 = arith.muli %add3A_216, %mul3A_223 : i32
      %rem3A_225 = arith.constant 200 : i32
      %rem3A_226 = arith.remsi %mul3A_224, %rem3A_225 : i32
      %parallel_loop3A_227 = arith.constant 0 : i32
      %parallel_loop3A_228 = arith.constant 128 : i32
      %parallel_loop3A_229 = arith.constant 1 : i32
      scf.for %parallel_loop3A_355 = %parallel_loop3A_227 to %parallel_loop3A_228 step %parallel_loop3A_229  : i32 {
        %parallel_loop3A_356 = arith.addi %rem3A_226, %parallel_loop3A_355 : i32
        %parallel_loop3A_357 = arith.index_cast %parallel_loop3A_356 : i32 to index
        %parallel_loop3A_358 = arith.constant 0 : index
        %parallel_loop3A_359 = tpu.vector_load %arg6[%parallel_loop3A_357, %parallel_loop3A_358] {strides = array<i32>} : memref<320x64xi32, #tpu.memory_space<vmem>>, vector<1x16xi32>,
        %parallel_loop3A_360 = vector.shape_cast %parallel_loop3A_359 : vector<1x16xi32> to vector<16xi32>
        %parallel_loop3A_361 = arith.constant 16 : i32
        %parallel_loop3A_362 = vector.broadcast %parallel_loop3A_361 : i32 to vector<16xi32>
        %parallel_loop3A_363 = arith.shli %parallel_loop3A_360, %parallel_loop3A_362 : vector<16xi32>
        %parallel_loop3A_364 = tpu.bitcast %parallel_loop3A_363 : vector<16xi32> -> vector<16xf32>
        %parallel_loop3A_365 = arith.constant -65536 : i32
        %parallel_loop3A_366 = vector.broadcast %parallel_loop3A_365 : i32 to vector<16xi32>
        %parallel_loop3A_367 = arith.andi %parallel_loop3A_360, %parallel_loop3A_366 : vector<16xi32>
        %parallel_loop3A_368 = tpu.bitcast %parallel_loop3A_367 : vector<16xi32> -> vector<16xf32>
        %parallel_loop3A_369 = arith.index_cast %parallel_loop3A_355 : i32 to index
        %parallel_loop3A_370 = arith.constant 0 : index
        %parallel_loop3A_371 = tpu.vector_load %arg9[%parallel_loop3A_369, %parallel_loop3A_370] {strides = array<i32>} : memref<128x128xf32, #tpu.memory_space<vmem>>, vector<1x16xf32>,
        %parallel_loop3A_372 = vector.shape_cast %parallel_loop3A_371 : vector<1x16xf32> to vector<16xf32>
        %parallel_loop3A_373 = vector.shape_cast %parallel_loop3A_364 : vector<16xf32> to vector<1x16xf32>
        tpu.vector_store %arg9[%parallel_loop3A_369, %parallel_loop3A_370], %parallel_loop3A_373 {add = true, strides = array<i32>} : memref<128x128xf32, #tpu.memory_space<vmem>>, vector<1x16xf32>,
        %parallel_loop3A_374 = arith.index_cast %parallel_loop3A_355 : i32 to index
        %parallel_loop3A_375 = arith.constant 16 : index
        %parallel_loop3A_376 = tpu.vector_load %arg9[%parallel_loop3A_374, %parallel_loop3A_375] {strides = array<i32>} : memref<128x128xf32, #tpu.memory_space<vmem>>, vector<1x16xf32>,
        %parallel_loop3A_377 = vector.shape_cast %parallel_loop3A_376 : vector<1x16xf32> to vector<16xf32>
        %parallel_loop3A_378 = vector.shape_cast %parallel_loop3A_368 : vector<16xf32> to vector<1x16xf32>
        tpu.vector_store %arg9[%parallel_loop3A_374, %parallel_loop3A_375], %parallel_loop3A_378 {add = true, strides = array<i32>} : memref<128x128xf32, #tpu.memory_space<vmem>>, vector<1x16xf32>,
        %parallel_loop3A_379 = arith.index_cast %parallel_loop3A_356 : i32 to index
        %parallel_loop3A_380 = arith.constant 16 : index
        %parallel_loop3A_381 = tpu.vector_load %arg6[%parallel_loop3A_379, %parallel_loop3A_380] {strides = array<i32>} : memref<320x64xi32, #tpu.memory_space<vmem>>, vector<1x16xi32>,
        %parallel_loop3A_382 = vector.shape_cast %parallel_loop3A_381 : vector<1x16xi32> to vector<16xi32>
        %parallel_loop3A_383 = arith.constant 16 : i32
        %parallel_loop3A_384 = vector.broadcast %parallel_loop3A_383 : i32 to vector<16xi32>
        %parallel_loop3A_385 = arith.shli %parallel_loop3A_382, %parallel_loop3A_384 : vector<16xi32>
        %parallel_loop3A_386 = tpu.bitcast %parallel_loop3A_385 : vector<16xi32> -> vector<16xf32>
        %parallel_loop3A_387 = arith.constant -65536 : i32
        %parallel_loop3A_388 = vector.broadcast %parallel_loop3A_387 : i32 to vector<16xi32>
        %parallel_loop3A_389 = arith.andi %parallel_loop3A_382, %parallel_loop3A_388 : vector<16xi32>
        %parallel_loop3A_390 = tpu.bitcast %parallel_loop3A_389 : vector<16xi32> -> vector<16xf32>
        %parallel_loop3A_391 = arith.index_cast %parallel_loop3A_355 : i32 to index
        %parallel_loop3A_392 = arith.constant 32 : index
        %parallel_loop3A_393 = tpu.vector_load %arg9[%parallel_loop3A_391, %parallel_loop3A_392] {strides = array<i32>} : memref<128x128xf32, #tpu.memory_space<vmem>>, vector<1x16xf32>,
        %parallel_loop3A_394 = vector.shape_cast %parallel_loop3A_393 : vector<1x16xf32> to vector<16xf32>
        %parallel_loop3A_395 = vector.shape_cast %parallel_loop3A_386 : vector<16xf32> to vector<1x16xf32>
        tpu.vector_store %arg9[%parallel_loop3A_391, %parallel_loop3A_392], %parallel_loop3A_395 {add = true, strides = array<i32>} : memref<128x128xf32, #tpu.memory_space<vmem>>, vector<1x16xf32>,
        %parallel_loop3A_396 = arith.index_cast %parallel_loop3A_355 : i32 to index
        %parallel_loop3A_397 = arith.constant 48 : index
        %parallel_loop3A_398 = tpu.vector_load %arg9[%parallel_loop3A_396, %parallel_loop3A_397] {strides = array<i32>} : memref<128x128xf32, #tpu.memory_space<vmem>>, vector<1x16xf32>,
        %parallel_loop3A_399 = vector.shape_cast %parallel_loop3A_398 : vector<1x16xf32> to vector<16xf32>
        %parallel_loop3A_400 = vector.shape_cast %parallel_loop3A_390 : vector<16xf32> to vector<1x16xf32>
        tpu.vector_store %arg9[%parallel_loop3A_396, %parallel_loop3A_397], %parallel_loop3A_400 {add = true, strides = array<i32>} : memref<128x128xf32, #tpu.memory_space<vmem>>, vector<1x16xf32>,
        %parallel_loop3A_401 = arith.index_cast %parallel_loop3A_356 : i32 to index
        %parallel_loop3A_402 = arith.constant 32 : index
        %parallel_loop3A_403 = tpu.vector_load %arg6[%parallel_loop3A_401, %parallel_loop3A_402] {strides = array<i32>} : memref<320x64xi32, #tpu.memory_space<vmem>>, vector<1x16xi32>,
        %parallel_loop3A_404 = vector.shape_cast %parallel_loop3A_403 : vector<1x16xi32> to vector<16xi32>
        %parallel_loop3A_405 = arith.constant 16 : i32
        %parallel_loop3A_406 = vector.broadcast %parallel_loop3A_405 : i32 to vector<16xi32>
        %parallel_loop3A_407 = arith.shli %parallel_loop3A_404, %parallel_loop3A_406 : vector<16xi32>
        %parallel_loop3A_408 = tpu.bitcast %parallel_loop3A_407 : vector<16xi32> -> vector<16xf32>
        %parallel_loop3A_409 = arith.constant -65536 : i32
        %parallel_loop3A_410 = vector.broadcast %parallel_loop3A_409 : i32 to vector<16xi32>
        %parallel_loop3A_411 = arith.andi %parallel_loop3A_404, %parallel_loop3A_410 : vector<16xi32>
        %parallel_loop3A_412 = tpu.bitcast %parallel_loop3A_411 : vector<16xi32> -> vector<16xf32>
        %parallel_loop3A_413 = arith.index_cast %parallel_loop3A_355 : i32 to index
        %parallel_loop3A_414 = arith.constant 64 : index
        %parallel_loop3A_415 = tpu.vector_load %arg9[%parallel_loop3A_413, %parallel_loop3A_414] {strides = array<i32>} : memref<128x128xf32, #tpu.memory_space<vmem>>, vector<1x16xf32>,
        %parallel_loop3A_416 = vector.shape_cast %parallel_loop3A_415 : vector<1x16xf32> to vector<16xf32>
        %parallel_loop3A_417 = vector.shape_cast %parallel_loop3A_408 : vector<16xf32> to vector<1x16xf32>
        tpu.vector_store %arg9[%parallel_loop3A_413, %parallel_loop3A_414], %parallel_loop3A_417 {add = true, strides = array<i32>} : memref<128x128xf32, #tpu.memory_space<vmem>>, vector<1x16xf32>,
        %parallel_loop3A_418 = arith.index_cast %parallel_loop3A_355 : i32 to index
        %parallel_loop3A_419 = arith.constant 80 : index
        %parallel_loop3A_420 = tpu.vector_load %arg9[%parallel_loop3A_418, %parallel_loop3A_419] {strides = array<i32>} : memref<128x128xf32, #tpu.memory_space<vmem>>, vector<1x16xf32>,
        %parallel_loop3A_421 = vector.shape_cast %parallel_loop3A_420 : vector<1x16xf32> to vector<16xf32>
        %parallel_loop3A_422 = vector.shape_cast %parallel_loop3A_412 : vector<16xf32> to vector<1x16xf32>
        tpu.vector_store %arg9[%parallel_loop3A_418, %parallel_loop3A_419], %parallel_loop3A_422 {add = true, strides = array<i32>} : memref<128x128xf32, #tpu.memory_space<vmem>>, vector<1x16xf32>,
        %parallel_loop3A_423 = arith.index_cast %parallel_loop3A_356 : i32 to index
        %parallel_loop3A_424 = arith.constant 48 : index
        %parallel_loop3A_425 = tpu.vector_load %arg6[%parallel_loop3A_423, %parallel_loop3A_424] {strides = array<i32>} : memref<320x64xi32, #tpu.memory_space<vmem>>, vector<1x16xi32>,
        %parallel_loop3A_426 = vector.shape_cast %parallel_loop3A_425 : vector<1x16xi32> to vector<16xi32>
        %parallel_loop3A_427 = arith.constant 16 : i32
        %parallel_loop3A_428 = vector.broadcast %parallel_loop3A_427 : i32 to vector<16xi32>
        %parallel_loop3A_429 = arith.shli %parallel_loop3A_426, %parallel_loop3A_428 : vector<16xi32>
        %parallel_loop3A_430 = tpu.bitcast %parallel_loop3A_429 : vector<16xi32> -> vector<16xf32>
        %parallel_loop3A_431 = arith.constant -65536 : i32
        %parallel_loop3A_432 = vector.broadcast %parallel_loop3A_431 : i32 to vector<16xi32>
        %parallel_loop3A_433 = arith.andi %parallel_loop3A_426, %parallel_loop3A_432 : vector<16xi32>
        %parallel_loop3A_434 = tpu.bitcast %parallel_loop3A_433 : vector<16xi32> -> vector<16xf32>
        %parallel_loop3A_435 = arith.index_cast %parallel_loop3A_355 : i32 to index
        %parallel_loop3A_436 = arith.constant 96 : index
        %parallel_loop3A_437 = tpu.vector_load %arg9[%parallel_loop3A_435, %parallel_loop3A_436] {strides = array<i32>} : memref<128x128xf32, #tpu.memory_space<vmem>>, vector<1x16xf32>,
        %parallel_loop3A_438 = vector.shape_cast %parallel_loop3A_437 : vector<1x16xf32> to vector<16xf32>
        %parallel_loop3A_439 = vector.shape_cast %parallel_loop3A_430 : vector<16xf32> to vector<1x16xf32>
        tpu.vector_store %arg9[%parallel_loop3A_435, %parallel_loop3A_436], %parallel_loop3A_439 {add = true, strides = array<i32>} : memref<128x128xf32, #tpu.memory_space<vmem>>, vector<1x16xf32>,
        %parallel_loop3A_440 = arith.index_cast %parallel_loop3A_355 : i32 to index
        %parallel_loop3A_441 = arith.constant 112 : index
        %parallel_loop3A_442 = tpu.vector_load %arg9[%parallel_loop3A_440, %parallel_loop3A_441] {strides = array<i32>} : memref<128x128xf32, #tpu.memory_space<vmem>>, vector<1x16xf32>,
        %parallel_loop3A_443 = vector.shape_cast %parallel_loop3A_442 : vector<1x16xf32> to vector<16xf32>
        %parallel_loop3A_444 = vector.shape_cast %parallel_loop3A_434 : vector<16xf32> to vector<1x16xf32>
        tpu.vector_store %arg9[%parallel_loop3A_440, %parallel_loop3A_441], %parallel_loop3A_444 {add = true, strides = array<i32>} : memref<128x128xf32, #tpu.memory_space<vmem>>, vector<1x16xf32>,
      } {sc.loop_unroll_factor = 4 : i64, sc.parallel_access}
      %mul3A_230 = arith.constant 128 : i32
      %mul3A_231 = arith.muli %add3A_216, %mul3A_230 : i32
      %add3A_232 = arith.addi %mul3A_2, %mul3A_231 : i32
      %dma_start3A_233 = arith.constant 0 : i32
      %dma_start3A_234 = tpu.memref_slice %arg5[%add3A_232, %dma_start3A_233] : memref<204800x128xf32, #tpu.memory_space<hbm>> -> memref<128x128xf32, #tpu.memory_space<hbm>>
      %dma_start3A_235 = arith.constant 0 : i32
      %dma_start3A_236 = tpu.memref_slice %arg5[%add3A_232, %dma_start3A_235] : memref<204800x128xf32, #tpu.memory_space<hbm>> -> memref<128x128xf32, #tpu.memory_space<hbm>>
      tpu.enqueue_dma source(%arg9 : memref<128x128xf32, #tpu.memory_space<vmem>>) target(%dma_start3A_236 : memref<128x128xf32, #tpu.memory_space<hbm>>) target_semaphore(%arg19 : memref<!tpu.dma_semaphore, #tpu.memory_space<semaphore_mem>>)
      %dma_wait3A_237 = arith.constant 0 : i32
      %dma_wait3A_238 = arith.constant 0 : i32
      %dma_wait3A_239 = tpu.memref_slice %arg5[%dma_wait3A_237, %dma_wait3A_238] : memref<204800x128xf32, #tpu.memory_space<hbm>> -> memref<128x128xf32, #tpu.memory_space<hbm>>
      %dma_wait3A_240 = arith.constant 0 : i32
      %dma_wait3A_241 = arith.constant 0 : i32
      %dma_wait3A_242 = tpu.memref_slice %arg5[%dma_wait3A_240, %dma_wait3A_241] : memref<204800x128xf32, #tpu.memory_space<hbm>> -> memref<128x128xf32, #tpu.memory_space<hbm>>
      tpu.wait_dma2 semaphore(%arg22 : memref<!tpu.dma_semaphore, #tpu.memory_space<semaphore_mem>>) src(%arg12 : memref<128x128xf32, #tpu.memory_space<vmem>>) dst(%dma_wait3A_242 : memref<128x128xf32, #tpu.memory_space<hbm>>)
      %add3A_243 = arith.constant 3 : i32
      %add3A_244 = arith.addi %add3A_216, %add3A_243 : i32
      %lt3A_245 = arith.constant 50 : i32
      %lt3A_246 = arith.cmpi slt, %add3A_244, %lt3A_245 : i32
      %convert_element_type3A_247 = arith.extui %lt3A_246 : i1 to i32
      %cond3A_248 = arith.constant 0 : i32
      %cond3A_249 = arith.cmpi ne, %convert_element_type3A_247, %cond3A_248 : i32
      scf.if %cond3A_249 {
        %add3A_355 = arith.constant 3 : i32
        %add3A_356 = arith.addi %add3A_216, %add3A_355 : i32
        %dma_start3A_357 = arith.constant 0 : i32
        %dma_start3A_358 = tpu.memref_slice %arg7[%add3A_356, %dma_start3A_357] : memref<50x128xi32, #tpu.memory_space<vmem>> -> memref<1x128xi32, #tpu.memory_space<vmem>>
        %dma_start3A_359 = tpu.memref_squeeze %dma_start3A_358 : memref<1x128xi32, #tpu.memory_space<vmem>> -> memref<128xi32, #tpu.memory_space<vmem>>
        %dma_start3A_360 = arith.constant 0 : i32
        %dma_start3A_361 = arith.constant 0 : i32
        %dma_start3A_362 = tpu.memref_slice %arg3[%dma_start3A_360, %dma_start3A_361] : memref<1000000x128xf32, #tpu.memory_space<hbm>> -> memref<1000000x128xf32, #tpu.memory_space<hbm>>
        tpu.enqueue_indirect_dma source(%dma_start3A_362 : memref<1000000x128xf32, #tpu.memory_space<hbm>>) target(%arg12 : memref<128x128xf32, #tpu.memory_space<vmem>>) offsets(%dma_start3A_359 : memref<128xi32, #tpu.memory_space<vmem>>) semaphore(%arg17 : memref<!tpu.dma_semaphore, #tpu.memory_space<semaphore_mem>>)
      } else {
      }
      %add3A_250 = arith.constant 2 : i32
      %add3A_251 = arith.addi %mul3A_182, %add3A_250 : i32
      %dma_wait3A_252 = arith.constant 0 : i32
      %dma_wait3A_253 = arith.constant 0 : i32
      %dma_wait3A_254 = tpu.memref_slice %arg3[%dma_wait3A_252, %dma_wait3A_253] : memref<1000000x128xf32, #tpu.memory_space<hbm>> -> memref<128x128xf32, #tpu.memory_space<hbm>>
      %dma_wait3A_255 = arith.constant 0 : i32
      %dma_wait3A_256 = arith.constant 0 : i32
      %dma_wait3A_257 = tpu.memref_slice %arg3[%dma_wait3A_255, %dma_wait3A_256] : memref<1000000x128xf32, #tpu.memory_space<hbm>> -> memref<128x128xf32, #tpu.memory_space<hbm>>
      tpu.wait_dma2 semaphore(%arg15 : memref<!tpu.dma_semaphore, #tpu.memory_space<semaphore_mem>>) src(%dma_wait3A_257 : memref<128x128xf32, #tpu.memory_space<hbm>>) dst(%arg10 : memref<128x128xf32, #tpu.memory_space<vmem>>)
      %mul3A_258 = arith.constant 128 : i32
      %mul3A_259 = arith.muli %add3A_251, %mul3A_258 : i32
      %rem3A_260 = arith.constant 200 : i32
      %rem3A_261 = arith.remsi %mul3A_259, %rem3A_260 : i32
      %parallel_loop3A_262 = arith.constant 0 : i32
      %parallel_loop3A_263 = arith.constant 128 : i32
      %parallel_loop3A_264 = arith.constant 1 : i32
      scf.for %parallel_loop3A_355 = %parallel_loop3A_262 to %parallel_loop3A_263 step %parallel_loop3A_264  : i32 {
        %parallel_loop3A_356 = arith.addi %rem3A_261, %parallel_loop3A_355 : i32
        %parallel_loop3A_357 = arith.index_cast %parallel_loop3A_356 : i32 to index
        %parallel_loop3A_358 = arith.constant 0 : index
        %parallel_loop3A_359 = tpu.vector_load %arg6[%parallel_loop3A_357, %parallel_loop3A_358] {strides = array<i32>} : memref<320x64xi32, #tpu.memory_space<vmem>>, vector<1x16xi32>,
        %parallel_loop3A_360 = vector.shape_cast %parallel_loop3A_359 : vector<1x16xi32> to vector<16xi32>
        %parallel_loop3A_361 = arith.constant 16 : i32
        %parallel_loop3A_362 = vector.broadcast %parallel_loop3A_361 : i32 to vector<16xi32>
        %parallel_loop3A_363 = arith.shli %parallel_loop3A_360, %parallel_loop3A_362 : vector<16xi32>
        %parallel_loop3A_364 = tpu.bitcast %parallel_loop3A_363 : vector<16xi32> -> vector<16xf32>
        %parallel_loop3A_365 = arith.constant -65536 : i32
        %parallel_loop3A_366 = vector.broadcast %parallel_loop3A_365 : i32 to vector<16xi32>
        %parallel_loop3A_367 = arith.andi %parallel_loop3A_360, %parallel_loop3A_366 : vector<16xi32>
        %parallel_loop3A_368 = tpu.bitcast %parallel_loop3A_367 : vector<16xi32> -> vector<16xf32>
        %parallel_loop3A_369 = arith.index_cast %parallel_loop3A_355 : i32 to index
        %parallel_loop3A_370 = arith.constant 0 : index
        %parallel_loop3A_371 = tpu.vector_load %arg10[%parallel_loop3A_369, %parallel_loop3A_370] {strides = array<i32>} : memref<128x128xf32, #tpu.memory_space<vmem>>, vector<1x16xf32>,
        %parallel_loop3A_372 = vector.shape_cast %parallel_loop3A_371 : vector<1x16xf32> to vector<16xf32>
        %parallel_loop3A_373 = vector.shape_cast %parallel_loop3A_364 : vector<16xf32> to vector<1x16xf32>
        tpu.vector_store %arg10[%parallel_loop3A_369, %parallel_loop3A_370], %parallel_loop3A_373 {add = true, strides = array<i32>} : memref<128x128xf32, #tpu.memory_space<vmem>>, vector<1x16xf32>,
        %parallel_loop3A_374 = arith.index_cast %parallel_loop3A_355 : i32 to index
        %parallel_loop3A_375 = arith.constant 16 : index
        %parallel_loop3A_376 = tpu.vector_load %arg10[%parallel_loop3A_374, %parallel_loop3A_375] {strides = array<i32>} : memref<128x128xf32, #tpu.memory_space<vmem>>, vector<1x16xf32>,
        %parallel_loop3A_377 = vector.shape_cast %parallel_loop3A_376 : vector<1x16xf32> to vector<16xf32>
        %parallel_loop3A_378 = vector.shape_cast %parallel_loop3A_368 : vector<16xf32> to vector<1x16xf32>
        tpu.vector_store %arg10[%parallel_loop3A_374, %parallel_loop3A_375], %parallel_loop3A_378 {add = true, strides = array<i32>} : memref<128x128xf32, #tpu.memory_space<vmem>>, vector<1x16xf32>,
        %parallel_loop3A_379 = arith.index_cast %parallel_loop3A_356 : i32 to index
        %parallel_loop3A_380 = arith.constant 16 : index
        %parallel_loop3A_381 = tpu.vector_load %arg6[%parallel_loop3A_379, %parallel_loop3A_380] {strides = array<i32>} : memref<320x64xi32, #tpu.memory_space<vmem>>, vector<1x16xi32>,
        %parallel_loop3A_382 = vector.shape_cast %parallel_loop3A_381 : vector<1x16xi32> to vector<16xi32>
        %parallel_loop3A_383 = arith.constant 16 : i32
        %parallel_loop3A_384 = vector.broadcast %parallel_loop3A_383 : i32 to vector<16xi32>
        %parallel_loop3A_385 = arith.shli %parallel_loop3A_382, %parallel_loop3A_384 : vector<16xi32>
        %parallel_loop3A_386 = tpu.bitcast %parallel_loop3A_385 : vector<16xi32> -> vector<16xf32>
        %parallel_loop3A_387 = arith.constant -65536 : i32
        %parallel_loop3A_388 = vector.broadcast %parallel_loop3A_387 : i32 to vector<16xi32>
        %parallel_loop3A_389 = arith.andi %parallel_loop3A_382, %parallel_loop3A_388 : vector<16xi32>
        %parallel_loop3A_390 = tpu.bitcast %parallel_loop3A_389 : vector<16xi32> -> vector<16xf32>
        %parallel_loop3A_391 = arith.index_cast %parallel_loop3A_355 : i32 to index
        %parallel_loop3A_392 = arith.constant 32 : index
        %parallel_loop3A_393 = tpu.vector_load %arg10[%parallel_loop3A_391, %parallel_loop3A_392] {strides = array<i32>} : memref<128x128xf32, #tpu.memory_space<vmem>>, vector<1x16xf32>,
        %parallel_loop3A_394 = vector.shape_cast %parallel_loop3A_393 : vector<1x16xf32> to vector<16xf32>
        %parallel_loop3A_395 = vector.shape_cast %parallel_loop3A_386 : vector<16xf32> to vector<1x16xf32>
        tpu.vector_store %arg10[%parallel_loop3A_391, %parallel_loop3A_392], %parallel_loop3A_395 {add = true, strides = array<i32>} : memref<128x128xf32, #tpu.memory_space<vmem>>, vector<1x16xf32>,
        %parallel_loop3A_396 = arith.index_cast %parallel_loop3A_355 : i32 to index
        %parallel_loop3A_397 = arith.constant 48 : index
        %parallel_loop3A_398 = tpu.vector_load %arg10[%parallel_loop3A_396, %parallel_loop3A_397] {strides = array<i32>} : memref<128x128xf32, #tpu.memory_space<vmem>>, vector<1x16xf32>,
        %parallel_loop3A_399 = vector.shape_cast %parallel_loop3A_398 : vector<1x16xf32> to vector<16xf32>
        %parallel_loop3A_400 = vector.shape_cast %parallel_loop3A_390 : vector<16xf32> to vector<1x16xf32>
        tpu.vector_store %arg10[%parallel_loop3A_396, %parallel_loop3A_397], %parallel_loop3A_400 {add = true, strides = array<i32>} : memref<128x128xf32, #tpu.memory_space<vmem>>, vector<1x16xf32>,
        %parallel_loop3A_401 = arith.index_cast %parallel_loop3A_356 : i32 to index
        %parallel_loop3A_402 = arith.constant 32 : index
        %parallel_loop3A_403 = tpu.vector_load %arg6[%parallel_loop3A_401, %parallel_loop3A_402] {strides = array<i32>} : memref<320x64xi32, #tpu.memory_space<vmem>>, vector<1x16xi32>,
        %parallel_loop3A_404 = vector.shape_cast %parallel_loop3A_403 : vector<1x16xi32> to vector<16xi32>
        %parallel_loop3A_405 = arith.constant 16 : i32
        %parallel_loop3A_406 = vector.broadcast %parallel_loop3A_405 : i32 to vector<16xi32>
        %parallel_loop3A_407 = arith.shli %parallel_loop3A_404, %parallel_loop3A_406 : vector<16xi32>
        %parallel_loop3A_408 = tpu.bitcast %parallel_loop3A_407 : vector<16xi32> -> vector<16xf32>
        %parallel_loop3A_409 = arith.constant -65536 : i32
        %parallel_loop3A_410 = vector.broadcast %parallel_loop3A_409 : i32 to vector<16xi32>
        %parallel_loop3A_411 = arith.andi %parallel_loop3A_404, %parallel_loop3A_410 : vector<16xi32>
        %parallel_loop3A_412 = tpu.bitcast %parallel_loop3A_411 : vector<16xi32> -> vector<16xf32>
        %parallel_loop3A_413 = arith.index_cast %parallel_loop3A_355 : i32 to index
        %parallel_loop3A_414 = arith.constant 64 : index
        %parallel_loop3A_415 = tpu.vector_load %arg10[%parallel_loop3A_413, %parallel_loop3A_414] {strides = array<i32>} : memref<128x128xf32, #tpu.memory_space<vmem>>, vector<1x16xf32>,
        %parallel_loop3A_416 = vector.shape_cast %parallel_loop3A_415 : vector<1x16xf32> to vector<16xf32>
        %parallel_loop3A_417 = vector.shape_cast %parallel_loop3A_408 : vector<16xf32> to vector<1x16xf32>
        tpu.vector_store %arg10[%parallel_loop3A_413, %parallel_loop3A_414], %parallel_loop3A_417 {add = true, strides = array<i32>} : memref<128x128xf32, #tpu.memory_space<vmem>>, vector<1x16xf32>,
        %parallel_loop3A_418 = arith.index_cast %parallel_loop3A_355 : i32 to index
        %parallel_loop3A_419 = arith.constant 80 : index
        %parallel_loop3A_420 = tpu.vector_load %arg10[%parallel_loop3A_418, %parallel_loop3A_419] {strides = array<i32>} : memref<128x128xf32, #tpu.memory_space<vmem>>, vector<1x16xf32>,
        %parallel_loop3A_421 = vector.shape_cast %parallel_loop3A_420 : vector<1x16xf32> to vector<16xf32>
        %parallel_loop3A_422 = vector.shape_cast %parallel_loop3A_412 : vector<16xf32> to vector<1x16xf32>
        tpu.vector_store %arg10[%parallel_loop3A_418, %parallel_loop3A_419], %parallel_loop3A_422 {add = true, strides = array<i32>} : memref<128x128xf32, #tpu.memory_space<vmem>>, vector<1x16xf32>,
        %parallel_loop3A_423 = arith.index_cast %parallel_loop3A_356 : i32 to index
        %parallel_loop3A_424 = arith.constant 48 : index
        %parallel_loop3A_425 = tpu.vector_load %arg6[%parallel_loop3A_423, %parallel_loop3A_424] {strides = array<i32>} : memref<320x64xi32, #tpu.memory_space<vmem>>, vector<1x16xi32>,
        %parallel_loop3A_426 = vector.shape_cast %parallel_loop3A_425 : vector<1x16xi32> to vector<16xi32>
        %parallel_loop3A_427 = arith.constant 16 : i32
        %parallel_loop3A_428 = vector.broadcast %parallel_loop3A_427 : i32 to vector<16xi32>
        %parallel_loop3A_429 = arith.shli %parallel_loop3A_426, %parallel_loop3A_428 : vector<16xi32>
        %parallel_loop3A_430 = tpu.bitcast %parallel_loop3A_429 : vector<16xi32> -> vector<16xf32>
        %parallel_loop3A_431 = arith.constant -65536 : i32
        %parallel_loop3A_432 = vector.broadcast %parallel_loop3A_431 : i32 to vector<16xi32>
        %parallel_loop3A_433 = arith.andi %parallel_loop3A_426, %parallel_loop3A_432 : vector<16xi32>
        %parallel_loop3A_434 = tpu.bitcast %parallel_loop3A_433 : vector<16xi32> -> vector<16xf32>
        %parallel_loop3A_435 = arith.index_cast %parallel_loop3A_355 : i32 to index
        %parallel_loop3A_436 = arith.constant 96 : index
        %parallel_loop3A_437 = tpu.vector_load %arg10[%parallel_loop3A_435, %parallel_loop3A_436] {strides = array<i32>} : memref<128x128xf32, #tpu.memory_space<vmem>>, vector<1x16xf32>,
        %parallel_loop3A_438 = vector.shape_cast %parallel_loop3A_437 : vector<1x16xf32> to vector<16xf32>
        %parallel_loop3A_439 = vector.shape_cast %parallel_loop3A_430 : vector<16xf32> to vector<1x16xf32>
        tpu.vector_store %arg10[%parallel_loop3A_435, %parallel_loop3A_436], %parallel_loop3A_439 {add = true, strides = array<i32>} : memref<128x128xf32, #tpu.memory_space<vmem>>, vector<1x16xf32>,
        %parallel_loop3A_440 = arith.index_cast %parallel_loop3A_355 : i32 to index
        %parallel_loop3A_441 = arith.constant 112 : index
        %parallel_loop3A_442 = tpu.vector_load %arg10[%parallel_loop3A_440, %parallel_loop3A_441] {strides = array<i32>} : memref<128x128xf32, #tpu.memory_space<vmem>>, vector<1x16xf32>,
        %parallel_loop3A_443 = vector.shape_cast %parallel_loop3A_442 : vector<1x16xf32> to vector<16xf32>
        %parallel_loop3A_444 = vector.shape_cast %parallel_loop3A_434 : vector<16xf32> to vector<1x16xf32>
        tpu.vector_store %arg10[%parallel_loop3A_440, %parallel_loop3A_441], %parallel_loop3A_444 {add = true, strides = array<i32>} : memref<128x128xf32, #tpu.memory_space<vmem>>, vector<1x16xf32>,
      } {sc.loop_unroll_factor = 4 : i64, sc.parallel_access}
      %mul3A_265 = arith.constant 128 : i32
      %mul3A_266 = arith.muli %add3A_251, %mul3A_265 : i32
      %add3A_267 = arith.addi %mul3A_2, %mul3A_266 : i32
      %dma_start3A_268 = arith.constant 0 : i32
      %dma_start3A_269 = tpu.memref_slice %arg5[%add3A_267, %dma_start3A_268] : memref<204800x128xf32, #tpu.memory_space<hbm>> -> memref<128x128xf32, #tpu.memory_space<hbm>>
      %dma_start3A_270 = arith.constant 0 : i32
      %dma_start3A_271 = tpu.memref_slice %arg5[%add3A_267, %dma_start3A_270] : memref<204800x128xf32, #tpu.memory_space<hbm>> -> memref<128x128xf32, #tpu.memory_space<hbm>>
      tpu.enqueue_dma source(%arg10 : memref<128x128xf32, #tpu.memory_space<vmem>>) target(%dma_start3A_271 : memref<128x128xf32, #tpu.memory_space<hbm>>) target_semaphore(%arg20 : memref<!tpu.dma_semaphore, #tpu.memory_space<semaphore_mem>>)
      %dma_wait3A_272 = arith.constant 0 : i32
      %dma_wait3A_273 = arith.constant 0 : i32
      %dma_wait3A_274 = tpu.memref_slice %arg5[%dma_wait3A_272, %dma_wait3A_273] : memref<204800x128xf32, #tpu.memory_space<hbm>> -> memref<128x128xf32, #tpu.memory_space<hbm>>
      %dma_wait3A_275 = arith.constant 0 : i32
      %dma_wait3A_276 = arith.constant 0 : i32
      %dma_wait3A_277 = tpu.memref_slice %arg5[%dma_wait3A_275, %dma_wait3A_276] : memref<204800x128xf32, #tpu.memory_space<hbm>> -> memref<128x128xf32, #tpu.memory_space<hbm>>
      tpu.wait_dma2 semaphore(%arg18 : memref<!tpu.dma_semaphore, #tpu.memory_space<semaphore_mem>>) src(%arg8 : memref<128x128xf32, #tpu.memory_space<vmem>>) dst(%dma_wait3A_277 : memref<128x128xf32, #tpu.memory_space<hbm>>)
      %add3A_278 = arith.constant 3 : i32
      %add3A_279 = arith.addi %add3A_251, %add3A_278 : i32
      %lt3A_280 = arith.constant 50 : i32
      %lt3A_281 = arith.cmpi slt, %add3A_279, %lt3A_280 : i32
      %convert_element_type3A_282 = arith.extui %lt3A_281 : i1 to i32
      %cond3A_283 = arith.constant 0 : i32
      %cond3A_284 = arith.cmpi ne, %convert_element_type3A_282, %cond3A_283 : i32
      scf.if %cond3A_284 {
        %add3A_355 = arith.constant 3 : i32
        %add3A_356 = arith.addi %add3A_251, %add3A_355 : i32
        %dma_start3A_357 = arith.constant 0 : i32
        %dma_start3A_358 = tpu.memref_slice %arg7[%add3A_356, %dma_start3A_357] : memref<50x128xi32, #tpu.memory_space<vmem>> -> memref<1x128xi32, #tpu.memory_space<vmem>>
        %dma_start3A_359 = tpu.memref_squeeze %dma_start3A_358 : memref<1x128xi32, #tpu.memory_space<vmem>> -> memref<128xi32, #tpu.memory_space<vmem>>
        %dma_start3A_360 = arith.constant 0 : i32
        %dma_start3A_361 = arith.constant 0 : i32
        %dma_start3A_362 = tpu.memref_slice %arg3[%dma_start3A_360, %dma_start3A_361] : memref<1000000x128xf32, #tpu.memory_space<hbm>> -> memref<1000000x128xf32, #tpu.memory_space<hbm>>
        tpu.enqueue_indirect_dma source(%dma_start3A_362 : memref<1000000x128xf32, #tpu.memory_space<hbm>>) target(%arg8 : memref<128x128xf32, #tpu.memory_space<vmem>>) offsets(%dma_start3A_359 : memref<128xi32, #tpu.memory_space<vmem>>) semaphore(%arg13 : memref<!tpu.dma_semaphore, #tpu.memory_space<semaphore_mem>>)
      } else {
      }
      %add3A_285 = arith.constant 3 : i32
      %add3A_286 = arith.addi %mul3A_182, %add3A_285 : i32
      %dma_wait3A_287 = arith.constant 0 : i32
      %dma_wait3A_288 = arith.constant 0 : i32
      %dma_wait3A_289 = tpu.memref_slice %arg3[%dma_wait3A_287, %dma_wait3A_288] : memref<1000000x128xf32, #tpu.memory_space<hbm>> -> memref<128x128xf32, #tpu.memory_space<hbm>>
      %dma_wait3A_290 = arith.constant 0 : i32
      %dma_wait3A_291 = arith.constant 0 : i32
      %dma_wait3A_292 = tpu.memref_slice %arg3[%dma_wait3A_290, %dma_wait3A_291] : memref<1000000x128xf32, #tpu.memory_space<hbm>> -> memref<128x128xf32, #tpu.memory_space<hbm>>
      tpu.wait_dma2 semaphore(%arg16 : memref<!tpu.dma_semaphore, #tpu.memory_space<semaphore_mem>>) src(%dma_wait3A_292 : memref<128x128xf32, #tpu.memory_space<hbm>>) dst(%arg11 : memref<128x128xf32, #tpu.memory_space<vmem>>)
      %mul3A_293 = arith.constant 128 : i32
      %mul3A_294 = arith.muli %add3A_286, %mul3A_293 : i32
      %rem3A_295 = arith.constant 200 : i32
      %rem3A_296 = arith.remsi %mul3A_294, %rem3A_295 : i32
      %parallel_loop3A_297 = arith.constant 0 : i32
      %parallel_loop3A_298 = arith.constant 128 : i32
      %parallel_loop3A_299 = arith.constant 1 : i32
      scf.for %parallel_loop3A_355 = %parallel_loop3A_297 to %parallel_loop3A_298 step %parallel_loop3A_299  : i32 {
        %parallel_loop3A_356 = arith.addi %rem3A_296, %parallel_loop3A_355 : i32
        %parallel_loop3A_357 = arith.index_cast %parallel_loop3A_356 : i32 to index
        %parallel_loop3A_358 = arith.constant 0 : index
        %parallel_loop3A_359 = tpu.vector_load %arg6[%parallel_loop3A_357, %parallel_loop3A_358] {strides = array<i32>} : memref<320x64xi32, #tpu.memory_space<vmem>>, vector<1x16xi32>,
        %parallel_loop3A_360 = vector.shape_cast %parallel_loop3A_359 : vector<1x16xi32> to vector<16xi32>
        %parallel_loop3A_361 = arith.constant 16 : i32
        %parallel_loop3A_362 = vector.broadcast %parallel_loop3A_361 : i32 to vector<16xi32>
        %parallel_loop3A_363 = arith.shli %parallel_loop3A_360, %parallel_loop3A_362 : vector<16xi32>
        %parallel_loop3A_364 = tpu.bitcast %parallel_loop3A_363 : vector<16xi32> -> vector<16xf32>
        %parallel_loop3A_365 = arith.constant -65536 : i32
        %parallel_loop3A_366 = vector.broadcast %parallel_loop3A_365 : i32 to vector<16xi32>
        %parallel_loop3A_367 = arith.andi %parallel_loop3A_360, %parallel_loop3A_366 : vector<16xi32>
        %parallel_loop3A_368 = tpu.bitcast %parallel_loop3A_367 : vector<16xi32> -> vector<16xf32>
        %parallel_loop3A_369 = arith.index_cast %parallel_loop3A_355 : i32 to index
        %parallel_loop3A_370 = arith.constant 0 : index
        %parallel_loop3A_371 = tpu.vector_load %arg11[%parallel_loop3A_369, %parallel_loop3A_370] {strides = array<i32>} : memref<128x128xf32, #tpu.memory_space<vmem>>, vector<1x16xf32>,
        %parallel_loop3A_372 = vector.shape_cast %parallel_loop3A_371 : vector<1x16xf32> to vector<16xf32>
        %parallel_loop3A_373 = vector.shape_cast %parallel_loop3A_364 : vector<16xf32> to vector<1x16xf32>
        tpu.vector_store %arg11[%parallel_loop3A_369, %parallel_loop3A_370], %parallel_loop3A_373 {add = true, strides = array<i32>} : memref<128x128xf32, #tpu.memory_space<vmem>>, vector<1x16xf32>,
        %parallel_loop3A_374 = arith.index_cast %parallel_loop3A_355 : i32 to index
        %parallel_loop3A_375 = arith.constant 16 : index
        %parallel_loop3A_376 = tpu.vector_load %arg11[%parallel_loop3A_374, %parallel_loop3A_375] {strides = array<i32>} : memref<128x128xf32, #tpu.memory_space<vmem>>, vector<1x16xf32>,
        %parallel_loop3A_377 = vector.shape_cast %parallel_loop3A_376 : vector<1x16xf32> to vector<16xf32>
        %parallel_loop3A_378 = vector.shape_cast %parallel_loop3A_368 : vector<16xf32> to vector<1x16xf32>
        tpu.vector_store %arg11[%parallel_loop3A_374, %parallel_loop3A_375], %parallel_loop3A_378 {add = true, strides = array<i32>} : memref<128x128xf32, #tpu.memory_space<vmem>>, vector<1x16xf32>,
        %parallel_loop3A_379 = arith.index_cast %parallel_loop3A_356 : i32 to index
        %parallel_loop3A_380 = arith.constant 16 : index
        %parallel_loop3A_381 = tpu.vector_load %arg6[%parallel_loop3A_379, %parallel_loop3A_380] {strides = array<i32>} : memref<320x64xi32, #tpu.memory_space<vmem>>, vector<1x16xi32>,
        %parallel_loop3A_382 = vector.shape_cast %parallel_loop3A_381 : vector<1x16xi32> to vector<16xi32>
        %parallel_loop3A_383 = arith.constant 16 : i32
        %parallel_loop3A_384 = vector.broadcast %parallel_loop3A_383 : i32 to vector<16xi32>
        %parallel_loop3A_385 = arith.shli %parallel_loop3A_382, %parallel_loop3A_384 : vector<16xi32>
        %parallel_loop3A_386 = tpu.bitcast %parallel_loop3A_385 : vector<16xi32> -> vector<16xf32>
        %parallel_loop3A_387 = arith.constant -65536 : i32
        %parallel_loop3A_388 = vector.broadcast %parallel_loop3A_387 : i32 to vector<16xi32>
        %parallel_loop3A_389 = arith.andi %parallel_loop3A_382, %parallel_loop3A_388 : vector<16xi32>
        %parallel_loop3A_390 = tpu.bitcast %parallel_loop3A_389 : vector<16xi32> -> vector<16xf32>
        %parallel_loop3A_391 = arith.index_cast %parallel_loop3A_355 : i32 to index
        %parallel_loop3A_392 = arith.constant 32 : index
        %parallel_loop3A_393 = tpu.vector_load %arg11[%parallel_loop3A_391, %parallel_loop3A_392] {strides = array<i32>} : memref<128x128xf32, #tpu.memory_space<vmem>>, vector<1x16xf32>,
        %parallel_loop3A_394 = vector.shape_cast %parallel_loop3A_393 : vector<1x16xf32> to vector<16xf32>
        %parallel_loop3A_395 = vector.shape_cast %parallel_loop3A_386 : vector<16xf32> to vector<1x16xf32>
        tpu.vector_store %arg11[%parallel_loop3A_391, %parallel_loop3A_392], %parallel_loop3A_395 {add = true, strides = array<i32>} : memref<128x128xf32, #tpu.memory_space<vmem>>, vector<1x16xf32>,
        %parallel_loop3A_396 = arith.index_cast %parallel_loop3A_355 : i32 to index
        %parallel_loop3A_397 = arith.constant 48 : index
        %parallel_loop3A_398 = tpu.vector_load %arg11[%parallel_loop3A_396, %parallel_loop3A_397] {strides = array<i32>} : memref<128x128xf32, #tpu.memory_space<vmem>>, vector<1x16xf32>,
        %parallel_loop3A_399 = vector.shape_cast %parallel_loop3A_398 : vector<1x16xf32> to vector<16xf32>
        %parallel_loop3A_400 = vector.shape_cast %parallel_loop3A_390 : vector<16xf32> to vector<1x16xf32>
        tpu.vector_store %arg11[%parallel_loop3A_396, %parallel_loop3A_397], %parallel_loop3A_400 {add = true, strides = array<i32>} : memref<128x128xf32, #tpu.memory_space<vmem>>, vector<1x16xf32>,
        %parallel_loop3A_401 = arith.index_cast %parallel_loop3A_356 : i32 to index
        %parallel_loop3A_402 = arith.constant 32 : index
        %parallel_loop3A_403 = tpu.vector_load %arg6[%parallel_loop3A_401, %parallel_loop3A_402] {strides = array<i32>} : memref<320x64xi32, #tpu.memory_space<vmem>>, vector<1x16xi32>,
        %parallel_loop3A_404 = vector.shape_cast %parallel_loop3A_403 : vector<1x16xi32> to vector<16xi32>
        %parallel_loop3A_405 = arith.constant 16 : i32
        %parallel_loop3A_406 = vector.broadcast %parallel_loop3A_405 : i32 to vector<16xi32>
        %parallel_loop3A_407 = arith.shli %parallel_loop3A_404, %parallel_loop3A_406 : vector<16xi32>
        %parallel_loop3A_408 = tpu.bitcast %parallel_loop3A_407 : vector<16xi32> -> vector<16xf32>
        %parallel_loop3A_409 = arith.constant -65536 : i32
        %parallel_loop3A_410 = vector.broadcast %parallel_loop3A_409 : i32 to vector<16xi32>
        %parallel_loop3A_411 = arith.andi %parallel_loop3A_404, %parallel_loop3A_410 : vector<16xi32>
        %parallel_loop3A_412 = tpu.bitcast %parallel_loop3A_411 : vector<16xi32> -> vector<16xf32>
        %parallel_loop3A_413 = arith.index_cast %parallel_loop3A_355 : i32 to index
        %parallel_loop3A_414 = arith.constant 64 : index
        %parallel_loop3A_415 = tpu.vector_load %arg11[%parallel_loop3A_413, %parallel_loop3A_414] {strides = array<i32>} : memref<128x128xf32, #tpu.memory_space<vmem>>, vector<1x16xf32>,
        %parallel_loop3A_416 = vector.shape_cast %parallel_loop3A_415 : vector<1x16xf32> to vector<16xf32>
        %parallel_loop3A_417 = vector.shape_cast %parallel_loop3A_408 : vector<16xf32> to vector<1x16xf32>
        tpu.vector_store %arg11[%parallel_loop3A_413, %parallel_loop3A_414], %parallel_loop3A_417 {add = true, strides = array<i32>} : memref<128x128xf32, #tpu.memory_space<vmem>>, vector<1x16xf32>,
        %parallel_loop3A_418 = arith.index_cast %parallel_loop3A_355 : i32 to index
        %parallel_loop3A_419 = arith.constant 80 : index
        %parallel_loop3A_420 = tpu.vector_load %arg11[%parallel_loop3A_418, %parallel_loop3A_419] {strides = array<i32>} : memref<128x128xf32, #tpu.memory_space<vmem>>, vector<1x16xf32>,
        %parallel_loop3A_421 = vector.shape_cast %parallel_loop3A_420 : vector<1x16xf32> to vector<16xf32>
        %parallel_loop3A_422 = vector.shape_cast %parallel_loop3A_412 : vector<16xf32> to vector<1x16xf32>
        tpu.vector_store %arg11[%parallel_loop3A_418, %parallel_loop3A_419], %parallel_loop3A_422 {add = true, strides = array<i32>} : memref<128x128xf32, #tpu.memory_space<vmem>>, vector<1x16xf32>,
        %parallel_loop3A_423 = arith.index_cast %parallel_loop3A_356 : i32 to index
        %parallel_loop3A_424 = arith.constant 48 : index
        %parallel_loop3A_425 = tpu.vector_load %arg6[%parallel_loop3A_423, %parallel_loop3A_424] {strides = array<i32>} : memref<320x64xi32, #tpu.memory_space<vmem>>, vector<1x16xi32>,
        %parallel_loop3A_426 = vector.shape_cast %parallel_loop3A_425 : vector<1x16xi32> to vector<16xi32>
        %parallel_loop3A_427 = arith.constant 16 : i32
        %parallel_loop3A_428 = vector.broadcast %parallel_loop3A_427 : i32 to vector<16xi32>
        %parallel_loop3A_429 = arith.shli %parallel_loop3A_426, %parallel_loop3A_428 : vector<16xi32>
        %parallel_loop3A_430 = tpu.bitcast %parallel_loop3A_429 : vector<16xi32> -> vector<16xf32>
        %parallel_loop3A_431 = arith.constant -65536 : i32
        %parallel_loop3A_432 = vector.broadcast %parallel_loop3A_431 : i32 to vector<16xi32>
        %parallel_loop3A_433 = arith.andi %parallel_loop3A_426, %parallel_loop3A_432 : vector<16xi32>
        %parallel_loop3A_434 = tpu.bitcast %parallel_loop3A_433 : vector<16xi32> -> vector<16xf32>
        %parallel_loop3A_435 = arith.index_cast %parallel_loop3A_355 : i32 to index
        %parallel_loop3A_436 = arith.constant 96 : index
        %parallel_loop3A_437 = tpu.vector_load %arg11[%parallel_loop3A_435, %parallel_loop3A_436] {strides = array<i32>} : memref<128x128xf32, #tpu.memory_space<vmem>>, vector<1x16xf32>,
        %parallel_loop3A_438 = vector.shape_cast %parallel_loop3A_437 : vector<1x16xf32> to vector<16xf32>
        %parallel_loop3A_439 = vector.shape_cast %parallel_loop3A_430 : vector<16xf32> to vector<1x16xf32>
        tpu.vector_store %arg11[%parallel_loop3A_435, %parallel_loop3A_436], %parallel_loop3A_439 {add = true, strides = array<i32>} : memref<128x128xf32, #tpu.memory_space<vmem>>, vector<1x16xf32>,
        %parallel_loop3A_440 = arith.index_cast %parallel_loop3A_355 : i32 to index
        %parallel_loop3A_441 = arith.constant 112 : index
        %parallel_loop3A_442 = tpu.vector_load %arg11[%parallel_loop3A_440, %parallel_loop3A_441] {strides = array<i32>} : memref<128x128xf32, #tpu.memory_space<vmem>>, vector<1x16xf32>,
        %parallel_loop3A_443 = vector.shape_cast %parallel_loop3A_442 : vector<1x16xf32> to vector<16xf32>
        %parallel_loop3A_444 = vector.shape_cast %parallel_loop3A_434 : vector<16xf32> to vector<1x16xf32>
        tpu.vector_store %arg11[%parallel_loop3A_440, %parallel_loop3A_441], %parallel_loop3A_444 {add = true, strides = array<i32>} : memref<128x128xf32, #tpu.memory_space<vmem>>, vector<1x16xf32>,
      } {sc.loop_unroll_factor = 4 : i64, sc.parallel_access}
      %mul3A_300 = arith.constant 128 : i32
      %mul3A_301 = arith.muli %add3A_286, %mul3A_300 : i32
      %add3A_302 = arith.addi %mul3A_2, %mul3A_301 : i32
      %dma_start3A_303 = arith.constant 0 : i32
      %dma_start3A_304 = tpu.memref_slice %arg5[%add3A_302, %dma_start3A_303] : memref<204800x128xf32, #tpu.memory_space<hbm>> -> memref<128x128xf32, #tpu.memory_space<hbm>>
      %dma_start3A_305 = arith.constant 0 : i32
      %dma_start3A_306 = tpu.memref_slice %arg5[%add3A_302, %dma_start3A_305] : memref<204800x128xf32, #tpu.memory_space<hbm>> -> memref<128x128xf32, #tpu.memory_space<hbm>>
      tpu.enqueue_dma source(%arg11 : memref<128x128xf32, #tpu.memory_space<vmem>>) target(%dma_start3A_306 : memref<128x128xf32, #tpu.memory_space<hbm>>) target_semaphore(%arg21 : memref<!tpu.dma_semaphore, #tpu.memory_space<semaphore_mem>>)
      %dma_wait3A_307 = arith.constant 0 : i32
      %dma_wait3A_308 = arith.constant 0 : i32
      %dma_wait3A_309 = tpu.memref_slice %arg5[%dma_wait3A_307, %dma_wait3A_308] : memref<204800x128xf32, #tpu.memory_space<hbm>> -> memref<128x128xf32, #tpu.memory_space<hbm>>
      %dma_wait3A_310 = arith.constant 0 : i32
      %dma_wait3A_311 = arith.constant 0 : i32
      %dma_wait3A_312 = tpu.memref_slice %arg5[%dma_wait3A_310, %dma_wait3A_311] : memref<204800x128xf32, #tpu.memory_space<hbm>> -> memref<128x128xf32, #tpu.memory_space<hbm>>
      tpu.wait_dma2 semaphore(%arg19 : memref<!tpu.dma_semaphore, #tpu.memory_space<semaphore_mem>>) src(%arg9 : memref<128x128xf32, #tpu.memory_space<vmem>>) dst(%dma_wait3A_312 : memref<128x128xf32, #tpu.memory_space<hbm>>)
      %add3A_313 = arith.constant 3 : i32
      %add3A_314 = arith.addi %add3A_286, %add3A_313 : i32
      %lt3A_315 = arith.constant 50 : i32
      %lt3A_316 = arith.cmpi slt, %add3A_314, %lt3A_315 : i32
      %convert_element_type3A_317 = arith.extui %lt3A_316 : i1 to i32
      %cond3A_318 = arith.constant 0 : i32
      %cond3A_319 = arith.cmpi ne, %convert_element_type3A_317, %cond3A_318 : i32
      scf.if %cond3A_319 {
        %add3A_355 = arith.constant 3 : i32
        %add3A_356 = arith.addi %add3A_286, %add3A_355 : i32
        %dma_start3A_357 = arith.constant 0 : i32
        %dma_start3A_358 = tpu.memref_slice %arg7[%add3A_356, %dma_start3A_357] : memref<50x128xi32, #tpu.memory_space<vmem>> -> memref<1x128xi32, #tpu.memory_space<vmem>>
        %dma_start3A_359 = tpu.memref_squeeze %dma_start3A_358 : memref<1x128xi32, #tpu.memory_space<vmem>> -> memref<128xi32, #tpu.memory_space<vmem>>
        %dma_start3A_360 = arith.constant 0 : i32
        %dma_start3A_361 = arith.constant 0 : i32
        %dma_start3A_362 = tpu.memref_slice %arg3[%dma_start3A_360, %dma_start3A_361] : memref<1000000x128xf32, #tpu.memory_space<hbm>> -> memref<1000000x128xf32, #tpu.memory_space<hbm>>
        tpu.enqueue_indirect_dma source(%dma_start3A_362 : memref<1000000x128xf32, #tpu.memory_space<hbm>>) target(%arg9 : memref<128x128xf32, #tpu.memory_space<vmem>>) offsets(%dma_start3A_359 : memref<128xi32, #tpu.memory_space<vmem>>) semaphore(%arg14 : memref<!tpu.dma_semaphore, #tpu.memory_space<semaphore_mem>>)
      } else {
      }
      %add3A_320 = arith.constant 4 : i32
      %add3A_321 = arith.addi %mul3A_182, %add3A_320 : i32
      %dma_wait3A_322 = arith.constant 0 : i32
      %dma_wait3A_323 = arith.constant 0 : i32
      %dma_wait3A_324 = tpu.memref_slice %arg3[%dma_wait3A_322, %dma_wait3A_323] : memref<1000000x128xf32, #tpu.memory_space<hbm>> -> memref<128x128xf32, #tpu.memory_space<hbm>>
      %dma_wait3A_325 = arith.constant 0 : i32
      %dma_wait3A_326 = arith.constant 0 : i32
      %dma_wait3A_327 = tpu.memref_slice %arg3[%dma_wait3A_325, %dma_wait3A_326] : memref<1000000x128xf32, #tpu.memory_space<hbm>> -> memref<128x128xf32, #tpu.memory_space<hbm>>
      tpu.wait_dma2 semaphore(%arg17 : memref<!tpu.dma_semaphore, #tpu.memory_space<semaphore_mem>>) src(%dma_wait3A_327 : memref<128x128xf32, #tpu.memory_space<hbm>>) dst(%arg12 : memref<128x128xf32, #tpu.memory_space<vmem>>)
      %mul3A_328 = arith.constant 128 : i32
      %mul3A_329 = arith.muli %add3A_321, %mul3A_328 : i32
      %rem3A_330 = arith.constant 200 : i32
      %rem3A_331 = arith.remsi %mul3A_329, %rem3A_330 : i32
      %parallel_loop3A_332 = arith.constant 0 : i32
      %parallel_loop3A_333 = arith.constant 128 : i32
      %parallel_loop3A_334 = arith.constant 1 : i32
      scf.for %parallel_loop3A_355 = %parallel_loop3A_332 to %parallel_loop3A_333 step %parallel_loop3A_334  : i32 {
        %parallel_loop3A_356 = arith.addi %rem3A_331, %parallel_loop3A_355 : i32
        %parallel_loop3A_357 = arith.index_cast %parallel_loop3A_356 : i32 to index
        %parallel_loop3A_358 = arith.constant 0 : index
        %parallel_loop3A_359 = tpu.vector_load %arg6[%parallel_loop3A_357, %parallel_loop3A_358] {strides = array<i32>} : memref<320x64xi32, #tpu.memory_space<vmem>>, vector<1x16xi32>,
        %parallel_loop3A_360 = vector.shape_cast %parallel_loop3A_359 : vector<1x16xi32> to vector<16xi32>
        %parallel_loop3A_361 = arith.constant 16 : i32
        %parallel_loop3A_362 = vector.broadcast %parallel_loop3A_361 : i32 to vector<16xi32>
        %parallel_loop3A_363 = arith.shli %parallel_loop3A_360, %parallel_loop3A_362 : vector<16xi32>
        %parallel_loop3A_364 = tpu.bitcast %parallel_loop3A_363 : vector<16xi32> -> vector<16xf32>
        %parallel_loop3A_365 = arith.constant -65536 : i32
        %parallel_loop3A_366 = vector.broadcast %parallel_loop3A_365 : i32 to vector<16xi32>
        %parallel_loop3A_367 = arith.andi %parallel_loop3A_360, %parallel_loop3A_366 : vector<16xi32>
        %parallel_loop3A_368 = tpu.bitcast %parallel_loop3A_367 : vector<16xi32> -> vector<16xf32>
        %parallel_loop3A_369 = arith.index_cast %parallel_loop3A_355 : i32 to index
        %parallel_loop3A_370 = arith.constant 0 : index
        %parallel_loop3A_371 = tpu.vector_load %arg12[%parallel_loop3A_369, %parallel_loop3A_370] {strides = array<i32>} : memref<128x128xf32, #tpu.memory_space<vmem>>, vector<1x16xf32>,
        %parallel_loop3A_372 = vector.shape_cast %parallel_loop3A_371 : vector<1x16xf32> to vector<16xf32>
        %parallel_loop3A_373 = vector.shape_cast %parallel_loop3A_364 : vector<16xf32> to vector<1x16xf32>
        tpu.vector_store %arg12[%parallel_loop3A_369, %parallel_loop3A_370], %parallel_loop3A_373 {add = true, strides = array<i32>} : memref<128x128xf32, #tpu.memory_space<vmem>>, vector<1x16xf32>,
        %parallel_loop3A_374 = arith.index_cast %parallel_loop3A_355 : i32 to index
        %parallel_loop3A_375 = arith.constant 16 : index
        %parallel_loop3A_376 = tpu.vector_load %arg12[%parallel_loop3A_374, %parallel_loop3A_375] {strides = array<i32>} : memref<128x128xf32, #tpu.memory_space<vmem>>, vector<1x16xf32>,
        %parallel_loop3A_377 = vector.shape_cast %parallel_loop3A_376 : vector<1x16xf32> to vector<16xf32>
        %parallel_loop3A_378 = vector.shape_cast %parallel_loop3A_368 : vector<16xf32> to vector<1x16xf32>
        tpu.vector_store %arg12[%parallel_loop3A_374, %parallel_loop3A_375], %parallel_loop3A_378 {add = true, strides = array<i32>} : memref<128x128xf32, #tpu.memory_space<vmem>>, vector<1x16xf32>,
        %parallel_loop3A_379 = arith.index_cast %parallel_loop3A_356 : i32 to index
        %parallel_loop3A_380 = arith.constant 16 : index
        %parallel_loop3A_381 = tpu.vector_load %arg6[%parallel_loop3A_379, %parallel_loop3A_380] {strides = array<i32>} : memref<320x64xi32, #tpu.memory_space<vmem>>, vector<1x16xi32>,
        %parallel_loop3A_382 = vector.shape_cast %parallel_loop3A_381 : vector<1x16xi32> to vector<16xi32>
        %parallel_loop3A_383 = arith.constant 16 : i32
        %parallel_loop3A_384 = vector.broadcast %parallel_loop3A_383 : i32 to vector<16xi32>
        %parallel_loop3A_385 = arith.shli %parallel_loop3A_382, %parallel_loop3A_384 : vector<16xi32>
        %parallel_loop3A_386 = tpu.bitcast %parallel_loop3A_385 : vector<16xi32> -> vector<16xf32>
        %parallel_loop3A_387 = arith.constant -65536 : i32
        %parallel_loop3A_388 = vector.broadcast %parallel_loop3A_387 : i32 to vector<16xi32>
        %parallel_loop3A_389 = arith.andi %parallel_loop3A_382, %parallel_loop3A_388 : vector<16xi32>
        %parallel_loop3A_390 = tpu.bitcast %parallel_loop3A_389 : vector<16xi32> -> vector<16xf32>
        %parallel_loop3A_391 = arith.index_cast %parallel_loop3A_355 : i32 to index
        %parallel_loop3A_392 = arith.constant 32 : index
        %parallel_loop3A_393 = tpu.vector_load %arg12[%parallel_loop3A_391, %parallel_loop3A_392] {strides = array<i32>} : memref<128x128xf32, #tpu.memory_space<vmem>>, vector<1x16xf32>,
        %parallel_loop3A_394 = vector.shape_cast %parallel_loop3A_393 : vector<1x16xf32> to vector<16xf32>
        %parallel_loop3A_395 = vector.shape_cast %parallel_loop3A_386 : vector<16xf32> to vector<1x16xf32>
        tpu.vector_store %arg12[%parallel_loop3A_391, %parallel_loop3A_392], %parallel_loop3A_395 {add = true, strides = array<i32>} : memref<128x128xf32, #tpu.memory_space<vmem>>, vector<1x16xf32>,
        %parallel_loop3A_396 = arith.index_cast %parallel_loop3A_355 : i32 to index
        %parallel_loop3A_397 = arith.constant 48 : index
        %parallel_loop3A_398 = tpu.vector_load %arg12[%parallel_loop3A_396, %parallel_loop3A_397] {strides = array<i32>} : memref<128x128xf32, #tpu.memory_space<vmem>>, vector<1x16xf32>,
        %parallel_loop3A_399 = vector.shape_cast %parallel_loop3A_398 : vector<1x16xf32> to vector<16xf32>
        %parallel_loop3A_400 = vector.shape_cast %parallel_loop3A_390 : vector<16xf32> to vector<1x16xf32>
        tpu.vector_store %arg12[%parallel_loop3A_396, %parallel_loop3A_397], %parallel_loop3A_400 {add = true, strides = array<i32>} : memref<128x128xf32, #tpu.memory_space<vmem>>, vector<1x16xf32>,
        %parallel_loop3A_401 = arith.index_cast %parallel_loop3A_356 : i32 to index
        %parallel_loop3A_402 = arith.constant 32 : index
        %parallel_loop3A_403 = tpu.vector_load %arg6[%parallel_loop3A_401, %parallel_loop3A_402] {strides = array<i32>} : memref<320x64xi32, #tpu.memory_space<vmem>>, vector<1x16xi32>,
        %parallel_loop3A_404 = vector.shape_cast %parallel_loop3A_403 : vector<1x16xi32> to vector<16xi32>
        %parallel_loop3A_405 = arith.constant 16 : i32
        %parallel_loop3A_406 = vector.broadcast %parallel_loop3A_405 : i32 to vector<16xi32>
        %parallel_loop3A_407 = arith.shli %parallel_loop3A_404, %parallel_loop3A_406 : vector<16xi32>
        %parallel_loop3A_408 = tpu.bitcast %parallel_loop3A_407 : vector<16xi32> -> vector<16xf32>
        %parallel_loop3A_409 = arith.constant -65536 : i32
        %parallel_loop3A_410 = vector.broadcast %parallel_loop3A_409 : i32 to vector<16xi32>
        %parallel_loop3A_411 = arith.andi %parallel_loop3A_404, %parallel_loop3A_410 : vector<16xi32>
        %parallel_loop3A_412 = tpu.bitcast %parallel_loop3A_411 : vector<16xi32> -> vector<16xf32>
        %parallel_loop3A_413 = arith.index_cast %parallel_loop3A_355 : i32 to index
        %parallel_loop3A_414 = arith.constant 64 : index
        %parallel_loop3A_415 = tpu.vector_load %arg12[%parallel_loop3A_413, %parallel_loop3A_414] {strides = array<i32>} : memref<128x128xf32, #tpu.memory_space<vmem>>, vector<1x16xf32>,
        %parallel_loop3A_416 = vector.shape_cast %parallel_loop3A_415 : vector<1x16xf32> to vector<16xf32>
        %parallel_loop3A_417 = vector.shape_cast %parallel_loop3A_408 : vector<16xf32> to vector<1x16xf32>
        tpu.vector_store %arg12[%parallel_loop3A_413, %parallel_loop3A_414], %parallel_loop3A_417 {add = true, strides = array<i32>} : memref<128x128xf32, #tpu.memory_space<vmem>>, vector<1x16xf32>,
        %parallel_loop3A_418 = arith.index_cast %parallel_loop3A_355 : i32 to index
        %parallel_loop3A_419 = arith.constant 80 : index
        %parallel_loop3A_420 = tpu.vector_load %arg12[%parallel_loop3A_418, %parallel_loop3A_419] {strides = array<i32>} : memref<128x128xf32, #tpu.memory_space<vmem>>, vector<1x16xf32>,
        %parallel_loop3A_421 = vector.shape_cast %parallel_loop3A_420 : vector<1x16xf32> to vector<16xf32>
        %parallel_loop3A_422 = vector.shape_cast %parallel_loop3A_412 : vector<16xf32> to vector<1x16xf32>
        tpu.vector_store %arg12[%parallel_loop3A_418, %parallel_loop3A_419], %parallel_loop3A_422 {add = true, strides = array<i32>} : memref<128x128xf32, #tpu.memory_space<vmem>>, vector<1x16xf32>,
        %parallel_loop3A_423 = arith.index_cast %parallel_loop3A_356 : i32 to index
        %parallel_loop3A_424 = arith.constant 48 : index
        %parallel_loop3A_425 = tpu.vector_load %arg6[%parallel_loop3A_423, %parallel_loop3A_424] {strides = array<i32>} : memref<320x64xi32, #tpu.memory_space<vmem>>, vector<1x16xi32>,
        %parallel_loop3A_426 = vector.shape_cast %parallel_loop3A_425 : vector<1x16xi32> to vector<16xi32>
        %parallel_loop3A_427 = arith.constant 16 : i32
        %parallel_loop3A_428 = vector.broadcast %parallel_loop3A_427 : i32 to vector<16xi32>
        %parallel_loop3A_429 = arith.shli %parallel_loop3A_426, %parallel_loop3A_428 : vector<16xi32>
        %parallel_loop3A_430 = tpu.bitcast %parallel_loop3A_429 : vector<16xi32> -> vector<16xf32>
        %parallel_loop3A_431 = arith.constant -65536 : i32
        %parallel_loop3A_432 = vector.broadcast %parallel_loop3A_431 : i32 to vector<16xi32>
        %parallel_loop3A_433 = arith.andi %parallel_loop3A_426, %parallel_loop3A_432 : vector<16xi32>
        %parallel_loop3A_434 = tpu.bitcast %parallel_loop3A_433 : vector<16xi32> -> vector<16xf32>
        %parallel_loop3A_435 = arith.index_cast %parallel_loop3A_355 : i32 to index
        %parallel_loop3A_436 = arith.constant 96 : index
        %parallel_loop3A_437 = tpu.vector_load %arg12[%parallel_loop3A_435, %parallel_loop3A_436] {strides = array<i32>} : memref<128x128xf32, #tpu.memory_space<vmem>>, vector<1x16xf32>,
        %parallel_loop3A_438 = vector.shape_cast %parallel_loop3A_437 : vector<1x16xf32> to vector<16xf32>
        %parallel_loop3A_439 = vector.shape_cast %parallel_loop3A_430 : vector<16xf32> to vector<1x16xf32>
        tpu.vector_store %arg12[%parallel_loop3A_435, %parallel_loop3A_436], %parallel_loop3A_439 {add = true, strides = array<i32>} : memref<128x128xf32, #tpu.memory_space<vmem>>, vector<1x16xf32>,
        %parallel_loop3A_440 = arith.index_cast %parallel_loop3A_355 : i32 to index
        %parallel_loop3A_441 = arith.constant 112 : index
        %parallel_loop3A_442 = tpu.vector_load %arg12[%parallel_loop3A_440, %parallel_loop3A_441] {strides = array<i32>} : memref<128x128xf32, #tpu.memory_space<vmem>>, vector<1x16xf32>,
        %parallel_loop3A_443 = vector.shape_cast %parallel_loop3A_442 : vector<1x16xf32> to vector<16xf32>
        %parallel_loop3A_444 = vector.shape_cast %parallel_loop3A_434 : vector<16xf32> to vector<1x16xf32>
        tpu.vector_store %arg12[%parallel_loop3A_440, %parallel_loop3A_441], %parallel_loop3A_444 {add = true, strides = array<i32>} : memref<128x128xf32, #tpu.memory_space<vmem>>, vector<1x16xf32>,
      } {sc.loop_unroll_factor = 4 : i64, sc.parallel_access}
      %mul3A_335 = arith.constant 128 : i32
      %mul3A_336 = arith.muli %add3A_321, %mul3A_335 : i32
      %add3A_337 = arith.addi %mul3A_2, %mul3A_336 : i32
      %dma_start3A_338 = arith.constant 0 : i32
      %dma_start3A_339 = tpu.memref_slice %arg5[%add3A_337, %dma_start3A_338] : memref<204800x128xf32, #tpu.memory_space<hbm>> -> memref<128x128xf32, #tpu.memory_space<hbm>>
      %dma_start3A_340 = arith.constant 0 : i32
      %dma_start3A_341 = tpu.memref_slice %arg5[%add3A_337, %dma_start3A_340] : memref<204800x128xf32, #tpu.memory_space<hbm>> -> memref<128x128xf32, #tpu.memory_space<hbm>>
      tpu.enqueue_dma source(%arg12 : memref<128x128xf32, #tpu.memory_space<vmem>>) target(%dma_start3A_341 : memref<128x128xf32, #tpu.memory_space<hbm>>) target_semaphore(%arg22 : memref<!tpu.dma_semaphore, #tpu.memory_space<semaphore_mem>>)
      %dma_wait3A_342 = arith.constant 0 : i32
      %dma_wait3A_343 = arith.constant 0 : i32
      %dma_wait3A_344 = tpu.memref_slice %arg5[%dma_wait3A_342, %dma_wait3A_343] : memref<204800x128xf32, #tpu.memory_space<hbm>> -> memref<128x128xf32, #tpu.memory_space<hbm>>
      %dma_wait3A_345 = arith.constant 0 : i32
      %dma_wait3A_346 = arith.constant 0 : i32
      %dma_wait3A_347 = tpu.memref_slice %arg5[%dma_wait3A_345, %dma_wait3A_346] : memref<204800x128xf32, #tpu.memory_space<hbm>> -> memref<128x128xf32, #tpu.memory_space<hbm>>
      tpu.wait_dma2 semaphore(%arg20 : memref<!tpu.dma_semaphore, #tpu.memory_space<semaphore_mem>>) src(%arg10 : memref<128x128xf32, #tpu.memory_space<vmem>>) dst(%dma_wait3A_347 : memref<128x128xf32, #tpu.memory_space<hbm>>)
      %add3A_348 = arith.constant 3 : i32
      %add3A_349 = arith.addi %add3A_321, %add3A_348 : i32
      %lt3A_350 = arith.constant 50 : i32
      %lt3A_351 = arith.cmpi slt, %add3A_349, %lt3A_350 : i32
      %convert_element_type3A_352 = arith.extui %lt3A_351 : i1 to i32
      %cond3A_353 = arith.constant 0 : i32
      %cond3A_354 = arith.cmpi ne, %convert_element_type3A_352, %cond3A_353 : i32
      scf.if %cond3A_354 {
        %add3A_355 = arith.constant 3 : i32
        %add3A_356 = arith.addi %add3A_321, %add3A_355 : i32
        %dma_start3A_357 = arith.constant 0 : i32
        %dma_start3A_358 = tpu.memref_slice %arg7[%add3A_356, %dma_start3A_357] : memref<50x128xi32, #tpu.memory_space<vmem>> -> memref<1x128xi32, #tpu.memory_space<vmem>>
        %dma_start3A_359 = tpu.memref_squeeze %dma_start3A_358 : memref<1x128xi32, #tpu.memory_space<vmem>> -> memref<128xi32, #tpu.memory_space<vmem>>
        %dma_start3A_360 = arith.constant 0 : i32
        %dma_start3A_361 = arith.constant 0 : i32
        %dma_start3A_362 = tpu.memref_slice %arg3[%dma_start3A_360, %dma_start3A_361] : memref<1000000x128xf32, #tpu.memory_space<hbm>> -> memref<1000000x128xf32, #tpu.memory_space<hbm>>
        tpu.enqueue_indirect_dma source(%dma_start3A_362 : memref<1000000x128xf32, #tpu.memory_space<hbm>>) target(%arg10 : memref<128x128xf32, #tpu.memory_space<vmem>>) offsets(%dma_start3A_359 : memref<128xi32, #tpu.memory_space<vmem>>) semaphore(%arg15 : memref<!tpu.dma_semaphore, #tpu.memory_space<semaphore_mem>>)
      } else {
      }
    }
    %scan3A_167 = arith.constant 9 : i32
    %dma_wait3A_168 = arith.constant 0 : i32
    %dma_wait3A_169 = arith.constant 0 : i32
    %dma_wait3A_170 = tpu.memref_slice %arg5[%dma_wait3A_168, %dma_wait3A_169] : memref<204800x128xf32, #tpu.memory_space<hbm>> -> memref<128x128xf32, #tpu.memory_space<hbm>>
    %dma_wait3A_171 = arith.constant 0 : i32
    %dma_wait3A_172 = arith.constant 0 : i32
    %dma_wait3A_173 = tpu.memref_slice %arg5[%dma_wait3A_171, %dma_wait3A_172] : memref<204800x128xf32, #tpu.memory_space<hbm>> -> memref<128x128xf32, #tpu.memory_space<hbm>>
    tpu.wait_dma2 semaphore(%arg21 : memref<!tpu.dma_semaphore, #tpu.memory_space<semaphore_mem>>) src(%arg11 : memref<128x128xf32, #tpu.memory_space<vmem>>) dst(%dma_wait3A_173 : memref<128x128xf32, #tpu.memory_space<hbm>>)
    %dma_wait3A_174 = arith.constant 0 : i32
    %dma_wait3A_175 = arith.constant 0 : i32
    %dma_wait3A_176 = tpu.memref_slice %arg5[%dma_wait3A_174, %dma_wait3A_175] : memref<204800x128xf32, #tpu.memory_space<hbm>> -> memref<128x128xf32, #tpu.memory_space<hbm>>
    %dma_wait3A_177 = arith.constant 0 : i32
    %dma_wait3A_178 = arith.constant 0 : i32
    %dma_wait3A_179 = tpu.memref_slice %arg5[%dma_wait3A_177, %dma_wait3A_178] : memref<204800x128xf32, #tpu.memory_space<hbm>> -> memref<128x128xf32, #tpu.memory_space<hbm>>
    tpu.wait_dma2 semaphore(%arg22 : memref<!tpu.dma_semaphore, #tpu.memory_space<semaphore_mem>>) src(%arg12 : memref<128x128xf32, #tpu.memory_space<vmem>>) dst(%dma_wait3A_179 : memref<128x128xf32, #tpu.memory_space<hbm>>)
    return
  }
}

</mosaic_0001>

<sc_bundles>
// kernel: kernel.3.cloned.1.call-start
scs
__scs_entry_jumppad:
0x0: {  	(pc) =	sbr.rel $0x88, $3  }
0x1: {  	(tag) =	ssettag $0x0;
	lr =	simm.s32 $0x1  }
0x2: {  	[smem:$0x3F9E] =	sst lr;
	_ =	strace $0xD0000000  }
0x3: {  	_ = 	snop  }
0x4: {  	_ = 	snop  }
0x5: {  	_ = 	snop  }
0x6: {  	_ = 	snop  }
0x7: {  	_ = 	snop  }
__scs_overlays_trampoline_lowered:
0x8: {  	[smem:$0x3FAD] =	sst s0  }
0x9: {  	[smem:$0x3FAE] =	sst s1  }
0xa: {  	[smem:$0x3FAF] =	sst s2  }
0xb: {  	[smem:$0x3FB0] =	sst s3  }
0xc: {  	[smem:$0x3FB1] =	sst s4  }
0xd: {  	[smem:$0x3FB2] =	sst s5  }
0xe: {  	[smem:$0x3FB3] =	sst s6  }
0xf: {  	[smem:$0x3FB4] =	sst s7  }
0x10: {  	[smem:$0x3FB5] =	sst s8  }
0x11: {  	[smem:$0x3FB6] =	sst s9;
	s0 =	simm.s32 @!p0 $0x0  }
0x12: {  	s1 =	sld [smem:$0x3F9C];
	s0 =	simm.s32 @p0 $0x1  }
0x13: {  	[smem:$0x3FB7] =	sst s0;
	s0 =	simm.s32 @!p1 $0x0  }
0x14: {  	s2 =	sld [smem:$0x3F9B];
	s0 =	simm.s32 @p1 $0x1  }
0x15: {  	[smem:$0x3FB8] =	sst s0;
	s0 =	simm.s32 @!p2 $0x0  }
0x16: {  	s3 =	sld [smem:$0x3FDB];
	s0 =	simm.s32 @p2 $0x1  }
0x17: {  	s4 =	simm.s32 $0x1BF5;
	[smem:$0x3FBA] =	sst s0  }
0x18: {  	s0 =	sld [smem:$0x3F9D];
	_ =	swait.ge [sflag:s4], $0x0  }
0x19: {  	s7 =	sld [smem:$0x3F9E]  }
0x1a: {  	s8 =	sadd.s32 $0xFFFFE003, lr  }
0x1b: {  	s9 =	sadd.s32 $0xFFFFFEF7, lr;
	s5 =	simm.s32 $0xFFFFFFFF;
	p2 =	slt.u32 s8, $0xFFFFF086  }
0x1c: {  	p1 =	slt.u32 s9, $0xF7A;
	s5 =	simm.s32 @!p2 $0x0  }
0x1d: {  	s5 =	simm.s32 @p1 $0x1;
	p0 =	seq.s32 s7, s2  }
0x1e: {  	s7 =	smul.u32 @!p0 $0xF7A, s2;
	p2 =	seq.s32 @!p0 s5, $0x0  }
0x1f: {  	s9 =	smul.u32 $0xF7A, s1;
	s8 =	simm.s32 @!p0 $0x1BF5;
	p2 =	por !p2, p0  }
0x20: {  	[sflag:s8] =	ssyncset.s32 @!p0 $0xFFFFF086;
	s6 =	sadd.s32 @!p0 s3, s7;
	s7 =	simm.s32 @!p0 $0x108  }
0x21: {  	s3 =	sadd.s32 s3, s9;
	s6 =	sadd.s32 @!p0 $0x88, s6;
	s7 =	simm.s32 @p2 $0x1082  }
0x22: {  	[simem:s7], [sflag:s8] =	dma.local @!p0 [hbm:s6], $0xF7A  }
0x23: {  	s9 =	sor.u32 $0xD0000000, s2;
	s6 =	simm.s32 $0x108;
	_ =	swait.ge @!p0 [sflag:s8], $0x0  }
0x24: {  	s3 =	sadd.s32 $0x88, s3;
	s6 =	simm.s32 @!p1 $0x1082;
	[sflag:s4] =	ssyncset.s32 $0xFFFFF086  }
0x25: {  	[simem:s6], [sflag:s4] =	dma.local [hbm:s3], $0xF7A  }
0x26: {  	[smem:$0x3F9E] =	sst s1;
	(tag) =	ssettag s2;
	_ =	strace s9  }
0x27: {  	s1 =	sld [smem:$0x3FAE]  }
0x28: {  	s2 =	sld [smem:$0x3FAF]  }
0x29: {  	s4 =	sld [smem:$0x3FB1]  }
0x2a: {  	p0 =	seq.s32 s5, $0x0;
	s5 =	sld [smem:$0x3FB2]  }
0x2b: {  	s6 =	sld [smem:$0x3FB3]  }
0x2c: {  	s7 =	sld [smem:$0x3FB4]  }
0x2d: {  	s3 =	simm.s32 $0x108;
	s8 =	sld [smem:$0x3FB5]  }
0x2e: {  	s3 =	simm.s32 @!p0 $0x1082;
	s9 =	sld [smem:$0x3FB6]  }
0x2f: {  	lr =	sadd.s32 s0, s3;
	s0 =	sld [smem:$0x3FAD]  }
0x30: {  	s3 =	sld [smem:$0x3FB0]  }
0x31: {  	[smem:$0x3FB9] =	sst s10  }
0x32: {  	s10 =	sld [smem:$0x3FB7];
	_ =	sdelay $0x3  }
0x33: {  	p0 =	seq.s32 s10, $0x1;
	s10 =	sld [smem:$0x3FB9];
	_ =	sdelay $0x3  }
0x34: {  	[smem:$0x3FB9] =	sst s10  }
0x35: {  	s10 =	sld [smem:$0x3FB8];
	_ =	sdelay $0x3  }
0x36: {  	p1 =	seq.s32 s10, $0x1;
	s10 =	sld [smem:$0x3FB9];
	_ =	sdelay $0x3  }
0x37: {  	[smem:$0x3FB9] =	sst s10  }
0x38: {  	s10 =	sld [smem:$0x3FBA]  }
0x39: {  	_ = 	snop;
	(pc) =	sbr.ind lr, $3  }
0x3a: {  	_ = 	snop  }
0x3b: {  	_ = 	snop  }
0x3c: {  	p2 =	seq.s32 s10, $0x1;
	s10 =	sld [smem:$0x3FB9]  }
0x3d: {  	_ =	shalt  }
0x3e: {  	_ =	shalt  }
0x3f: {  	_ =	shalt  }
0x40: {  	_ =	shalt  }
0x41: {  	_ =	shalt  }
0x42: {  	_ =	shalt  }
0x43: {  	_ =	shalt  }
0x44: {  	_ =	shalt  }
0x45: {  	_ =	shalt  }
0x46: {  	_ =	shalt  }
0x47: {  	_ =	shalt  }
0x48: {  	_ =	shalt  }
0x49: {  	_ =	shalt  }
0x4a: {  	_ =	shalt  }
0x4b: {  	_ =	shalt  }
0x4c: {  	_ =	shalt  }
0x4d: {  	_ =	shalt  }
0x4e: {  	_ =	shalt  }
0x4f: {  	_ =	shalt  }
0x50: {  	_ =	shalt  }
0x51: {  	_ =	shalt  }
0x52: {  	_ =	shalt  }
0x53: {  	_ =	shalt  }
0x54: {  	_ =	shalt  }
0x55: {  	_ =	shalt  }
0x56: {  	_ =	shalt  }
0x57: {  	_ =	shalt  }
0x58: {  	_ =	shalt  }
0x59: {  	_ =	shalt  }
0x5a: {  	_ =	shalt  }
0x5b: {  	_ =	shalt  }
0x5c: {  	_ =	shalt  }
0x5d: {  	_ =	shalt  }
0x5e: {  	_ =	shalt  }
0x5f: {  	_ =	shalt  }
0x60: {  	_ =	shalt  }
0x61: {  	_ =	shalt  }
0x62: {  	_ =	shalt  }
0x63: {  	_ =	shalt  }
0x64: {  	_ =	shalt  }
0x65: {  	_ =	shalt  }
0x66: {  	_ =	shalt  }
0x67: {  	_ =	shalt  }
0x68: {  	_ =	shalt  }
0x69: {  	_ =	shalt  }
0x6a: {  	_ =	shalt  }
0x6b: {  	_ =	shalt  }
0x6c: {  	_ =	shalt  }
0x6d: {  	_ =	shalt  }
0x6e: {  	_ =	shalt  }
0x6f: {  	_ =	shalt  }
0x70: {  	_ =	shalt  }
0x71: {  	_ =	shalt  }
0x72: {  	_ =	shalt  }
0x73: {  	_ =	shalt  }
0x74: {  	_ =	shalt  }
0x75: {  	_ =	shalt  }
0x76: {  	_ =	shalt  }
0x77: {  	_ =	shalt  }
0x78: {  	_ =	shalt  }
0x79: {  	_ =	shalt  }
0x7a: {  	_ =	shalt  }
0x7b: {  	_ =	shalt  }
0x7c: {  	_ =	shalt  }
0x7d: {  	_ =	shalt  }
0x7e: {  	_ =	shalt  }
0x7f: {  	_ =	shalt  }
0x80: {  	_ =	shalt  }
0x81: {  	_ =	shalt  }
0x82: {  	_ =	shalt  }
0x83: {  	_ =	shalt  }
0x84: {  	_ =	shalt  }
0x85: {  	_ =	shalt  }
0x86: {  	_ =	shalt  }
0x87: {  	_ =	shalt  }
.Lfunc_end0:
.L_simem_size_0:
called_computation_lowered:
.L_overlay_start_0:
0x88: {  	s2 =	sld [smem:$0x3FD9]  }
0x89: {  	s3 =	sld [smem:$0x3FFE];
	_ =	sdelay $0x1  }
0x8a: {  	s1 =	srdreg.scid  }
0x8b: {  	s0 =	sand.u32 $0x1, s1  }
0x8c: {  	s17 =	sshll.u32 s0, $0xA;
	s2 =	sadd.s32 s3, s2  }
0x8d: {  	s2 =	sadd.s32 s2, s17  }
0x8e: {  	[smem:$0x3FC5] =	sst s2  }
0x8f: {  	_ = 	snop  }
0x90: {  	s2 =	sld [smem:$0x3FC8]  }
0x91: {  	s18 =	sld [smem:$0x3FD0];
	(tm) =	ssettm $0x1  }
0x92: {  	s4 =	sld [smem:$0x3FFB];
	_ =	sdelay $0x3  }
0x93: {  	_ =	strace s4  }
0x94: {  	s4 =	sld [smem:$0x3FFC];
	_ =	sdelay $0x3  }
0x95: {  	_ =	strace s4  }
0x96: {  	s4 =	sld [smem:$0x3FFD];
	_ =	sdelay $0x3  }
0x97: {  	_ =	strace s4  }
0x98: {  	_ =	strace $0x8FFFFFFF  }
0x99: {  	s19 =	sld [smem:$0x3FDB];
	_ =	sdelay $0x1  }
0x9a: {  	s5 =	simm.s32 $_scs_section_size  }
0x9b: {  	s6 =	simm.s32 $_size__tile_overlayer_lowered;
	s7 =	simm.s32 $_tile_overlayer_lowered  }
0x9c: {  	s22 =	simm.s32 $0x1BFF;
	s21 =	sshll.u32 s7, $0x1;
	s4 =	sadd.s32 s5, s19  }
0x9d: {  	s8 =	simm.s32 $0x0;
	s20 =	sshll.u32 s6, $0x1;
	s6 =	sadd.s32 s21, s4  }
0x9e: {  	[timem:s8], [sflag:s22] =	dma.local [hbm:s6], s20  }
0x9f: {  	_ =	swait.ge [sflag:s22], s20  }
0xa0: {  	s5 =	ssub.s32 $0x0, s20;
	[sflag:s22] =	ssyncset.done $0x0  }
0xa1: {  	[sflag:s22] =	ssyncadd.s32 s5;
	_ =	sdelay $0x1  }
0xa2: {  	s23 =	simm.s32 $0x1B8B  }
0xa3: {  	_ =	swait.ge [sflag:s23], $0x1  }
0xa4: {  	[sflag:s23] =	ssyncset.done $0x0  }
0xa5: {  	s25 =	simm.s32 $0x1B8E;
	s24 =	sld [smem:$0x3FFE];
	[sflag:s23] =	ssyncadd.s32 $0xFFFFFFFF  }
0xa6: {  	s26 =	simm.s32 $execute0_lowered;
	[smem:$0x3FD2] =	sst s25  }
0xa7: {  	s6 =	sshll.u32 s26, $0x1;
	_ =	strace $0x80000046;
	[dreg:$0x1] =	wrdreg $0xFFFFFFFF  }
0xa8: {  	s28 =	simm.s32 $_size_execute0_lowered;
	s4 =	sadd.s32 s4, s6;
	[dreg:$0x0] =	wrdreg $0x0  }
0xa9: {  	s6 =	sshll.u32 s28, $0x1;
	[dreg:$0x2] =	wrdreg s4  }
0xaa: {  	[dreg:$0x3] =	wrdreg s6  }
0xab: {  	[dreg:$0x4] =	wrdreg $0xC0  }
0xac: {  	_ =	task [dreg:s8], $0x5FFFF  }
0xad: {  	[dreg:$0x1] =	wrdreg $0xFFFFFFFF  }
0xae: {  	[dreg:$0x0] =	wrdreg $0x60  }
0xaf: {  	[dreg:$0x2] =	wrdreg s24  }
0xb0: {  	[dreg:$0x3] =	wrdreg s2  }
0xb1: {  	[dreg:$0x4] =	wrdreg s18  }
0xb2: {  	[dreg:$0x5] =	wrdreg $0x9  }
0xb3: {  	_ =	task.clear_ibuf [dreg:s8], $0x6FFFF;
	_ =	strace $0x90000046  }
0xb4: {  	s29 =	simm.s32 $0x9;
	_ =	strace $0x80000048  }
0xb5: {  	_ =	swait.ge [sflag:s29], $0x1  }
0xb6: {  	[sflag:s29] =	ssyncadd.s32 $0xFFFFFFFF  }
0xb7: {  	_ =	strace $0x90000048  }
0xb8: {  	_ =	sfence  }
0xb9: {  	s30 =	sld [smem:$0x0];
	_ =	sdelay $0x2  }
0xba: {  	s31 =	sshll.u32 s1, $0xD;
	s1 =	sshrl.u32 s1, $0x2  }
0xbb: {  	s3 =	sand.u32 $0x4000, s31;
	s1 =	sadd.s32 s1, s30  }
0xbc: {  	s0 =	sor.u32 s3, s0;
	s1 =	sshll.u32 s1, $0x11  }
0xbd: {  	s0 =	sor.u32 s1, s0  }
0xbe: {  	s0 =	sadd.s32 $0x8F2B, s0  }
0xbf: {  	[sflag:s0] =	ssyncadd.remote.s32 $0x1  }
0xc0: {  	_ =	sfence.sel $0xFFFF  }
0xc1: {  	[dreg:$0x0] =	wrdreg $0xFFFFFFFF;
	(pc) =	sbr.abs _section_cstart, $3  }
0xc2: {  	[dreg:$0x1] =	wrdreg $0xFFFFFFFF  }
0xc3: {  	_ =	task.clear_ibuf [dreg:s8], $0x2FFFF;
	_ =	strace $0x9FFFFFFF  }
0xc4: {  	(tm) =	ssettm $0x7FFFFFFF  }
0xc5: {  	_ =	shalt  }
tec
execute0_lowered:
.L_overlay_start_1:
0x0: {  	(tag) =	ssettag $0x1  }
0x1: {  	s0 =	rddreg [dreg:$0x0];
	s1 =	srdreg.scid  }
0x2: {  	s3 =	stileid.u32;
	s2 =	rddreg [dreg:$0x1];
	s28 =	simm.s32 $0x0  }
0x3: {  	s16 =	simm.s32 $0x80;
	s1 =	sand.u32 $0x1, s1;
	s4 =	sshll.u32 s3, $0x1  }
0x4: {  	s29 =	simm.s32 $0x13C00;
	s30 =	simm.s32 $0x17C00;
	s4 =	sor.u32 s1, s4  }
0x5: {  	s20 =	simm.s32 $0x5;
	s3 =	rddreg [dreg:$0x2];
	s5 =	smul.u32 $0x380, s4  }
0x6: {  	[smem:$0x7FF] =	sst s28;
	s1 =	ssub.s32 $0x2, s1;
	s7 =	smul.u32 $0x19000, s4  }
0x7: {  	_ =	strace $0x80000047;
	s6 =	sshrl.u32 s1, $0x1;
	s8 =	smul.u32 $0xC8000, s4  }
0x8: {  	s22 =	ssub.s32 s1, s6;
	s5 =	sadd.s32 s5, s0;
	s0 =	sadd.s32 $0x400, s0  }
0x9: {  	s6 =	smul.u32 $0x1900, s4;
	s23 =	sadd.s32 s3, s7;
	[dreg:$0x4] =	wrdreg s0  }
0xa: {  	s24 =	sshrl.u32 s8, $0x3;
	s5 =	sadd.s32 $0x1800, s5;
	[dreg:$0x5] =	wrdreg s23  }
0xb: {  	s4 =	sadd.s32 $0x800, s23;
	s1 =	sadd.s32 s3, s24;
	[dreg:$0x6] =	wrdreg s5  }
.Ltmp0:
0xc: {  	s0 =	smax.u32 s22, $0x1;
	[dreg:$0x7] =	wrdreg s4;
	(pc) =	sbr.rel .LBB2_1-.Ltmp0, $4  }
0xd: {  	s31 =	simm.s32 $0x9;
	s25 =	sadd.s32 $0x1000, s1;
	[dreg:$0xb] =	wrdreg s0  }
0xe: {  	s18 =	simm.s32 $0xA;
	s26 =	sadd.s32 $0x1800, s1;
	[dreg:$0x8] =	wrdreg s25  }
0xf: {  	s23 =	simm.s32 $0x8;
	s1 =	sadd.s32 $0x2000, s1;
	[dreg:$0x9] =	wrdreg s26  }
0x10: {  	s0 =	simm.s32 $0x7;
	s4 =	simm.s32 $0x0;
	[dreg:$0xa] =	wrdreg s1  }
.LBB2_24:
0x11: {  	_ =	swait.ge [sflag:s31], $0x4000  }
0x12: {  	[sflag:s31] =	ssyncset.done $0x0  }
0x13: {  	[sflag:s31] =	ssyncadd.s32 $0xFFFFC000  }
0x14: {  	_ =	swait.ge [sflag:s18], $0x4000  }
0x15: {  	s4 =	rddreg [dreg:$0xc]  }
0x16: {  	s1 =	rddreg [dreg:$0xb];
	s4 =	sadd.s32 $0x1, s4  }
0x17: {  	p0 =	sne.s32 s4, s1  }
.Ltmp1:
0x18: {  	_ = 	snop;
	(pc) =	sbr.rel @!p0 .LBB2_25-.Ltmp1, $3  }
0x19: {  	_ =	sdelay $0x1  }
0x1a: {  	[sflag:s18] =	ssyncset.done $0x0  }
0x1b: {  	[sflag:s18] =	ssyncadd.s32 $0xFFFFC000  }
.LBB2_1:
0x1c: {  	[dreg:$0xc] =	wrdreg s4  }
0x1d: {  	s1 =	rddreg [dreg:$0x6];
	s17 =	simm.s32 $0xA000;
	s5 =	simm.s32 $0xB  }
0x1e: {  	[tilespmem:s17], [sflag:$0xB] =	stream.linear.gather [hbm4b:s1+s28], $0x1900, $0x38;
	[tilespmem:$0x1FC00] =	vst v63  }
0x1f: {  	_ =	swait.ge [sflag:s5], $0x1900  }
0x20: {  	[sflag:s5] =	ssyncset.done $0x0  }
0x21: {  	s19 =	simm.s32 $0xBC00;
	[sflag:s5] =	ssyncadd.s32 $0xFFFFE700  }
0x22: {  	[tilespmem:s19], [sflag:$0x1] =	stream.indirect.gather [hbm4b:s2+s16], $0x80, s17, s16, $0xb8;
	[tilespmem:$0x1FC00] =	vst v63  }
0x23: {  	s21 =	simm.s32 $0xA080;
	s22 =	simm.s32 $0xFC00  }
0x24: {  	[tilespmem:s22], [sflag:$0x2] =	stream.indirect.gather [hbm4b:s2+s16], $0x80, s21, s16, $0xb8;
	[tilespmem:$0x1FC00] =	vst v63  }
0x25: {  	s24 =	simm.s32 $0xA100  }
0x26: {  	[tilespmem:s29], [sflag:$0x3] =	stream.indirect.gather [hbm4b:s2+s16], $0x80, s24, s16, $0xb8;
	[tilespmem:$0x1FC00] =	vst v63  }
0x27: {  	s25 =	rddreg [dreg:$0x4]  }
0x28: {  	[tilespmem:s28], [sflag:$0xB] =	stream.linear.gather [hbm4b:s25+s28], $0xA000, $0x38;
	[tilespmem:$0x1FC00] =	vst v63  }
0x29: {  	_ =	swait.ge [sflag:s5], $0xA000  }
0x2a: {  	[sflag:s5] =	ssyncset.done $0x0  }
0x2b: {  	s26 =	simm.s32 $0x1;
	[sflag:s5] =	ssyncadd.s32 $0xFFFF6000  }
0x2c: {  	_ =	swait.ge [sflag:s26], $0x4000  }
0x2d: {  	[sflag:s26] =	ssyncset.done $0x0  }
0x2e: {  	s4 =	simm.s32 $0x0;
	[sflag:s26] =	ssyncadd.s32 $0xFFFFC000  }
0x2f: {  	v0 =	vld [tilespmem:s4+$0x1B0]  }
0x30: {  	v1 =	vld [tilespmem:s4+$0x0]  }
0x31: {  	v2 =	vld [tilespmem:s4+$0x10]  }
0x32: {  	v3 =	vld [tilespmem:s4+$0x20]  }
0x33: {  	v4 =	vld [tilespmem:s4+$0x30]  }
0x34: {  	v5 =	vld [tilespmem:s4+$0x80]  }
0x35: {  	v62 =	vld [tilespmem:s4+$0x90]  }
0x36: {  	v7 =	vld [tilespmem:s4+$0xA0]  }
0x37: {  	v8 =	vld [tilespmem:s4+$0xB0]  }
0x38: {  	v9 =	vld [tilespmem:s4+$0x100]  }
0x39: {  	v10 =	vld [tilespmem:s4+$0x110]  }
0x3a: {  	v11 =	vld [tilespmem:s4+$0x120]  }
0x3b: {  	v12 =	vld [tilespmem:s4+$0x130]  }
0x3c: {  	v13 =	vld [tilespmem:s4+$0x180]  }
0x3d: {  	v14 =	vld [tilespmem:s4+$0x190]  }
0x3e: {  	v16 =	vld [tilespmem:s4+$0x1A0];
	v6 =	vand.u32 $0xFFFF0000, v0  }
0x3f: {  	v15 =	vshll.u32 v1, $0x10;
	[tilespmem:s4+$0xBDF0] =	vst.add.f32.msk $0xffff, v6  }
0x40: {  	v1 =	vand.u32 $0xFFFF0000, v1;
	[tilespmem:s4+$0xBC00] =	vst.add.f32.msk $0xffff, v15  }
0x41: {  	v63 =	vshll.u32 v2, $0x10;
	[tilespmem:s4+$0xBC10] =	vst.add.f32.msk $0xffff, v1  }
0x42: {  	v1 =	vand.u32 $0xFFFF0000, v2;
	[tilespmem:s4+$0xBC20] =	vst.add.f32.msk $0xffff, v63  }
0x43: {  	v2 =	vshll.u32 v3, $0x10;
	[tilespmem:s4+$0xBC30] =	vst.add.f32.msk $0xffff, v1  }
0x44: {  	v1 =	vand.u32 $0xFFFF0000, v3;
	[tilespmem:s4+$0xBC40] =	vst.add.f32.msk $0xffff, v2  }
0x45: {  	v2 =	vshll.u32 v4, $0x10;
	[tilespmem:s4+$0xBC50] =	vst.add.f32.msk $0xffff, v1  }
0x46: {  	v1 =	vand.u32 $0xFFFF0000, v4;
	[tilespmem:s4+$0xBC60] =	vst.add.f32.msk $0xffff, v2  }
0x47: {  	v2 =	vshll.u32 v5, $0x10;
	[tilespmem:s4+$0xBC70] =	vst.add.f32.msk $0xffff, v1  }
0x48: {  	v1 =	vand.u32 $0xFFFF0000, v5;
	[tilespmem:s4+$0xBC80] =	vst.add.f32.msk $0xffff, v2  }
0x49: {  	v2 =	vshll.u32 v62, $0x10;
	[tilespmem:s4+$0xBC90] =	vst.add.f32.msk $0xffff, v1  }
0x4a: {  	v1 =	vand.u32 $0xFFFF0000, v62;
	[tilespmem:s4+$0xBCA0] =	vst.add.f32.msk $0xffff, v2  }
0x4b: {  	v2 =	vshll.u32 v7, $0x10;
	[tilespmem:s4+$0xBCB0] =	vst.add.f32.msk $0xffff, v1  }
0x4c: {  	v1 =	vand.u32 $0xFFFF0000, v7;
	[tilespmem:s4+$0xBCC0] =	vst.add.f32.msk $0xffff, v2  }
0x4d: {  	v2 =	vshll.u32 v8, $0x10;
	[tilespmem:s4+$0xBCD0] =	vst.add.f32.msk $0xffff, v1  }
0x4e: {  	v1 =	vand.u32 $0xFFFF0000, v8;
	[tilespmem:s4+$0xBCE0] =	vst.add.f32.msk $0xffff, v2  }
0x4f: {  	v2 =	vshll.u32 v9, $0x10;
	[tilespmem:s4+$0xBCF0] =	vst.add.f32.msk $0xffff, v1  }
0x50: {  	v1 =	vand.u32 $0xFFFF0000, v9;
	[tilespmem:s4+$0xBD00] =	vst.add.f32.msk $0xffff, v2  }
0x51: {  	v2 =	vshll.u32 v10, $0x10;
	[tilespmem:s4+$0xBD10] =	vst.add.f32.msk $0xffff, v1  }
0x52: {  	v1 =	vand.u32 $0xFFFF0000, v10;
	[tilespmem:s4+$0xBD20] =	vst.add.f32.msk $0xffff, v2  }
0x53: {  	v2 =	vshll.u32 v11, $0x10;
	[tilespmem:s4+$0xBD30] =	vst.add.f32.msk $0xffff, v1  }
0x54: {  	v1 =	vand.u32 $0xFFFF0000, v11;
	[tilespmem:s4+$0xBD40] =	vst.add.f32.msk $0xffff, v2  }
0x55: {  	v2 =	vshll.u32 v12, $0x10;
	[tilespmem:s4+$0xBD50] =	vst.add.f32.msk $0xffff, v1  }
0x56: {  	v1 =	vand.u32 $0xFFFF0000, v12;
	[tilespmem:s4+$0xBD60] =	vst.add.f32.msk $0xffff, v2  }
0x57: {  	v2 =	vshll.u32 v13, $0x10;
	[tilespmem:s4+$0xBD70] =	vst.add.f32.msk $0xffff, v1  }
0x58: {  	v1 =	vand.u32 $0xFFFF0000, v13;
	[tilespmem:s4+$0xBD80] =	vst.add.f32.msk $0xffff, v2  }
0x59: {  	v2 =	vshll.u32 v14, $0x10;
	[tilespmem:s4+$0xBD90] =	vst.add.f32.msk $0xffff, v1  }
0x5a: {  	v1 =	vand.u32 $0xFFFF0000, v14;
	[tilespmem:s4+$0xBDA0] =	vst.add.f32.msk $0xffff, v2  }
0x5b: {  	v2 =	vshll.u32 v16, $0x10;
	[tilespmem:s4+$0xBDB0] =	vst.add.f32.msk $0xffff, v1  }
0x5c: {  	v1 =	vand.u32 $0xFFFF0000, v16;
	[tilespmem:s4+$0xBDC0] =	vst.add.f32.msk $0xffff, v2  }
0x5d: {  	s7 =	simm.s32 $0x800;
	s5 =	simm.s32 $0x0;
	v0 =	vshll.u32 v0, $0x10;
	[tilespmem:s4+$0xBDD0] =	vst.add.f32.msk $0xffff, v1  }
.LBB2_2:
0x5e: {  	s5 =	sadd.s32 $0x4, s5;
	[tilespmem:s4+$0xBDE0] =	vst.add.f32.msk $0xffff, v0;
	s4 =	sshra.s32 s7, $0x2  }
0x5f: {  	v1 =	vld [tilespmem:s4+$0x1B0];
	p0 =	slt.u32 s5, $0x7C  }
0x60: {  	v2 =	vld [tilespmem:s4+$0x0]  }
0x61: {  	v3 =	vld [tilespmem:s4+$0x10]  }
0x62: {  	v4 =	vld [tilespmem:s4+$0x20]  }
0x63: {  	v5 =	vld [tilespmem:s4+$0x30]  }
0x64: {  	v6 =	vld [tilespmem:s4+$0x80];
	v0 =	vshll.u32 v1, $0x10;
	v1 =	vand.u32 $0xFFFF0000, v1  }
0x65: {  	v7 =	vshll.u32 v2, $0x10;
	v2 =	vand.u32 $0xFFFF0000, v2;
	[tilespmem:s4+$0xBDF0] =	vst.add.f32.msk $0xffff, v1  }
0x66: {  	v1 =	vshll.u32 v3, $0x10;
	v3 =	vand.u32 $0xFFFF0000, v3;
	v8 =	vld [tilespmem:s4+$0x90]  }
0x67: {  	v9 =	vshll.u32 v4, $0x10;
	v4 =	vand.u32 $0xFFFF0000, v4;
	v10 =	vld [tilespmem:s4+$0xA0]  }
0x68: {  	v11 =	vshll.u32 v5, $0x10;
	v5 =	vand.u32 $0xFFFF0000, v5;
	v12 =	vld [tilespmem:s4+$0xB0]  }
0x69: {  	v13 =	vshll.u32 v6, $0x10;
	v6 =	vand.u32 $0xFFFF0000, v6;
	v14 =	vld [tilespmem:s4+$0x100]  }
0x6a: {  	v15 =	vld [tilespmem:s4+$0x110]  }
0x6b: {  	v16 =	vshll.u32 v8, $0x10;
	v8 =	vand.u32 $0xFFFF0000, v8;
	v17 =	vld [tilespmem:s4+$0x120]  }
0x6c: {  	v18 =	vshll.u32 v10, $0x10;
	v10 =	vand.u32 $0xFFFF0000, v10;
	v19 =	vld [tilespmem:s4+$0x130]  }
0x6d: {  	v20 =	vshll.u32 v12, $0x10;
	v12 =	vand.u32 $0xFFFF0000, v12;
	v21 =	vld [tilespmem:s4+$0x180]  }
0x6e: {  	v22 =	vshll.u32 v14, $0x10;
	v14 =	vand.u32 $0xFFFF0000, v14;
	v23 =	vld [tilespmem:s4+$0x190]  }
0x6f: {  	v24 =	vshll.u32 v15, $0x10;
	v15 =	vand.u32 $0xFFFF0000, v15;
	v25 =	vld [tilespmem:s4+$0x1A0]  }
0x70: {  	[tilespmem:s4+$0xBC00] =	vst.add.f32.msk $0xffff, v7;
	v7 =	vshll.u32 v17, $0x10;
	v17 =	vand.u32 $0xFFFF0000, v17  }
0x71: {  	[tilespmem:s4+$0xBC10] =	vst.add.f32.msk $0xffff, v2;
	v2 =	vshll.u32 v19, $0x10;
	v19 =	vand.u32 $0xFFFF0000, v19  }
0x72: {  	[tilespmem:s4+$0xBC20] =	vst.add.f32.msk $0xffff, v1;
	v1 =	vshll.u32 v21, $0x10;
	v21 =	vand.u32 $0xFFFF0000, v21  }
0x73: {  	[tilespmem:s4+$0xBC30] =	vst.add.f32.msk $0xffff, v3;
	v3 =	vshll.u32 v23, $0x10;
	v23 =	vand.u32 $0xFFFF0000, v23  }
0x74: {  	[tilespmem:s4+$0xBC40] =	vst.add.f32.msk $0xffff, v9;
	v9 =	vshll.u32 v25, $0x10;
	v25 =	vand.u32 $0xFFFF0000, v25  }
0x75: {  	[tilespmem:s4+$0xBC50] =	vst.add.f32.msk $0xffff, v4  }
0x76: {  	[tilespmem:s4+$0xBC60] =	vst.add.f32.msk $0xffff, v11  }
0x77: {  	[tilespmem:s4+$0xBC70] =	vst.add.f32.msk $0xffff, v5  }
0x78: {  	[tilespmem:s4+$0xBC80] =	vst.add.f32.msk $0xffff, v13  }
0x79: {  	[tilespmem:s4+$0xBC90] =	vst.add.f32.msk $0xffff, v6  }
0x7a: {  	[tilespmem:s4+$0xBCA0] =	vst.add.f32.msk $0xffff, v16  }
0x7b: {  	[tilespmem:s4+$0xBCB0] =	vst.add.f32.msk $0xffff, v8  }
0x7c: {  	[tilespmem:s4+$0xBCC0] =	vst.add.f32.msk $0xffff, v18  }
0x7d: {  	[tilespmem:s4+$0xBCD0] =	vst.add.f32.msk $0xffff, v10  }
0x7e: {  	[tilespmem:s4+$0xBCE0] =	vst.add.f32.msk $0xffff, v20  }
0x7f: {  	[tilespmem:s4+$0xBCF0] =	vst.add.f32.msk $0xffff, v12  }
0x80: {  	[tilespmem:s4+$0xBD00] =	vst.add.f32.msk $0xffff, v22  }
0x81: {  	[tilespmem:s4+$0xBD10] =	vst.add.f32.msk $0xffff, v14  }
0x82: {  	[tilespmem:s4+$0xBD20] =	vst.add.f32.msk $0xffff, v24  }
0x83: {  	[tilespmem:s4+$0xBD30] =	vst.add.f32.msk $0xffff, v15  }
0x84: {  	[tilespmem:s4+$0xBD40] =	vst.add.f32.msk $0xffff, v7  }
0x85: {  	[tilespmem:s4+$0xBD50] =	vst.add.f32.msk $0xffff, v17  }
0x86: {  	[tilespmem:s4+$0xBD60] =	vst.add.f32.msk $0xffff, v2  }
0x87: {  	[tilespmem:s4+$0xBD70] =	vst.add.f32.msk $0xffff, v19  }
0x88: {  	[tilespmem:s4+$0xBD80] =	vst.add.f32.msk $0xffff, v1  }
.Ltmp2:
0x89: {  	[tilespmem:s4+$0xBD90] =	vst.add.f32.msk $0xffff, v21;
	(pc) =	sbr.rel @p0 .LBB2_2-.Ltmp2, $4  }
0x8a: {  	[tilespmem:s4+$0xBDA0] =	vst.add.f32.msk $0xffff, v3  }
0x8b: {  	[tilespmem:s4+$0xBDB0] =	vst.add.f32.msk $0xffff, v23  }
0x8c: {  	[tilespmem:s4+$0xBDC0] =	vst.add.f32.msk $0xffff, v9  }
0x8d: {  	s7 =	sadd.s32 $0x800, s7;
	[tilespmem:s4+$0xBDD0] =	vst.add.f32.msk $0xffff, v25  }
0x8e: {  	[tilespmem:s4+$0xBDE0] =	vst.add.f32.msk $0xffff, v0  }
0x8f: {  	s1 =	simm.s32 $0x0;
	s5 =	simm.s32 $0xBC00;
	s4 =	rddreg [dreg:$0x5]  }
0x90: {  	[hbm4b:s4+s1] =	stream.linear.scatter [tilespmem:s5], [sflag:$0x6], $0x4000, $0x38;
	[tilespmem:$0x1FC00] =	vst v63  }
0x91: {  	s25 =	simm.s32 $0xA180;
	s26 =	simm.s32 $0x2  }
0x92: {  	[tilespmem:s30], [sflag:$0x4] =	stream.indirect.gather [hbm4b:s2+s16], $0x80, s25, s16, $0xb8;
	[tilespmem:$0x1FC00] =	vst v63  }
0x93: {  	_ =	swait.ge [sflag:s26], $0x4000  }
0x94: {  	[sflag:s26] =	ssyncset.done $0x0  }
0x95: {  	s4 =	simm.s32 $0x0;
	[sflag:s26] =	ssyncadd.s32 $0xFFFFC000  }
0x96: {  	v0 =	vld [tilespmem:s4+$0x41B0]  }
0x97: {  	v1 =	vld [tilespmem:s4+$0x4000]  }
0x98: {  	v2 =	vld [tilespmem:s4+$0x4010]  }
0x99: {  	v3 =	vld [tilespmem:s4+$0x4020]  }
0x9a: {  	v4 =	vld [tilespmem:s4+$0x4030]  }
0x9b: {  	v5 =	vld [tilespmem:s4+$0x4080]  }
0x9c: {  	v62 =	vld [tilespmem:s4+$0x4090]  }
0x9d: {  	v7 =	vld [tilespmem:s4+$0x40A0]  }
0x9e: {  	v8 =	vld [tilespmem:s4+$0x40B0]  }
0x9f: {  	v9 =	vld [tilespmem:s4+$0x4100]  }
0xa0: {  	v10 =	vld [tilespmem:s4+$0x4110]  }
0xa1: {  	v11 =	vld [tilespmem:s4+$0x4120]  }
0xa2: {  	v12 =	vld [tilespmem:s4+$0x4130]  }
0xa3: {  	v13 =	vld [tilespmem:s4+$0x4180]  }
0xa4: {  	v14 =	vld [tilespmem:s4+$0x4190]  }
0xa5: {  	v16 =	vld [tilespmem:s4+$0x41A0];
	v6 =	vand.u32 $0xFFFF0000, v0  }
0xa6: {  	v15 =	vshll.u32 v1, $0x10;
	[tilespmem:s4+$0xFDF0] =	vst.add.f32.msk $0xffff, v6  }
0xa7: {  	v1 =	vand.u32 $0xFFFF0000, v1;
	[tilespmem:s4+$0xFC00] =	vst.add.f32.msk $0xffff, v15  }
0xa8: {  	v63 =	vshll.u32 v2, $0x10;
	[tilespmem:s4+$0xFC10] =	vst.add.f32.msk $0xffff, v1  }
0xa9: {  	v1 =	vand.u32 $0xFFFF0000, v2;
	[tilespmem:s4+$0xFC20] =	vst.add.f32.msk $0xffff, v63  }
0xaa: {  	v2 =	vshll.u32 v3, $0x10;
	[tilespmem:s4+$0xFC30] =	vst.add.f32.msk $0xffff, v1  }
0xab: {  	v1 =	vand.u32 $0xFFFF0000, v3;
	[tilespmem:s4+$0xFC40] =	vst.add.f32.msk $0xffff, v2  }
0xac: {  	v2 =	vshll.u32 v4, $0x10;
	[tilespmem:s4+$0xFC50] =	vst.add.f32.msk $0xffff, v1  }
0xad: {  	v1 =	vand.u32 $0xFFFF0000, v4;
	[tilespmem:s4+$0xFC60] =	vst.add.f32.msk $0xffff, v2  }
0xae: {  	v2 =	vshll.u32 v5, $0x10;
	[tilespmem:s4+$0xFC70] =	vst.add.f32.msk $0xffff, v1  }
0xaf: {  	v1 =	vand.u32 $0xFFFF0000, v5;
	[tilespmem:s4+$0xFC80] =	vst.add.f32.msk $0xffff, v2  }
0xb0: {  	v2 =	vshll.u32 v62, $0x10;
	[tilespmem:s4+$0xFC90] =	vst.add.f32.msk $0xffff, v1  }
0xb1: {  	v1 =	vand.u32 $0xFFFF0000, v62;
	[tilespmem:s4+$0xFCA0] =	vst.add.f32.msk $0xffff, v2  }
0xb2: {  	v2 =	vshll.u32 v7, $0x10;
	[tilespmem:s4+$0xFCB0] =	vst.add.f32.msk $0xffff, v1  }
0xb3: {  	v1 =	vand.u32 $0xFFFF0000, v7;
	[tilespmem:s4+$0xFCC0] =	vst.add.f32.msk $0xffff, v2  }
0xb4: {  	v2 =	vshll.u32 v8, $0x10;
	[tilespmem:s4+$0xFCD0] =	vst.add.f32.msk $0xffff, v1  }
0xb5: {  	v1 =	vand.u32 $0xFFFF0000, v8;
	[tilespmem:s4+$0xFCE0] =	vst.add.f32.msk $0xffff, v2  }
0xb6: {  	v2 =	vshll.u32 v9, $0x10;
	[tilespmem:s4+$0xFCF0] =	vst.add.f32.msk $0xffff, v1  }
0xb7: {  	v1 =	vand.u32 $0xFFFF0000, v9;
	[tilespmem:s4+$0xFD00] =	vst.add.f32.msk $0xffff, v2  }
0xb8: {  	v2 =	vshll.u32 v10, $0x10;
	[tilespmem:s4+$0xFD10] =	vst.add.f32.msk $0xffff, v1  }
0xb9: {  	v1 =	vand.u32 $0xFFFF0000, v10;
	[tilespmem:s4+$0xFD20] =	vst.add.f32.msk $0xffff, v2  }
0xba: {  	v2 =	vshll.u32 v11, $0x10;
	[tilespmem:s4+$0xFD30] =	vst.add.f32.msk $0xffff, v1  }
0xbb: {  	v1 =	vand.u32 $0xFFFF0000, v11;
	[tilespmem:s4+$0xFD40] =	vst.add.f32.msk $0xffff, v2  }
0xbc: {  	v2 =	vshll.u32 v12, $0x10;
	[tilespmem:s4+$0xFD50] =	vst.add.f32.msk $0xffff, v1  }
0xbd: {  	v1 =	vand.u32 $0xFFFF0000, v12;
	[tilespmem:s4+$0xFD60] =	vst.add.f32.msk $0xffff, v2  }
0xbe: {  	v2 =	vshll.u32 v13, $0x10;
	[tilespmem:s4+$0xFD70] =	vst.add.f32.msk $0xffff, v1  }
0xbf: {  	v1 =	vand.u32 $0xFFFF0000, v13;
	[tilespmem:s4+$0xFD80] =	vst.add.f32.msk $0xffff, v2  }
0xc0: {  	v2 =	vshll.u32 v14, $0x10;
	[tilespmem:s4+$0xFD90] =	vst.add.f32.msk $0xffff, v1  }
0xc1: {  	v1 =	vand.u32 $0xFFFF0000, v14;
	[tilespmem:s4+$0xFDA0] =	vst.add.f32.msk $0xffff, v2  }
0xc2: {  	v2 =	vshll.u32 v16, $0x10;
	[tilespmem:s4+$0xFDB0] =	vst.add.f32.msk $0xffff, v1  }
0xc3: {  	v1 =	vand.u32 $0xFFFF0000, v16;
	[tilespmem:s4+$0xFDC0] =	vst.add.f32.msk $0xffff, v2  }
0xc4: {  	s7 =	simm.s32 $0x800;
	s5 =	simm.s32 $0x0;
	v0 =	vshll.u32 v0, $0x10;
	[tilespmem:s4+$0xFDD0] =	vst.add.f32.msk $0xffff, v1  }
.LBB2_4:
0xc5: {  	s5 =	sadd.s32 $0x4, s5;
	[tilespmem:s4+$0xFDE0] =	vst.add.f32.msk $0xffff, v0;
	s4 =	sshra.s32 s7, $0x2  }
0xc6: {  	v1 =	vld [tilespmem:s4+$0x41B0];
	p0 =	slt.u32 s5, $0x7C  }
0xc7: {  	v2 =	vld [tilespmem:s4+$0x4000]  }
0xc8: {  	v3 =	vld [tilespmem:s4+$0x4010]  }
0xc9: {  	v4 =	vld [tilespmem:s4+$0x4020]  }
0xca: {  	v5 =	vld [tilespmem:s4+$0x4030]  }
0xcb: {  	v6 =	vld [tilespmem:s4+$0x4080];
	v0 =	vshll.u32 v1, $0x10;
	v1 =	vand.u32 $0xFFFF0000, v1  }
0xcc: {  	v7 =	vshll.u32 v2, $0x10;
	v2 =	vand.u32 $0xFFFF0000, v2;
	[tilespmem:s4+$0xFDF0] =	vst.add.f32.msk $0xffff, v1  }
0xcd: {  	v1 =	vshll.u32 v3, $0x10;
	v3 =	vand.u32 $0xFFFF0000, v3;
	v8 =	vld [tilespmem:s4+$0x4090]  }
0xce: {  	v9 =	vshll.u32 v4, $0x10;
	v4 =	vand.u32 $0xFFFF0000, v4;
	v10 =	vld [tilespmem:s4+$0x40A0]  }
0xcf: {  	v11 =	vshll.u32 v5, $0x10;
	v5 =	vand.u32 $0xFFFF0000, v5;
	v12 =	vld [tilespmem:s4+$0x40B0]  }
0xd0: {  	v13 =	vshll.u32 v6, $0x10;
	v6 =	vand.u32 $0xFFFF0000, v6;
	v14 =	vld [tilespmem:s4+$0x4100]  }
0xd1: {  	v15 =	vld [tilespmem:s4+$0x4110]  }
0xd2: {  	v16 =	vshll.u32 v8, $0x10;
	v8 =	vand.u32 $0xFFFF0000, v8;
	v17 =	vld [tilespmem:s4+$0x4120]  }
0xd3: {  	v18 =	vshll.u32 v10, $0x10;
	v10 =	vand.u32 $0xFFFF0000, v10;
	v19 =	vld [tilespmem:s4+$0x4130]  }
0xd4: {  	v20 =	vshll.u32 v12, $0x10;
	v12 =	vand.u32 $0xFFFF0000, v12;
	v21 =	vld [tilespmem:s4+$0x4180]  }
0xd5: {  	v22 =	vshll.u32 v14, $0x10;
	v14 =	vand.u32 $0xFFFF0000, v14;
	v23 =	vld [tilespmem:s4+$0x4190]  }
0xd6: {  	v24 =	vshll.u32 v15, $0x10;
	v15 =	vand.u32 $0xFFFF0000, v15;
	v25 =	vld [tilespmem:s4+$0x41A0]  }
0xd7: {  	[tilespmem:s4+$0xFC00] =	vst.add.f32.msk $0xffff, v7;
	v7 =	vshll.u32 v17, $0x10;
	v17 =	vand.u32 $0xFFFF0000, v17  }
0xd8: {  	[tilespmem:s4+$0xFC10] =	vst.add.f32.msk $0xffff, v2;
	v2 =	vshll.u32 v19, $0x10;
	v19 =	vand.u32 $0xFFFF0000, v19  }
0xd9: {  	[tilespmem:s4+$0xFC20] =	vst.add.f32.msk $0xffff, v1;
	v1 =	vshll.u32 v21, $0x10;
	v21 =	vand.u32 $0xFFFF0000, v21  }
0xda: {  	[tilespmem:s4+$0xFC30] =	vst.add.f32.msk $0xffff, v3;
	v3 =	vshll.u32 v23, $0x10;
	v23 =	vand.u32 $0xFFFF0000, v23  }
0xdb: {  	[tilespmem:s4+$0xFC40] =	vst.add.f32.msk $0xffff, v9;
	v9 =	vshll.u32 v25, $0x10;
	v25 =	vand.u32 $0xFFFF0000, v25  }
0xdc: {  	[tilespmem:s4+$0xFC50] =	vst.add.f32.msk $0xffff, v4  }
0xdd: {  	[tilespmem:s4+$0xFC60] =	vst.add.f32.msk $0xffff, v11  }
0xde: {  	[tilespmem:s4+$0xFC70] =	vst.add.f32.msk $0xffff, v5  }
0xdf: {  	[tilespmem:s4+$0xFC80] =	vst.add.f32.msk $0xffff, v13  }
0xe0: {  	[tilespmem:s4+$0xFC90] =	vst.add.f32.msk $0xffff, v6  }
0xe1: {  	[tilespmem:s4+$0xFCA0] =	vst.add.f32.msk $0xffff, v16  }
0xe2: {  	[tilespmem:s4+$0xFCB0] =	vst.add.f32.msk $0xffff, v8  }
0xe3: {  	[tilespmem:s4+$0xFCC0] =	vst.add.f32.msk $0xffff, v18  }
0xe4: {  	[tilespmem:s4+$0xFCD0] =	vst.add.f32.msk $0xffff, v10  }
0xe5: {  	[tilespmem:s4+$0xFCE0] =	vst.add.f32.msk $0xffff, v20  }
0xe6: {  	[tilespmem:s4+$0xFCF0] =	vst.add.f32.msk $0xffff, v12  }
0xe7: {  	[tilespmem:s4+$0xFD00] =	vst.add.f32.msk $0xffff, v22  }
0xe8: {  	[tilespmem:s4+$0xFD10] =	vst.add.f32.msk $0xffff, v14  }
0xe9: {  	[tilespmem:s4+$0xFD20] =	vst.add.f32.msk $0xffff, v24  }
0xea: {  	[tilespmem:s4+$0xFD30] =	vst.add.f32.msk $0xffff, v15  }
0xeb: {  	[tilespmem:s4+$0xFD40] =	vst.add.f32.msk $0xffff, v7  }
0xec: {  	[tilespmem:s4+$0xFD50] =	vst.add.f32.msk $0xffff, v17  }
0xed: {  	[tilespmem:s4+$0xFD60] =	vst.add.f32.msk $0xffff, v2  }
0xee: {  	[tilespmem:s4+$0xFD70] =	vst.add.f32.msk $0xffff, v19  }
0xef: {  	[tilespmem:s4+$0xFD80] =	vst.add.f32.msk $0xffff, v1  }
.Ltmp3:
0xf0: {  	[tilespmem:s4+$0xFD90] =	vst.add.f32.msk $0xffff, v21;
	(pc) =	sbr.rel @p0 .LBB2_4-.Ltmp3, $4  }
0xf1: {  	[tilespmem:s4+$0xFDA0] =	vst.add.f32.msk $0xffff, v3  }
0xf2: {  	[tilespmem:s4+$0xFDB0] =	vst.add.f32.msk $0xffff, v23  }
0xf3: {  	[tilespmem:s4+$0xFDC0] =	vst.add.f32.msk $0xffff, v9  }
0xf4: {  	s7 =	sadd.s32 $0x800, s7;
	[tilespmem:s4+$0xFDD0] =	vst.add.f32.msk $0xffff, v25  }
0xf5: {  	[tilespmem:s4+$0xFDE0] =	vst.add.f32.msk $0xffff, v0  }
0xf6: {  	s1 =	simm.s32 $0x0;
	s5 =	simm.s32 $0xFC00;
	s4 =	rddreg [dreg:$0x7]  }
0xf7: {  	[hbm4b:s4+s1] =	stream.linear.scatter [tilespmem:s5], [sflag:$0x7], $0x4000, $0x38;
	[tilespmem:$0x1FC00] =	vst v63  }
0xf8: {  	s24 =	simm.s32 $0xA200;
	s25 =	simm.s32 $0x1BC00;
	s26 =	simm.s32 $0x3  }
0xf9: {  	[tilespmem:s25], [sflag:$0x5] =	stream.indirect.gather [hbm4b:s2+s16], $0x80, s24, s16, $0xb8;
	[tilespmem:$0x1FC00] =	vst v63  }
0xfa: {  	_ =	swait.ge [sflag:s26], $0x4000  }
0xfb: {  	[sflag:s26] =	ssyncset.done $0x0  }
0xfc: {  	s4 =	simm.s32 $0x0;
	[sflag:s26] =	ssyncadd.s32 $0xFFFFC000  }
0xfd: {  	v0 =	vld [tilespmem:s4+$0x1DB0]  }
0xfe: {  	v1 =	vld [tilespmem:s4+$0x1C00]  }
0xff: {  	v2 =	vld [tilespmem:s4+$0x1C10]  }
0x100: {  	v3 =	vld [tilespmem:s4+$0x1C20]  }
0x101: {  	v4 =	vld [tilespmem:s4+$0x1C30]  }
0x102: {  	v5 =	vld [tilespmem:s4+$0x1C80]  }
0x103: {  	v62 =	vld [tilespmem:s4+$0x1C90]  }
0x104: {  	v7 =	vld [tilespmem:s4+$0x1CA0]  }
0x105: {  	v8 =	vld [tilespmem:s4+$0x1CB0]  }
0x106: {  	v9 =	vld [tilespmem:s4+$0x1D00]  }
0x107: {  	v10 =	vld [tilespmem:s4+$0x1D10]  }
0x108: {  	v11 =	vld [tilespmem:s4+$0x1D20]  }
0x109: {  	v12 =	vld [tilespmem:s4+$0x1D30]  }
0x10a: {  	v13 =	vld [tilespmem:s4+$0x1D80]  }
0x10b: {  	v14 =	vld [tilespmem:s4+$0x1D90]  }
0x10c: {  	v16 =	vld [tilespmem:s4+$0x1DA0];
	v6 =	vand.u32 $0xFFFF0000, v0  }
0x10d: {  	v15 =	vshll.u32 v1, $0x10;
	[tilespmem:s4+$0x13DF0] =	vst.add.f32.msk $0xffff, v6  }
0x10e: {  	v1 =	vand.u32 $0xFFFF0000, v1;
	[tilespmem:s4+$0x13C00] =	vst.add.f32.msk $0xffff, v15  }
0x10f: {  	v63 =	vshll.u32 v2, $0x10;
	[tilespmem:s4+$0x13C10] =	vst.add.f32.msk $0xffff, v1  }
0x110: {  	v1 =	vand.u32 $0xFFFF0000, v2;
	[tilespmem:s4+$0x13C20] =	vst.add.f32.msk $0xffff, v63  }
0x111: {  	v2 =	vshll.u32 v3, $0x10;
	[tilespmem:s4+$0x13C30] =	vst.add.f32.msk $0xffff, v1  }
0x112: {  	v1 =	vand.u32 $0xFFFF0000, v3;
	[tilespmem:s4+$0x13C40] =	vst.add.f32.msk $0xffff, v2  }
0x113: {  	v2 =	vshll.u32 v4, $0x10;
	[tilespmem:s4+$0x13C50] =	vst.add.f32.msk $0xffff, v1  }
0x114: {  	v1 =	vand.u32 $0xFFFF0000, v4;
	[tilespmem:s4+$0x13C60] =	vst.add.f32.msk $0xffff, v2  }
0x115: {  	v2 =	vshll.u32 v5, $0x10;
	[tilespmem:s4+$0x13C70] =	vst.add.f32.msk $0xffff, v1  }
0x116: {  	v1 =	vand.u32 $0xFFFF0000, v5;
	[tilespmem:s4+$0x13C80] =	vst.add.f32.msk $0xffff, v2  }
0x117: {  	v2 =	vshll.u32 v62, $0x10;
	[tilespmem:s4+$0x13C90] =	vst.add.f32.msk $0xffff, v1  }
0x118: {  	v1 =	vand.u32 $0xFFFF0000, v62;
	[tilespmem:s4+$0x13CA0] =	vst.add.f32.msk $0xffff, v2  }
0x119: {  	v2 =	vshll.u32 v7, $0x10;
	[tilespmem:s4+$0x13CB0] =	vst.add.f32.msk $0xffff, v1  }
0x11a: {  	v1 =	vand.u32 $0xFFFF0000, v7;
	[tilespmem:s4+$0x13CC0] =	vst.add.f32.msk $0xffff, v2  }
0x11b: {  	v2 =	vshll.u32 v8, $0x10;
	[tilespmem:s4+$0x13CD0] =	vst.add.f32.msk $0xffff, v1  }
0x11c: {  	v1 =	vand.u32 $0xFFFF0000, v8;
	[tilespmem:s4+$0x13CE0] =	vst.add.f32.msk $0xffff, v2  }
0x11d: {  	v2 =	vshll.u32 v9, $0x10;
	[tilespmem:s4+$0x13CF0] =	vst.add.f32.msk $0xffff, v1  }
0x11e: {  	v1 =	vand.u32 $0xFFFF0000, v9;
	[tilespmem:s4+$0x13D00] =	vst.add.f32.msk $0xffff, v2  }
0x11f: {  	v2 =	vshll.u32 v10, $0x10;
	[tilespmem:s4+$0x13D10] =	vst.add.f32.msk $0xffff, v1  }
0x120: {  	v1 =	vand.u32 $0xFFFF0000, v10;
	[tilespmem:s4+$0x13D20] =	vst.add.f32.msk $0xffff, v2  }
0x121: {  	v2 =	vshll.u32 v11, $0x10;
	[tilespmem:s4+$0x13D30] =	vst.add.f32.msk $0xffff, v1  }
0x122: {  	v1 =	vand.u32 $0xFFFF0000, v11;
	[tilespmem:s4+$0x13D40] =	vst.add.f32.msk $0xffff, v2  }
0x123: {  	v2 =	vshll.u32 v12, $0x10;
	[tilespmem:s4+$0x13D50] =	vst.add.f32.msk $0xffff, v1  }
0x124: {  	v1 =	vand.u32 $0xFFFF0000, v12;
	[tilespmem:s4+$0x13D60] =	vst.add.f32.msk $0xffff, v2  }
0x125: {  	v2 =	vshll.u32 v13, $0x10;
	[tilespmem:s4+$0x13D70] =	vst.add.f32.msk $0xffff, v1  }
0x126: {  	v1 =	vand.u32 $0xFFFF0000, v13;
	[tilespmem:s4+$0x13D80] =	vst.add.f32.msk $0xffff, v2  }
0x127: {  	v2 =	vshll.u32 v14, $0x10;
	[tilespmem:s4+$0x13D90] =	vst.add.f32.msk $0xffff, v1  }
0x128: {  	v1 =	vand.u32 $0xFFFF0000, v14;
	[tilespmem:s4+$0x13DA0] =	vst.add.f32.msk $0xffff, v2  }
0x129: {  	v2 =	vshll.u32 v16, $0x10;
	[tilespmem:s4+$0x13DB0] =	vst.add.f32.msk $0xffff, v1  }
0x12a: {  	v1 =	vand.u32 $0xFFFF0000, v16;
	[tilespmem:s4+$0x13DC0] =	vst.add.f32.msk $0xffff, v2  }
0x12b: {  	s7 =	simm.s32 $0x800;
	s5 =	simm.s32 $0x0;
	v0 =	vshll.u32 v0, $0x10;
	[tilespmem:s4+$0x13DD0] =	vst.add.f32.msk $0xffff, v1  }
.LBB2_6:
0x12c: {  	s5 =	sadd.s32 $0x4, s5;
	[tilespmem:s4+$0x13DE0] =	vst.add.f32.msk $0xffff, v0;
	s4 =	sshra.s32 s7, $0x2  }
0x12d: {  	v1 =	vld [tilespmem:s4+$0x1DB0];
	p0 =	slt.u32 s5, $0x7C  }
0x12e: {  	v2 =	vld [tilespmem:s4+$0x1C00]  }
0x12f: {  	v3 =	vld [tilespmem:s4+$0x1C10]  }
0x130: {  	v4 =	vld [tilespmem:s4+$0x1C20]  }
0x131: {  	v5 =	vld [tilespmem:s4+$0x1C30]  }
0x132: {  	v6 =	vld [tilespmem:s4+$0x1C80];
	v0 =	vshll.u32 v1, $0x10;
	v1 =	vand.u32 $0xFFFF0000, v1  }
0x133: {  	v7 =	vshll.u32 v2, $0x10;
	v2 =	vand.u32 $0xFFFF0000, v2;
	[tilespmem:s4+$0x13DF0] =	vst.add.f32.msk $0xffff, v1  }
0x134: {  	v1 =	vshll.u32 v3, $0x10;
	v3 =	vand.u32 $0xFFFF0000, v3;
	v8 =	vld [tilespmem:s4+$0x1C90]  }
0x135: {  	v9 =	vshll.u32 v4, $0x10;
	v4 =	vand.u32 $0xFFFF0000, v4;
	v10 =	vld [tilespmem:s4+$0x1CA0]  }
0x136: {  	v11 =	vshll.u32 v5, $0x10;
	v5 =	vand.u32 $0xFFFF0000, v5;
	v12 =	vld [tilespmem:s4+$0x1CB0]  }
0x137: {  	v13 =	vshll.u32 v6, $0x10;
	v6 =	vand.u32 $0xFFFF0000, v6;
	v14 =	vld [tilespmem:s4+$0x1D00]  }
0x138: {  	v15 =	vld [tilespmem:s4+$0x1D10]  }
0x139: {  	v16 =	vshll.u32 v8, $0x10;
	v8 =	vand.u32 $0xFFFF0000, v8;
	v17 =	vld [tilespmem:s4+$0x1D20]  }
0x13a: {  	v18 =	vshll.u32 v10, $0x10;
	v10 =	vand.u32 $0xFFFF0000, v10;
	v19 =	vld [tilespmem:s4+$0x1D30]  }
0x13b: {  	v20 =	vshll.u32 v12, $0x10;
	v12 =	vand.u32 $0xFFFF0000, v12;
	v21 =	vld [tilespmem:s4+$0x1D80]  }
0x13c: {  	v22 =	vshll.u32 v14, $0x10;
	v14 =	vand.u32 $0xFFFF0000, v14;
	v23 =	vld [tilespmem:s4+$0x1D90]  }
0x13d: {  	v24 =	vshll.u32 v15, $0x10;
	v15 =	vand.u32 $0xFFFF0000, v15;
	v25 =	vld [tilespmem:s4+$0x1DA0]  }
0x13e: {  	[tilespmem:s4+$0x13C00] =	vst.add.f32.msk $0xffff, v7;
	v7 =	vshll.u32 v17, $0x10;
	v17 =	vand.u32 $0xFFFF0000, v17  }
0x13f: {  	[tilespmem:s4+$0x13C10] =	vst.add.f32.msk $0xffff, v2;
	v2 =	vshll.u32 v19, $0x10;
	v19 =	vand.u32 $0xFFFF0000, v19  }
0x140: {  	[tilespmem:s4+$0x13C20] =	vst.add.f32.msk $0xffff, v1;
	v1 =	vshll.u32 v21, $0x10;
	v21 =	vand.u32 $0xFFFF0000, v21  }
0x141: {  	[tilespmem:s4+$0x13C30] =	vst.add.f32.msk $0xffff, v3;
	v3 =	vshll.u32 v23, $0x10;
	v23 =	vand.u32 $0xFFFF0000, v23  }
0x142: {  	[tilespmem:s4+$0x13C40] =	vst.add.f32.msk $0xffff, v9;
	v9 =	vshll.u32 v25, $0x10;
	v25 =	vand.u32 $0xFFFF0000, v25  }
0x143: {  	[tilespmem:s4+$0x13C50] =	vst.add.f32.msk $0xffff, v4  }
0x144: {  	[tilespmem:s4+$0x13C60] =	vst.add.f32.msk $0xffff, v11  }
0x145: {  	[tilespmem:s4+$0x13C70] =	vst.add.f32.msk $0xffff, v5  }
0x146: {  	[tilespmem:s4+$0x13C80] =	vst.add.f32.msk $0xffff, v13  }
0x147: {  	[tilespmem:s4+$0x13C90] =	vst.add.f32.msk $0xffff, v6  }
0x148: {  	[tilespmem:s4+$0x13CA0] =	vst.add.f32.msk $0xffff, v16  }
0x149: {  	[tilespmem:s4+$0x13CB0] =	vst.add.f32.msk $0xffff, v8  }
0x14a: {  	[tilespmem:s4+$0x13CC0] =	vst.add.f32.msk $0xffff, v18  }
0x14b: {  	[tilespmem:s4+$0x13CD0] =	vst.add.f32.msk $0xffff, v10  }
0x14c: {  	[tilespmem:s4+$0x13CE0] =	vst.add.f32.msk $0xffff, v20  }
0x14d: {  	[tilespmem:s4+$0x13CF0] =	vst.add.f32.msk $0xffff, v12  }
0x14e: {  	[tilespmem:s4+$0x13D00] =	vst.add.f32.msk $0xffff, v22  }
0x14f: {  	[tilespmem:s4+$0x13D10] =	vst.add.f32.msk $0xffff, v14  }
0x150: {  	[tilespmem:s4+$0x13D20] =	vst.add.f32.msk $0xffff, v24  }
0x151: {  	[tilespmem:s4+$0x13D30] =	vst.add.f32.msk $0xffff, v15  }
0x152: {  	[tilespmem:s4+$0x13D40] =	vst.add.f32.msk $0xffff, v7  }
0x153: {  	[tilespmem:s4+$0x13D50] =	vst.add.f32.msk $0xffff, v17  }
0x154: {  	[tilespmem:s4+$0x13D60] =	vst.add.f32.msk $0xffff, v2  }
0x155: {  	[tilespmem:s4+$0x13D70] =	vst.add.f32.msk $0xffff, v19  }
0x156: {  	[tilespmem:s4+$0x13D80] =	vst.add.f32.msk $0xffff, v1  }
.Ltmp4:
0x157: {  	[tilespmem:s4+$0x13D90] =	vst.add.f32.msk $0xffff, v21;
	(pc) =	sbr.rel @p0 .LBB2_6-.Ltmp4, $4  }
0x158: {  	[tilespmem:s4+$0x13DA0] =	vst.add.f32.msk $0xffff, v3  }
0x159: {  	[tilespmem:s4+$0x13DB0] =	vst.add.f32.msk $0xffff, v23  }
0x15a: {  	[tilespmem:s4+$0x13DC0] =	vst.add.f32.msk $0xffff, v9  }
0x15b: {  	s7 =	sadd.s32 $0x800, s7;
	[tilespmem:s4+$0x13DD0] =	vst.add.f32.msk $0xffff, v25  }
0x15c: {  	[tilespmem:s4+$0x13DE0] =	vst.add.f32.msk $0xffff, v0  }
0x15d: {  	s1 =	simm.s32 $0x0;
	s22 =	simm.s32 $0x6;
	s4 =	rddreg [dreg:$0x8]  }
0x15e: {  	[hbm4b:s4+s1] =	stream.linear.scatter [tilespmem:s29], [sflag:$0x8], $0x4000, $0x38;
	[tilespmem:$0x1FC00] =	vst v63  }
0x15f: {  	_ =	swait.ge [sflag:s22], $0x4000  }
0x160: {  	s24 =	simm.s32 $0xBC00;
	[sflag:s22] =	ssyncset.done $0x0  }
0x161: {  	s25 =	simm.s32 $0xA280;
	s26 =	simm.s32 $0x4;
	[sflag:s22] =	ssyncadd.s32 $0xFFFFC000  }
0x162: {  	[tilespmem:s24], [sflag:$0x1] =	stream.indirect.gather [hbm4b:s2+s16], $0x80, s25, s16, $0xb8;
	[tilespmem:$0x1FC00] =	vst v63  }
0x163: {  	_ =	swait.ge [sflag:s26], $0x4000  }
0x164: {  	[sflag:s26] =	ssyncset.done $0x0  }
0x165: {  	s4 =	simm.s32 $0x0;
	[sflag:s26] =	ssyncadd.s32 $0xFFFFC000  }
0x166: {  	v0 =	vld [tilespmem:s4+$0x5DB0]  }
0x167: {  	v1 =	vld [tilespmem:s4+$0x5C00]  }
0x168: {  	v2 =	vld [tilespmem:s4+$0x5C10]  }
0x169: {  	v3 =	vld [tilespmem:s4+$0x5C20]  }
0x16a: {  	v4 =	vld [tilespmem:s4+$0x5C30]  }
0x16b: {  	v5 =	vld [tilespmem:s4+$0x5C80]  }
0x16c: {  	v62 =	vld [tilespmem:s4+$0x5C90]  }
0x16d: {  	v7 =	vld [tilespmem:s4+$0x5CA0]  }
0x16e: {  	v8 =	vld [tilespmem:s4+$0x5CB0]  }
0x16f: {  	v9 =	vld [tilespmem:s4+$0x5D00]  }
0x170: {  	v10 =	vld [tilespmem:s4+$0x5D10]  }
0x171: {  	v11 =	vld [tilespmem:s4+$0x5D20]  }
0x172: {  	v12 =	vld [tilespmem:s4+$0x5D30]  }
0x173: {  	v13 =	vld [tilespmem:s4+$0x5D80]  }
0x174: {  	v14 =	vld [tilespmem:s4+$0x5D90]  }
0x175: {  	v16 =	vld [tilespmem:s4+$0x5DA0];
	v6 =	vand.u32 $0xFFFF0000, v0  }
0x176: {  	v15 =	vshll.u32 v1, $0x10;
	[tilespmem:s4+$0x17DF0] =	vst.add.f32.msk $0xffff, v6  }
0x177: {  	v1 =	vand.u32 $0xFFFF0000, v1;
	[tilespmem:s4+$0x17C00] =	vst.add.f32.msk $0xffff, v15  }
0x178: {  	v63 =	vshll.u32 v2, $0x10;
	[tilespmem:s4+$0x17C10] =	vst.add.f32.msk $0xffff, v1  }
0x179: {  	v1 =	vand.u32 $0xFFFF0000, v2;
	[tilespmem:s4+$0x17C20] =	vst.add.f32.msk $0xffff, v63  }
0x17a: {  	v2 =	vshll.u32 v3, $0x10;
	[tilespmem:s4+$0x17C30] =	vst.add.f32.msk $0xffff, v1  }
0x17b: {  	v1 =	vand.u32 $0xFFFF0000, v3;
	[tilespmem:s4+$0x17C40] =	vst.add.f32.msk $0xffff, v2  }
0x17c: {  	v2 =	vshll.u32 v4, $0x10;
	[tilespmem:s4+$0x17C50] =	vst.add.f32.msk $0xffff, v1  }
0x17d: {  	v1 =	vand.u32 $0xFFFF0000, v4;
	[tilespmem:s4+$0x17C60] =	vst.add.f32.msk $0xffff, v2  }
0x17e: {  	v2 =	vshll.u32 v5, $0x10;
	[tilespmem:s4+$0x17C70] =	vst.add.f32.msk $0xffff, v1  }
0x17f: {  	v1 =	vand.u32 $0xFFFF0000, v5;
	[tilespmem:s4+$0x17C80] =	vst.add.f32.msk $0xffff, v2  }
0x180: {  	v2 =	vshll.u32 v62, $0x10;
	[tilespmem:s4+$0x17C90] =	vst.add.f32.msk $0xffff, v1  }
0x181: {  	v1 =	vand.u32 $0xFFFF0000, v62;
	[tilespmem:s4+$0x17CA0] =	vst.add.f32.msk $0xffff, v2  }
0x182: {  	v2 =	vshll.u32 v7, $0x10;
	[tilespmem:s4+$0x17CB0] =	vst.add.f32.msk $0xffff, v1  }
0x183: {  	v1 =	vand.u32 $0xFFFF0000, v7;
	[tilespmem:s4+$0x17CC0] =	vst.add.f32.msk $0xffff, v2  }
0x184: {  	v2 =	vshll.u32 v8, $0x10;
	[tilespmem:s4+$0x17CD0] =	vst.add.f32.msk $0xffff, v1  }
0x185: {  	v1 =	vand.u32 $0xFFFF0000, v8;
	[tilespmem:s4+$0x17CE0] =	vst.add.f32.msk $0xffff, v2  }
0x186: {  	v2 =	vshll.u32 v9, $0x10;
	[tilespmem:s4+$0x17CF0] =	vst.add.f32.msk $0xffff, v1  }
0x187: {  	v1 =	vand.u32 $0xFFFF0000, v9;
	[tilespmem:s4+$0x17D00] =	vst.add.f32.msk $0xffff, v2  }
0x188: {  	v2 =	vshll.u32 v10, $0x10;
	[tilespmem:s4+$0x17D10] =	vst.add.f32.msk $0xffff, v1  }
0x189: {  	v1 =	vand.u32 $0xFFFF0000, v10;
	[tilespmem:s4+$0x17D20] =	vst.add.f32.msk $0xffff, v2  }
0x18a: {  	v2 =	vshll.u32 v11, $0x10;
	[tilespmem:s4+$0x17D30] =	vst.add.f32.msk $0xffff, v1  }
0x18b: {  	v1 =	vand.u32 $0xFFFF0000, v11;
	[tilespmem:s4+$0x17D40] =	vst.add.f32.msk $0xffff, v2  }
0x18c: {  	v2 =	vshll.u32 v12, $0x10;
	[tilespmem:s4+$0x17D50] =	vst.add.f32.msk $0xffff, v1  }
0x18d: {  	v1 =	vand.u32 $0xFFFF0000, v12;
	[tilespmem:s4+$0x17D60] =	vst.add.f32.msk $0xffff, v2  }
0x18e: {  	v2 =	vshll.u32 v13, $0x10;
	[tilespmem:s4+$0x17D70] =	vst.add.f32.msk $0xffff, v1  }
0x18f: {  	v1 =	vand.u32 $0xFFFF0000, v13;
	[tilespmem:s4+$0x17D80] =	vst.add.f32.msk $0xffff, v2  }
0x190: {  	v2 =	vshll.u32 v14, $0x10;
	[tilespmem:s4+$0x17D90] =	vst.add.f32.msk $0xffff, v1  }
0x191: {  	v1 =	vand.u32 $0xFFFF0000, v14;
	[tilespmem:s4+$0x17DA0] =	vst.add.f32.msk $0xffff, v2  }
0x192: {  	v2 =	vshll.u32 v16, $0x10;
	[tilespmem:s4+$0x17DB0] =	vst.add.f32.msk $0xffff, v1  }
0x193: {  	v1 =	vand.u32 $0xFFFF0000, v16;
	[tilespmem:s4+$0x17DC0] =	vst.add.f32.msk $0xffff, v2  }
0x194: {  	s5 =	simm.s32 $0x0;
	s7 =	simm.s32 $0x800;
	v0 =	vshll.u32 v0, $0x10;
	[tilespmem:s4+$0x17DD0] =	vst.add.f32.msk $0xffff, v1  }
.LBB2_8:
0x195: {  	s5 =	sadd.s32 $0x4, s5;
	[tilespmem:s4+$0x17DE0] =	vst.add.f32.msk $0xffff, v0;
	s4 =	sshra.s32 s7, $0x2  }
0x196: {  	v1 =	vld [tilespmem:s4+$0x5DB0];
	p0 =	slt.u32 s5, $0x7C  }
0x197: {  	v2 =	vld [tilespmem:s4+$0x5C00]  }
0x198: {  	v3 =	vld [tilespmem:s4+$0x5C10]  }
0x199: {  	v4 =	vld [tilespmem:s4+$0x5C20]  }
0x19a: {  	v5 =	vld [tilespmem:s4+$0x5C30]  }
0x19b: {  	v6 =	vld [tilespmem:s4+$0x5C80];
	v0 =	vshll.u32 v1, $0x10;
	v1 =	vand.u32 $0xFFFF0000, v1  }
0x19c: {  	v7 =	vshll.u32 v2, $0x10;
	v2 =	vand.u32 $0xFFFF0000, v2;
	[tilespmem:s4+$0x17DF0] =	vst.add.f32.msk $0xffff, v1  }
0x19d: {  	v1 =	vshll.u32 v3, $0x10;
	v3 =	vand.u32 $0xFFFF0000, v3;
	v8 =	vld [tilespmem:s4+$0x5C90]  }
0x19e: {  	v9 =	vshll.u32 v4, $0x10;
	v4 =	vand.u32 $0xFFFF0000, v4;
	v10 =	vld [tilespmem:s4+$0x5CA0]  }
0x19f: {  	v11 =	vshll.u32 v5, $0x10;
	v5 =	vand.u32 $0xFFFF0000, v5;
	v12 =	vld [tilespmem:s4+$0x5CB0]  }
0x1a0: {  	v13 =	vshll.u32 v6, $0x10;
	v6 =	vand.u32 $0xFFFF0000, v6;
	v14 =	vld [tilespmem:s4+$0x5D00]  }
0x1a1: {  	v15 =	vld [tilespmem:s4+$0x5D10]  }
0x1a2: {  	v16 =	vshll.u32 v8, $0x10;
	v8 =	vand.u32 $0xFFFF0000, v8;
	v17 =	vld [tilespmem:s4+$0x5D20]  }
0x1a3: {  	v18 =	vshll.u32 v10, $0x10;
	v10 =	vand.u32 $0xFFFF0000, v10;
	v19 =	vld [tilespmem:s4+$0x5D30]  }
0x1a4: {  	v20 =	vshll.u32 v12, $0x10;
	v12 =	vand.u32 $0xFFFF0000, v12;
	v21 =	vld [tilespmem:s4+$0x5D80]  }
0x1a5: {  	v22 =	vshll.u32 v14, $0x10;
	v14 =	vand.u32 $0xFFFF0000, v14;
	v23 =	vld [tilespmem:s4+$0x5D90]  }
0x1a6: {  	v24 =	vshll.u32 v15, $0x10;
	v15 =	vand.u32 $0xFFFF0000, v15;
	v25 =	vld [tilespmem:s4+$0x5DA0]  }
0x1a7: {  	[tilespmem:s4+$0x17C00] =	vst.add.f32.msk $0xffff, v7;
	v7 =	vshll.u32 v17, $0x10;
	v17 =	vand.u32 $0xFFFF0000, v17  }
0x1a8: {  	[tilespmem:s4+$0x17C10] =	vst.add.f32.msk $0xffff, v2;
	v2 =	vshll.u32 v19, $0x10;
	v19 =	vand.u32 $0xFFFF0000, v19  }
0x1a9: {  	[tilespmem:s4+$0x17C20] =	vst.add.f32.msk $0xffff, v1;
	v1 =	vshll.u32 v21, $0x10;
	v21 =	vand.u32 $0xFFFF0000, v21  }
0x1aa: {  	[tilespmem:s4+$0x17C30] =	vst.add.f32.msk $0xffff, v3;
	v3 =	vshll.u32 v23, $0x10;
	v23 =	vand.u32 $0xFFFF0000, v23  }
0x1ab: {  	[tilespmem:s4+$0x17C40] =	vst.add.f32.msk $0xffff, v9;
	v9 =	vshll.u32 v25, $0x10;
	v25 =	vand.u32 $0xFFFF0000, v25  }
0x1ac: {  	[tilespmem:s4+$0x17C50] =	vst.add.f32.msk $0xffff, v4  }
0x1ad: {  	[tilespmem:s4+$0x17C60] =	vst.add.f32.msk $0xffff, v11  }
0x1ae: {  	[tilespmem:s4+$0x17C70] =	vst.add.f32.msk $0xffff, v5  }
0x1af: {  	[tilespmem:s4+$0x17C80] =	vst.add.f32.msk $0xffff, v13  }
0x1b0: {  	[tilespmem:s4+$0x17C90] =	vst.add.f32.msk $0xffff, v6  }
0x1b1: {  	[tilespmem:s4+$0x17CA0] =	vst.add.f32.msk $0xffff, v16  }
0x1b2: {  	[tilespmem:s4+$0x17CB0] =	vst.add.f32.msk $0xffff, v8  }
0x1b3: {  	[tilespmem:s4+$0x17CC0] =	vst.add.f32.msk $0xffff, v18  }
0x1b4: {  	[tilespmem:s4+$0x17CD0] =	vst.add.f32.msk $0xffff, v10  }
0x1b5: {  	[tilespmem:s4+$0x17CE0] =	vst.add.f32.msk $0xffff, v20  }
0x1b6: {  	[tilespmem:s4+$0x17CF0] =	vst.add.f32.msk $0xffff, v12  }
0x1b7: {  	[tilespmem:s4+$0x17D00] =	vst.add.f32.msk $0xffff, v22  }
0x1b8: {  	[tilespmem:s4+$0x17D10] =	vst.add.f32.msk $0xffff, v14  }
0x1b9: {  	[tilespmem:s4+$0x17D20] =	vst.add.f32.msk $0xffff, v24  }
0x1ba: {  	[tilespmem:s4+$0x17D30] =	vst.add.f32.msk $0xffff, v15  }
0x1bb: {  	[tilespmem:s4+$0x17D40] =	vst.add.f32.msk $0xffff, v7  }
0x1bc: {  	[tilespmem:s4+$0x17D50] =	vst.add.f32.msk $0xffff, v17  }
0x1bd: {  	[tilespmem:s4+$0x17D60] =	vst.add.f32.msk $0xffff, v2  }
0x1be: {  	[tilespmem:s4+$0x17D70] =	vst.add.f32.msk $0xffff, v19  }
0x1bf: {  	[tilespmem:s4+$0x17D80] =	vst.add.f32.msk $0xffff, v1  }
.Ltmp5:
0x1c0: {  	[tilespmem:s4+$0x17D90] =	vst.add.f32.msk $0xffff, v21;
	(pc) =	sbr.rel @p0 .LBB2_8-.Ltmp5, $4  }
0x1c1: {  	[tilespmem:s4+$0x17DA0] =	vst.add.f32.msk $0xffff, v3  }
0x1c2: {  	[tilespmem:s4+$0x17DB0] =	vst.add.f32.msk $0xffff, v23  }
0x1c3: {  	[tilespmem:s4+$0x17DC0] =	vst.add.f32.msk $0xffff, v9  }
0x1c4: {  	s7 =	sadd.s32 $0x800, s7;
	[tilespmem:s4+$0x17DD0] =	vst.add.f32.msk $0xffff, v25  }
0x1c5: {  	[tilespmem:s4+$0x17DE0] =	vst.add.f32.msk $0xffff, v0  }
0x1c6: {  	s1 =	simm.s32 $0x0;
	s4 =	rddreg [dreg:$0x9]  }
0x1c7: {  	[hbm4b:s4+s1] =	stream.linear.scatter [tilespmem:s30], [sflag:$0x9], $0x4000, $0x38;
	[tilespmem:$0x1FC00] =	vst v63  }
0x1c8: {  	_ =	swait.ge [sflag:s0], $0x4000  }
0x1c9: {  	[sflag:s0] =	ssyncset.done $0x0  }
0x1ca: {  	s25 =	simm.s32 $0xFC00;
	s26 =	simm.s32 $0xA300;
	[sflag:s0] =	ssyncadd.s32 $0xFFFFC000  }
0x1cb: {  	[tilespmem:s25], [sflag:$0x2] =	stream.indirect.gather [hbm4b:s2+s16], $0x80, s26, s16, $0xb8;
	[tilespmem:$0x1FC00] =	vst v63  }
0x1cc: {  	_ =	swait.ge [sflag:s20], $0x4000  }
0x1cd: {  	[sflag:s20] =	ssyncset.done $0x0  }
0x1ce: {  	s4 =	simm.s32 $0x0;
	[sflag:s20] =	ssyncadd.s32 $0xFFFFC000  }
0x1cf: {  	v0 =	vld [tilespmem:s4+$0x39B0]  }
0x1d0: {  	v1 =	vld [tilespmem:s4+$0x3800]  }
0x1d1: {  	v2 =	vld [tilespmem:s4+$0x3810]  }
0x1d2: {  	v3 =	vld [tilespmem:s4+$0x3820]  }
0x1d3: {  	v4 =	vld [tilespmem:s4+$0x3830]  }
0x1d4: {  	v5 =	vld [tilespmem:s4+$0x3880]  }
0x1d5: {  	v62 =	vld [tilespmem:s4+$0x3890]  }
0x1d6: {  	v7 =	vld [tilespmem:s4+$0x38A0]  }
0x1d7: {  	v8 =	vld [tilespmem:s4+$0x38B0]  }
0x1d8: {  	v9 =	vld [tilespmem:s4+$0x3900]  }
0x1d9: {  	v10 =	vld [tilespmem:s4+$0x3910]  }
0x1da: {  	v11 =	vld [tilespmem:s4+$0x3920]  }
0x1db: {  	v12 =	vld [tilespmem:s4+$0x3930]  }
0x1dc: {  	v13 =	vld [tilespmem:s4+$0x3980]  }
0x1dd: {  	v14 =	vld [tilespmem:s4+$0x3990]  }
0x1de: {  	v16 =	vld [tilespmem:s4+$0x39A0];
	v6 =	vand.u32 $0xFFFF0000, v0  }
0x1df: {  	v15 =	vshll.u32 v1, $0x10;
	[tilespmem:s4+$0x1BDF0] =	vst.add.f32.msk $0xffff, v6  }
0x1e0: {  	v1 =	vand.u32 $0xFFFF0000, v1;
	[tilespmem:s4+$0x1BC00] =	vst.add.f32.msk $0xffff, v15  }
0x1e1: {  	v63 =	vshll.u32 v2, $0x10;
	[tilespmem:s4+$0x1BC10] =	vst.add.f32.msk $0xffff, v1  }
0x1e2: {  	v1 =	vand.u32 $0xFFFF0000, v2;
	[tilespmem:s4+$0x1BC20] =	vst.add.f32.msk $0xffff, v63  }
0x1e3: {  	v2 =	vshll.u32 v3, $0x10;
	[tilespmem:s4+$0x1BC30] =	vst.add.f32.msk $0xffff, v1  }
0x1e4: {  	v1 =	vand.u32 $0xFFFF0000, v3;
	[tilespmem:s4+$0x1BC40] =	vst.add.f32.msk $0xffff, v2  }
0x1e5: {  	v2 =	vshll.u32 v4, $0x10;
	[tilespmem:s4+$0x1BC50] =	vst.add.f32.msk $0xffff, v1  }
0x1e6: {  	v1 =	vand.u32 $0xFFFF0000, v4;
	[tilespmem:s4+$0x1BC60] =	vst.add.f32.msk $0xffff, v2  }
0x1e7: {  	v2 =	vshll.u32 v5, $0x10;
	[tilespmem:s4+$0x1BC70] =	vst.add.f32.msk $0xffff, v1  }
0x1e8: {  	v1 =	vand.u32 $0xFFFF0000, v5;
	[tilespmem:s4+$0x1BC80] =	vst.add.f32.msk $0xffff, v2  }
0x1e9: {  	v2 =	vshll.u32 v62, $0x10;
	[tilespmem:s4+$0x1BC90] =	vst.add.f32.msk $0xffff, v1  }
0x1ea: {  	v1 =	vand.u32 $0xFFFF0000, v62;
	[tilespmem:s4+$0x1BCA0] =	vst.add.f32.msk $0xffff, v2  }
0x1eb: {  	v2 =	vshll.u32 v7, $0x10;
	[tilespmem:s4+$0x1BCB0] =	vst.add.f32.msk $0xffff, v1  }
0x1ec: {  	v1 =	vand.u32 $0xFFFF0000, v7;
	[tilespmem:s4+$0x1BCC0] =	vst.add.f32.msk $0xffff, v2  }
0x1ed: {  	v2 =	vshll.u32 v8, $0x10;
	[tilespmem:s4+$0x1BCD0] =	vst.add.f32.msk $0xffff, v1  }
0x1ee: {  	v1 =	vand.u32 $0xFFFF0000, v8;
	[tilespmem:s4+$0x1BCE0] =	vst.add.f32.msk $0xffff, v2  }
0x1ef: {  	v2 =	vshll.u32 v9, $0x10;
	[tilespmem:s4+$0x1BCF0] =	vst.add.f32.msk $0xffff, v1  }
0x1f0: {  	v1 =	vand.u32 $0xFFFF0000, v9;
	[tilespmem:s4+$0x1BD00] =	vst.add.f32.msk $0xffff, v2  }
0x1f1: {  	v2 =	vshll.u32 v10, $0x10;
	[tilespmem:s4+$0x1BD10] =	vst.add.f32.msk $0xffff, v1  }
0x1f2: {  	v1 =	vand.u32 $0xFFFF0000, v10;
	[tilespmem:s4+$0x1BD20] =	vst.add.f32.msk $0xffff, v2  }
0x1f3: {  	v2 =	vshll.u32 v11, $0x10;
	[tilespmem:s4+$0x1BD30] =	vst.add.f32.msk $0xffff, v1  }
0x1f4: {  	v1 =	vand.u32 $0xFFFF0000, v11;
	[tilespmem:s4+$0x1BD40] =	vst.add.f32.msk $0xffff, v2  }
0x1f5: {  	v2 =	vshll.u32 v12, $0x10;
	[tilespmem:s4+$0x1BD50] =	vst.add.f32.msk $0xffff, v1  }
0x1f6: {  	v1 =	vand.u32 $0xFFFF0000, v12;
	[tilespmem:s4+$0x1BD60] =	vst.add.f32.msk $0xffff, v2  }
0x1f7: {  	v2 =	vshll.u32 v13, $0x10;
	[tilespmem:s4+$0x1BD70] =	vst.add.f32.msk $0xffff, v1  }
0x1f8: {  	v1 =	vand.u32 $0xFFFF0000, v13;
	[tilespmem:s4+$0x1BD80] =	vst.add.f32.msk $0xffff, v2  }
0x1f9: {  	v2 =	vshll.u32 v14, $0x10;
	[tilespmem:s4+$0x1BD90] =	vst.add.f32.msk $0xffff, v1  }
0x1fa: {  	v1 =	vand.u32 $0xFFFF0000, v14;
	[tilespmem:s4+$0x1BDA0] =	vst.add.f32.msk $0xffff, v2  }
0x1fb: {  	v2 =	vshll.u32 v16, $0x10;
	[tilespmem:s4+$0x1BDB0] =	vst.add.f32.msk $0xffff, v1  }
0x1fc: {  	v1 =	vand.u32 $0xFFFF0000, v16;
	[tilespmem:s4+$0x1BDC0] =	vst.add.f32.msk $0xffff, v2  }
0x1fd: {  	s5 =	simm.s32 $0x0;
	s7 =	simm.s32 $0x800;
	v0 =	vshll.u32 v0, $0x10;
	[tilespmem:s4+$0x1BDD0] =	vst.add.f32.msk $0xffff, v1  }
.LBB2_10:
0x1fe: {  	s5 =	sadd.s32 $0x4, s5;
	[tilespmem:s4+$0x1BDE0] =	vst.add.f32.msk $0xffff, v0;
	s4 =	sshra.s32 s7, $0x2  }
0x1ff: {  	v1 =	vld [tilespmem:s4+$0x39B0];
	p0 =	slt.u32 s5, $0x7C  }
0x200: {  	v2 =	vld [tilespmem:s4+$0x3800]  }
0x201: {  	v3 =	vld [tilespmem:s4+$0x3810]  }
0x202: {  	v4 =	vld [tilespmem:s4+$0x3820]  }
0x203: {  	v5 =	vld [tilespmem:s4+$0x3830]  }
0x204: {  	v6 =	vld [tilespmem:s4+$0x3880];
	v0 =	vshll.u32 v1, $0x10;
	v1 =	vand.u32 $0xFFFF0000, v1  }
0x205: {  	v7 =	vshll.u32 v2, $0x10;
	v2 =	vand.u32 $0xFFFF0000, v2;
	[tilespmem:s4+$0x1BDF0] =	vst.add.f32.msk $0xffff, v1  }
0x206: {  	v1 =	vshll.u32 v3, $0x10;
	v3 =	vand.u32 $0xFFFF0000, v3;
	v8 =	vld [tilespmem:s4+$0x3890]  }
0x207: {  	v9 =	vshll.u32 v4, $0x10;
	v4 =	vand.u32 $0xFFFF0000, v4;
	v10 =	vld [tilespmem:s4+$0x38A0]  }
0x208: {  	v11 =	vshll.u32 v5, $0x10;
	v5 =	vand.u32 $0xFFFF0000, v5;
	v12 =	vld [tilespmem:s4+$0x38B0]  }
0x209: {  	v13 =	vshll.u32 v6, $0x10;
	v6 =	vand.u32 $0xFFFF0000, v6;
	v14 =	vld [tilespmem:s4+$0x3900]  }
0x20a: {  	v15 =	vld [tilespmem:s4+$0x3910]  }
0x20b: {  	v16 =	vshll.u32 v8, $0x10;
	v8 =	vand.u32 $0xFFFF0000, v8;
	v17 =	vld [tilespmem:s4+$0x3920]  }
0x20c: {  	v18 =	vshll.u32 v10, $0x10;
	v10 =	vand.u32 $0xFFFF0000, v10;
	v19 =	vld [tilespmem:s4+$0x3930]  }
0x20d: {  	v20 =	vshll.u32 v12, $0x10;
	v12 =	vand.u32 $0xFFFF0000, v12;
	v21 =	vld [tilespmem:s4+$0x3980]  }
0x20e: {  	v22 =	vshll.u32 v14, $0x10;
	v14 =	vand.u32 $0xFFFF0000, v14;
	v23 =	vld [tilespmem:s4+$0x3990]  }
0x20f: {  	v24 =	vshll.u32 v15, $0x10;
	v15 =	vand.u32 $0xFFFF0000, v15;
	v25 =	vld [tilespmem:s4+$0x39A0]  }
0x210: {  	[tilespmem:s4+$0x1BC00] =	vst.add.f32.msk $0xffff, v7;
	v7 =	vshll.u32 v17, $0x10;
	v17 =	vand.u32 $0xFFFF0000, v17  }
0x211: {  	[tilespmem:s4+$0x1BC10] =	vst.add.f32.msk $0xffff, v2;
	v2 =	vshll.u32 v19, $0x10;
	v19 =	vand.u32 $0xFFFF0000, v19  }
0x212: {  	[tilespmem:s4+$0x1BC20] =	vst.add.f32.msk $0xffff, v1;
	v1 =	vshll.u32 v21, $0x10;
	v21 =	vand.u32 $0xFFFF0000, v21  }
0x213: {  	[tilespmem:s4+$0x1BC30] =	vst.add.f32.msk $0xffff, v3;
	v3 =	vshll.u32 v23, $0x10;
	v23 =	vand.u32 $0xFFFF0000, v23  }
0x214: {  	[tilespmem:s4+$0x1BC40] =	vst.add.f32.msk $0xffff, v9;
	v9 =	vshll.u32 v25, $0x10;
	v25 =	vand.u32 $0xFFFF0000, v25  }
0x215: {  	[tilespmem:s4+$0x1BC50] =	vst.add.f32.msk $0xffff, v4  }
0x216: {  	[tilespmem:s4+$0x1BC60] =	vst.add.f32.msk $0xffff, v11  }
0x217: {  	[tilespmem:s4+$0x1BC70] =	vst.add.f32.msk $0xffff, v5  }
0x218: {  	[tilespmem:s4+$0x1BC80] =	vst.add.f32.msk $0xffff, v13  }
0x219: {  	[tilespmem:s4+$0x1BC90] =	vst.add.f32.msk $0xffff, v6  }
0x21a: {  	[tilespmem:s4+$0x1BCA0] =	vst.add.f32.msk $0xffff, v16  }
0x21b: {  	[tilespmem:s4+$0x1BCB0] =	vst.add.f32.msk $0xffff, v8  }
0x21c: {  	[tilespmem:s4+$0x1BCC0] =	vst.add.f32.msk $0xffff, v18  }
0x21d: {  	[tilespmem:s4+$0x1BCD0] =	vst.add.f32.msk $0xffff, v10  }
0x21e: {  	[tilespmem:s4+$0x1BCE0] =	vst.add.f32.msk $0xffff, v20  }
0x21f: {  	[tilespmem:s4+$0x1BCF0] =	vst.add.f32.msk $0xffff, v12  }
0x220: {  	[tilespmem:s4+$0x1BD00] =	vst.add.f32.msk $0xffff, v22  }
0x221: {  	[tilespmem:s4+$0x1BD10] =	vst.add.f32.msk $0xffff, v14  }
0x222: {  	[tilespmem:s4+$0x1BD20] =	vst.add.f32.msk $0xffff, v24  }
0x223: {  	[tilespmem:s4+$0x1BD30] =	vst.add.f32.msk $0xffff, v15  }
0x224: {  	[tilespmem:s4+$0x1BD40] =	vst.add.f32.msk $0xffff, v7  }
0x225: {  	[tilespmem:s4+$0x1BD50] =	vst.add.f32.msk $0xffff, v17  }
0x226: {  	[tilespmem:s4+$0x1BD60] =	vst.add.f32.msk $0xffff, v2  }
0x227: {  	[tilespmem:s4+$0x1BD70] =	vst.add.f32.msk $0xffff, v19  }
0x228: {  	[tilespmem:s4+$0x1BD80] =	vst.add.f32.msk $0xffff, v1  }
.Ltmp6:
0x229: {  	[tilespmem:s4+$0x1BD90] =	vst.add.f32.msk $0xffff, v21;
	(pc) =	sbr.rel @p0 .LBB2_10-.Ltmp6, $4  }
0x22a: {  	[tilespmem:s4+$0x1BDA0] =	vst.add.f32.msk $0xffff, v3  }
0x22b: {  	[tilespmem:s4+$0x1BDB0] =	vst.add.f32.msk $0xffff, v23  }
0x22c: {  	[tilespmem:s4+$0x1BDC0] =	vst.add.f32.msk $0xffff, v9  }
0x22d: {  	s7 =	sadd.s32 $0x800, s7;
	[tilespmem:s4+$0x1BDD0] =	vst.add.f32.msk $0xffff, v25  }
0x22e: {  	s26 =	simm.s32 $0x1BC00;
	s14 =	simm.s32 $0x1  }
0x22f: {  	[tilespmem:s4+$0x1BDE0] =	vst.add.f32.msk $0xffff, v0;
	s5 =	simm.s32 $0x14000;
	s8 =	simm.s32 $0x280;
	s9 =	simm.s32 $0x18000  }
0x230: {  	s10 =	simm.s32 $0x300;
	s11 =	simm.s32 $0x1C000;
	s1 =	rddreg [dreg:$0xa]  }
0x231: {  	[hbm4b:s1+s28] =	stream.linear.scatter [tilespmem:s26], [sflag:$0xA], $0x4000, $0x38;
	[tilespmem:$0x1FC00] =	vst v63  }
0x232: {  	s12 =	simm.s32 $0x380;
	s13 =	simm.s32 $0x20000;
	_ =	swait.ge [sflag:s23], $0x4000  }
0x233: {  	s7 =	simm.s32 $0x400;
	s15 =	simm.s32 $0x24000;
	[sflag:s23] =	ssyncset.done $0x0  }
0x234: {  	s28 =	simm.s32 $0xA380;
	s26 =	simm.s32 $0x480;
	[sflag:s23] =	ssyncadd.s32 $0xFFFFC000  }
0x235: {  	[tilespmem:s29], [sflag:$0x3] =	stream.indirect.gather [hbm4b:s2+s16], $0x80, s28, s16, $0xb8;
	[tilespmem:$0x1FC00] =	vst v63  }
.LBB2_12:
0x236: {  	s1 =	smulhi.u32 $0x51EB851F, s8;
	_ =	sdelay $0x1  }
0x237: {  	s1 =	sshrl.u32 s1, $0x6  }
0x238: {  	s1 =	smul.u32 $0xFFFE7000, s1;
	_ =	sdelay $0x1  }
0x239: {  	s1 =	sshra.s32 s1, $0x2  }
0x23a: {  	s1 =	sadd.s32 s1, s5  }
0x23b: {  	v0 =	vmov s1  }
0x23c: {  	s21 =	simm.s32 $0x1  }
0x23d: {  	_ =	swait.ge [sflag:s21], $0x4000  }
0x23e: {  	[sflag:s21] =	ssyncset.done $0x0  }
0x23f: {  	s19 =	simm.s32 $0x0;
	[sflag:s21] =	ssyncadd.s32 $0xFFFFC000  }
0x240: {  	v1 =	vld.idx.msk [tilespmem:v0+s19+$0x180 ss:$0x1], $0xffff;
	_ =	sdelay $0x3  }
0x241: {  	v2 =	vld.idx.msk [tilespmem:v0+s19+$0x0 ss:$0x1], $0xffff  }
0x242: {  	v3 =	vld.idx.msk [tilespmem:v0+s19+$0x80 ss:$0x1], $0xffff;
	v4 =	vshll.u32 v1, $0x10  }
0x243: {  	v1 =	vand.u32 $0xFFFF0000, v1;
	[tilespmem:s19+$0xBD80] =	vst.add.f32.msk $0xffff, v4  }
0x244: {  	[tilespmem:s19+$0xBD90] =	vst.add.f32.msk $0xffff, v1  }
0x245: {  	v1 =	vld.idx.msk [tilespmem:v0+s19+$0x190 ss:$0x1], $0xffff  }
0x246: {  	v58 =	vld.idx.msk [tilespmem:v0+s19+$0x100 ss:$0x1], $0xffff;
	v5 =	vshll.u32 v2, $0x10  }
0x247: {  	v2 =	vand.u32 $0xFFFF0000, v2;
	[tilespmem:s19+$0xBC00] =	vst.add.f32.msk $0xffff, v5  }
0x248: {  	v59 =	vshll.u32 v3, $0x10;
	[tilespmem:s19+$0xBC10] =	vst.add.f32.msk $0xffff, v2  }
0x249: {  	v2 =	vand.u32 $0xFFFF0000, v3;
	[tilespmem:s19+$0xBC80] =	vst.add.f32.msk $0xffff, v59  }
0x24a: {  	[tilespmem:s19+$0xBC90] =	vst.add.f32.msk $0xffff, v2;
	v2 =	vshll.u32 v1, $0x10  }
0x24b: {  	v1 =	vand.u32 $0xFFFF0000, v1;
	[tilespmem:s19+$0xBDA0] =	vst.add.f32.msk $0xffff, v2  }
0x24c: {  	[tilespmem:s19+$0xBDB0] =	vst.add.f32.msk $0xffff, v1  }
0x24d: {  	v3 =	vand.u32 $0xFFFF0000, v58;
	v2 =	vld.idx.msk [tilespmem:v0+s19+$0x1A0 ss:$0x1], $0xffff  }
0x24e: {  	[tilespmem:s19+$0xBD10] =	vst.add.f32.msk $0xffff, v3;
	v1 =	vshll.u32 v58, $0x10  }
0x24f: {  	[tilespmem:s19+$0xBD00] =	vst.add.f32.msk $0xffff, v1  }
0x250: {  	v1 =	vld.idx.msk [tilespmem:v0+s19+$0x10 ss:$0x1], $0xffff  }
0x251: {  	v3 =	vld.idx.msk [tilespmem:v0+s19+$0x90 ss:$0x1], $0xffff  }
0x252: {  	v60 =	vld.idx.msk [tilespmem:v0+s19+$0x110 ss:$0x1], $0xffff;
	v61 =	vshll.u32 v2, $0x10  }
0x253: {  	v2 =	vand.u32 $0xFFFF0000, v2;
	[tilespmem:s19+$0xBDC0] =	vst.add.f32.msk $0xffff, v61  }
0x254: {  	[tilespmem:s19+$0xBDD0] =	vst.add.f32.msk $0xffff, v2  }
0x255: {  	v2 =	vshll.u32 v1, $0x10;
	v5 =	vld.idx.msk [tilespmem:v0+s19+$0x1B0 ss:$0x1], $0xffff  }
0x256: {  	v1 =	vand.u32 $0xFFFF0000, v1;
	[tilespmem:s19+$0xBC20] =	vst.add.f32.msk $0xffff, v2  }
0x257: {  	v2 =	vshll.u32 v3, $0x10;
	[tilespmem:s19+$0xBC30] =	vst.add.f32.msk $0xffff, v1  }
0x258: {  	v1 =	vand.u32 $0xFFFF0000, v3;
	[tilespmem:s19+$0xBCA0] =	vst.add.f32.msk $0xffff, v2  }
0x259: {  	v2 =	vshll.u32 v60, $0x10;
	[tilespmem:s19+$0xBCB0] =	vst.add.f32.msk $0xffff, v1  }
0x25a: {  	s22 =	smulhi.u32 $0x51EB851F, s26;
	[tilespmem:s19+$0xBD20] =	vst.add.f32.msk $0xffff, v2  }
0x25b: {  	s4 =	smulhi.u32 $0x51EB851F, s7;
	v1 =	vand.u32 $0xFFFF0000, v60;
	v2 =	vld.idx.msk [tilespmem:v0+s19+$0x20 ss:$0x1], $0xffff  }
0x25c: {  	s17 =	smulhi.u32 $0x51EB851F, s12;
	[tilespmem:s19+$0xBD30] =	vst.add.f32.msk $0xffff, v1  }
0x25d: {  	s21 =	smulhi.u32 $0x51EB851F, s10;
	v3 =	vld.idx.msk [tilespmem:v0+s19+$0xA0 ss:$0x1], $0xffff  }
0x25e: {  	s28 =	smul.u32 $0x280, s14;
	s4 =	sshrl.u32 s4, $0x6;
	v62 =	vld.idx.msk [tilespmem:v0+s19+$0x120 ss:$0x1], $0xffff;
	v1 =	vand.u32 $0xFFFF0000, v5  }
0x25f: {  	s4 =	smul.u32 $0xFFFE7000, s4;
	s24 =	sshrl.u32 s21, $0x6;
	[tilespmem:s19+$0xBDF0] =	vst.add.f32.msk $0xffff, v1;
	v1 =	vshll.u32 v5, $0x10  }
0x260: {  	s17 =	sshrl.u32 s17, $0x6;
	s21 =	smul.u32 $0xFFFE7000, s24;
	v63 =	vshll.u32 v2, $0x10;
	[tilespmem:s19+$0xBDE0] =	vst.add.f32.msk $0xffff, v1  }
0x261: {  	s1 =	sshrl.u32 s22, $0x6;
	s22 =	smul.u32 $0xFFFE7000, s17;
	v1 =	vand.u32 $0xFFFF0000, v2;
	[tilespmem:s19+$0xBC40] =	vst.add.f32.msk $0xffff, v63  }
0x262: {  	s25 =	sshra.s32 s4, $0x2;
	s1 =	smul.u32 $0xFFFE7000, s1;
	v2 =	vshll.u32 v3, $0x10;
	[tilespmem:s19+$0xBC50] =	vst.add.f32.msk $0xffff, v1  }
0x263: {  	s24 =	sadd.s32 s25, s13;
	s25 =	simm.s32 $0x800;
	s21 =	sshra.s32 s21, $0x2;
	v1 =	vand.u32 $0xFFFF0000, v3;
	[tilespmem:s19+$0xBCC0] =	vst.add.f32.msk $0xffff, v2  }
0x264: {  	s29 =	sshra.s32 s22, $0x2;
	s22 =	sadd.s32 s21, s9;
	s1 =	sshra.s32 s1, $0x2;
	v2 =	vshll.u32 v62, $0x10;
	[tilespmem:s19+$0xBCD0] =	vst.add.f32.msk $0xffff, v1  }
0x265: {  	s21 =	simm.s32 $0x0;
	s4 =	sadd.s32 s29, s11;
	s17 =	sadd.s32 s1, s15;
	v1 =	vand.u32 $0xFFFF0000, v62;
	[tilespmem:s19+$0xBD40] =	vst.add.f32.msk $0xffff, v2  }
.LBB2_13:
0x266: {  	s29 =	sshra.s32 s25, $0x2;
	[tilespmem:s19+$0xBD50] =	vst.add.f32.msk $0xffff, v1  }
0x267: {  	v1 =	vld.idx.msk [tilespmem:v0+s29+$0x180 ss:$0x1], $0xffff  }
0x268: {  	v2 =	vld.idx.msk [tilespmem:v0+s29+$0x0 ss:$0x1], $0xffff  }
0x269: {  	s21 =	sadd.s32 $0x4, s21;
	v3 =	vld.idx.msk [tilespmem:v0+s29+$0x80 ss:$0x1], $0xffff  }
0x26a: {  	p0 =	slt.u32 s21, $0x7C;
	v4 =	vld.idx.msk [tilespmem:v0+s29+$0x100 ss:$0x1], $0xffff  }
0x26b: {  	v5 =	vld.idx.msk [tilespmem:v0+s19+$0x30 ss:$0x1], $0xffff  }
0x26c: {  	v6 =	vld.idx.msk [tilespmem:v0+s19+$0xB0 ss:$0x1], $0xffff  }
0x26d: {  	v7 =	vshll.u32 v1, $0x10;
	v8 =	vld.idx.msk [tilespmem:v0+s19+$0x130 ss:$0x1], $0xffff  }
0x26e: {  	v1 =	vand.u32 $0xFFFF0000, v1;
	v9 =	vshll.u32 v2, $0x10;
	v2 =	vand.u32 $0xFFFF0000, v2;
	[tilespmem:s29+$0xBD80] =	vst.add.f32.msk $0xffff, v7  }
0x26f: {  	v7 =	vshll.u32 v3, $0x10;
	v3 =	vand.u32 $0xFFFF0000, v3;
	[tilespmem:s29+$0xBD90] =	vst.add.f32.msk $0xffff, v1  }
0x270: {  	v1 =	vshll.u32 v4, $0x10;
	v4 =	vand.u32 $0xFFFF0000, v4;
	v10 =	vld.idx.msk [tilespmem:v0+s29+$0x190 ss:$0x1], $0xffff  }
0x271: {  	[tilespmem:s29+$0xBC00] =	vst.add.f32.msk $0xffff, v9;
	v9 =	vshll.u32 v5, $0x10;
	v5 =	vand.u32 $0xFFFF0000, v5  }
0x272: {  	[tilespmem:s29+$0xBC10] =	vst.add.f32.msk $0xffff, v2;
	v2 =	vshll.u32 v6, $0x10;
	v6 =	vand.u32 $0xFFFF0000, v6  }
0x273: {  	[tilespmem:s29+$0xBC80] =	vst.add.f32.msk $0xffff, v7;
	v7 =	vshll.u32 v8, $0x10;
	v8 =	vand.u32 $0xFFFF0000, v8  }
0x274: {  	[tilespmem:s29+$0xBC90] =	vst.add.f32.msk $0xffff, v3  }
0x275: {  	[tilespmem:s29+$0xBD00] =	vst.add.f32.msk $0xffff, v1  }
0x276: {  	v1 =	vshll.u32 v10, $0x10;
	[tilespmem:s29+$0xBD10] =	vst.add.f32.msk $0xffff, v4  }
0x277: {  	v3 =	vand.u32 $0xFFFF0000, v10;
	[tilespmem:s29+$0xBDA0] =	vst.add.f32.msk $0xffff, v1  }
0x278: {  	[tilespmem:s29+$0xBDB0] =	vst.add.f32.msk $0xffff, v3  }
0x279: {  	v1 =	vld.idx.msk [tilespmem:v0+s29+$0x1A0 ss:$0x1], $0xffff  }
0x27a: {  	v3 =	vld.idx.msk [tilespmem:v0+s29+$0x10 ss:$0x1], $0xffff  }
0x27b: {  	v4 =	vld.idx.msk [tilespmem:v0+s29+$0x90 ss:$0x1], $0xffff  }
0x27c: {  	v10 =	vld.idx.msk [tilespmem:v0+s29+$0x110 ss:$0x1], $0xffff  }
0x27d: {  	[tilespmem:s19+$0xBC60] =	vst.add.f32.msk $0xffff, v9  }
0x27e: {  	[tilespmem:s19+$0xBC70] =	vst.add.f32.msk $0xffff, v5  }
0x27f: {  	v5 =	vshll.u32 v1, $0x10;
	[tilespmem:s19+$0xBCE0] =	vst.add.f32.msk $0xffff, v2  }
0x280: {  	v1 =	vand.u32 $0xFFFF0000, v1;
	v2 =	vshll.u32 v3, $0x10;
	v3 =	vand.u32 $0xFFFF0000, v3;
	[tilespmem:s29+$0xBDC0] =	vst.add.f32.msk $0xffff, v5  }
0x281: {  	v5 =	vshll.u32 v4, $0x10;
	v4 =	vand.u32 $0xFFFF0000, v4;
	[tilespmem:s29+$0xBDD0] =	vst.add.f32.msk $0xffff, v1  }
0x282: {  	v1 =	vshll.u32 v10, $0x10;
	v9 =	vand.u32 $0xFFFF0000, v10;
	v10 =	vld.idx.msk [tilespmem:v0+s29+$0x1B0 ss:$0x1], $0xffff  }
0x283: {  	[tilespmem:s29+$0xBC20] =	vst.add.f32.msk $0xffff, v2  }
0x284: {  	[tilespmem:s29+$0xBC30] =	vst.add.f32.msk $0xffff, v3  }
0x285: {  	[tilespmem:s29+$0xBCA0] =	vst.add.f32.msk $0xffff, v5  }
0x286: {  	[tilespmem:s29+$0xBCB0] =	vst.add.f32.msk $0xffff, v4  }
0x287: {  	[tilespmem:s29+$0xBD20] =	vst.add.f32.msk $0xffff, v1  }
0x288: {  	v1 =	vshll.u32 v10, $0x10;
	v2 =	vand.u32 $0xFFFF0000, v10;
	[tilespmem:s29+$0xBD30] =	vst.add.f32.msk $0xffff, v9  }
0x289: {  	[tilespmem:s29+$0xBDF0] =	vst.add.f32.msk $0xffff, v2  }
0x28a: {  	v2 =	vld.idx.msk [tilespmem:v0+s29+$0x20 ss:$0x1], $0xffff  }
0x28b: {  	v3 =	vld.idx.msk [tilespmem:v0+s29+$0xA0 ss:$0x1], $0xffff  }
0x28c: {  	v4 =	vld.idx.msk [tilespmem:v0+s29+$0x120 ss:$0x1], $0xffff  }
0x28d: {  	[tilespmem:s19+$0xBCF0] =	vst.add.f32.msk $0xffff, v6  }
0x28e: {  	[tilespmem:s19+$0xBD60] =	vst.add.f32.msk $0xffff, v7  }
0x28f: {  	[tilespmem:s19+$0xBD70] =	vst.add.f32.msk $0xffff, v8;
	s19 =	smov.u32 s29  }
0x290: {  	v5 =	vshll.u32 v2, $0x10;
	v2 =	vand.u32 $0xFFFF0000, v2;
	[tilespmem:s19+$0xBDE0] =	vst.add.f32.msk $0xffff, v1  }
.Ltmp7:
0x291: {  	[tilespmem:s19+$0xBC40] =	vst.add.f32.msk $0xffff, v5;
	v5 =	vshll.u32 v3, $0x10;
	v3 =	vand.u32 $0xFFFF0000, v3;
	(pc) =	sbr.rel @p0 .LBB2_13-.Ltmp7, $4  }
0x292: {  	v1 =	vand.u32 $0xFFFF0000, v4;
	[tilespmem:s19+$0xBC50] =	vst.add.f32.msk $0xffff, v2;
	v2 =	vshll.u32 v4, $0x10  }
0x293: {  	[tilespmem:s19+$0xBCC0] =	vst.add.f32.msk $0xffff, v5  }
0x294: {  	[tilespmem:s19+$0xBCD0] =	vst.add.f32.msk $0xffff, v3  }
0x295: {  	s25 =	sadd.s32 $0x800, s25;
	[tilespmem:s19+$0xBD40] =	vst.add.f32.msk $0xffff, v2  }
0x296: {  	_ =	sdelay $0x3  }
0x297: {  	v2 =	vld.idx.msk [tilespmem:v0+s19+$0x30 ss:$0x1], $0xffff;
	_ =	sdelay $0x1  }
0x298: {  	v3 =	vld.idx.msk [tilespmem:v0+s19+$0xB0 ss:$0x1], $0xffff  }
0x299: {  	[tilespmem:s19+$0xBD50] =	vst.add.f32.msk $0xffff, v1  }
0x29a: {  	v0 =	vld.idx.msk [tilespmem:v0+s19+$0x130 ss:$0x1], $0xffff  }
0x29b: {  	v1 =	vshll.u32 v2, $0x10  }
0x29c: {  	v2 =	vand.u32 $0xFFFF0000, v2;
	[tilespmem:s19+$0xBC60] =	vst.add.f32.msk $0xffff, v1  }
0x29d: {  	v1 =	vshll.u32 v3, $0x10;
	[tilespmem:s19+$0xBC70] =	vst.add.f32.msk $0xffff, v2  }
0x29e: {  	v2 =	vand.u32 $0xFFFF0000, v3;
	[tilespmem:s19+$0xBCE0] =	vst.add.f32.msk $0xffff, v1  }
0x29f: {  	s1 =	sadd.s32 s6, s28;
	v1 =	vshll.u32 v0, $0x10;
	[tilespmem:s19+$0xBCF0] =	vst.add.f32.msk $0xffff, v2  }
0x2a0: {  	s21 =	smul.u32 $0x5, s14;
	s1 =	sshll.u32 s1, $0x4;
	v0 =	vand.u32 $0xFFFF0000, v0;
	[tilespmem:s19+$0xBD60] =	vst.add.f32.msk $0xffff, v1  }
0x2a1: {  	s25 =	simm.s32 $0xBC00;
	s1 =	sadd.s32 s3, s1;
	[tilespmem:s19+$0xBD70] =	vst.add.f32.msk $0xffff, v0;
	s19 =	simm.s32 $0x0  }
0x2a2: {  	[hbm4b:s1+s19] =	stream.linear.scatter [tilespmem:s25], [sflag:$0x6], $0x4000, $0x38;
	[tilespmem:$0x1FC00] =	vst v63  }
0x2a3: {  	s19 =	sadd.s32 $0x3, s21  }
0x2a4: {  	_ =	swait.ge [sflag:s31], $0x4000;
	s19 =	sshll.u32 s19, $0x7  }
0x2a5: {  	[sflag:s31] =	ssyncset.done $0x0;
	s1 =	sand.u32 $0x3FFFFF80, s19  }
0x2a6: {  	v0 =	vmov s22;
	s25 =	simm.s32 $0x2;
	[sflag:s31] =	ssyncadd.s32 $0xFFFFC000;
	s1 =	sadd.s32 $0xA000, s1  }
0x2a7: {  	[tilespmem:s30], [sflag:$0x4] =	stream.indirect.gather [hbm4b:s2+s16], $0x80, s1, s16, $0xb8;
	[tilespmem:$0x1FC00] =	vst v63  }
0x2a8: {  	_ =	swait.ge [sflag:s25], $0x4000  }
0x2a9: {  	[sflag:s25] =	ssyncset.done $0x0  }
0x2aa: {  	s22 =	simm.s32 $0x0;
	[sflag:s25] =	ssyncadd.s32 $0xFFFFC000  }
0x2ab: {  	v1 =	vld.idx.msk [tilespmem:v0+s22+$0x180 ss:$0x1], $0xffff;
	_ =	sdelay $0x3  }
0x2ac: {  	v2 =	vld.idx.msk [tilespmem:v0+s22+$0x0 ss:$0x1], $0xffff  }
0x2ad: {  	v3 =	vld.idx.msk [tilespmem:v0+s22+$0x80 ss:$0x1], $0xffff;
	v4 =	vshll.u32 v1, $0x10  }
0x2ae: {  	v1 =	vand.u32 $0xFFFF0000, v1;
	[tilespmem:s22+$0xFD80] =	vst.add.f32.msk $0xffff, v4  }
0x2af: {  	[tilespmem:s22+$0xFD90] =	vst.add.f32.msk $0xffff, v1  }
0x2b0: {  	v1 =	vld.idx.msk [tilespmem:v0+s22+$0x190 ss:$0x1], $0xffff  }
0x2b1: {  	v58 =	vld.idx.msk [tilespmem:v0+s22+$0x100 ss:$0x1], $0xffff;
	v5 =	vshll.u32 v2, $0x10  }
0x2b2: {  	v2 =	vand.u32 $0xFFFF0000, v2;
	[tilespmem:s22+$0xFC00] =	vst.add.f32.msk $0xffff, v5  }
0x2b3: {  	v59 =	vshll.u32 v3, $0x10;
	[tilespmem:s22+$0xFC10] =	vst.add.f32.msk $0xffff, v2  }
0x2b4: {  	v2 =	vand.u32 $0xFFFF0000, v3;
	[tilespmem:s22+$0xFC80] =	vst.add.f32.msk $0xffff, v59  }
0x2b5: {  	[tilespmem:s22+$0xFC90] =	vst.add.f32.msk $0xffff, v2;
	v2 =	vshll.u32 v1, $0x10  }
0x2b6: {  	v1 =	vand.u32 $0xFFFF0000, v1;
	[tilespmem:s22+$0xFDA0] =	vst.add.f32.msk $0xffff, v2  }
0x2b7: {  	[tilespmem:s22+$0xFDB0] =	vst.add.f32.msk $0xffff, v1  }
0x2b8: {  	v3 =	vand.u32 $0xFFFF0000, v58;
	v2 =	vld.idx.msk [tilespmem:v0+s22+$0x1A0 ss:$0x1], $0xffff  }
0x2b9: {  	[tilespmem:s22+$0xFD10] =	vst.add.f32.msk $0xffff, v3;
	v1 =	vshll.u32 v58, $0x10  }
0x2ba: {  	[tilespmem:s22+$0xFD00] =	vst.add.f32.msk $0xffff, v1  }
0x2bb: {  	v1 =	vld.idx.msk [tilespmem:v0+s22+$0x10 ss:$0x1], $0xffff  }
0x2bc: {  	v3 =	vld.idx.msk [tilespmem:v0+s22+$0x90 ss:$0x1], $0xffff  }
0x2bd: {  	v60 =	vld.idx.msk [tilespmem:v0+s22+$0x110 ss:$0x1], $0xffff;
	v61 =	vshll.u32 v2, $0x10  }
0x2be: {  	v2 =	vand.u32 $0xFFFF0000, v2;
	[tilespmem:s22+$0xFDC0] =	vst.add.f32.msk $0xffff, v61  }
0x2bf: {  	[tilespmem:s22+$0xFDD0] =	vst.add.f32.msk $0xffff, v2  }
0x2c0: {  	v2 =	vshll.u32 v1, $0x10;
	v5 =	vld.idx.msk [tilespmem:v0+s22+$0x1B0 ss:$0x1], $0xffff  }
0x2c1: {  	v1 =	vand.u32 $0xFFFF0000, v1;
	[tilespmem:s22+$0xFC20] =	vst.add.f32.msk $0xffff, v2  }
0x2c2: {  	v2 =	vshll.u32 v3, $0x10;
	[tilespmem:s22+$0xFC30] =	vst.add.f32.msk $0xffff, v1  }
0x2c3: {  	v1 =	vand.u32 $0xFFFF0000, v3;
	[tilespmem:s22+$0xFCA0] =	vst.add.f32.msk $0xffff, v2  }
0x2c4: {  	v2 =	vshll.u32 v60, $0x10;
	[tilespmem:s22+$0xFCB0] =	vst.add.f32.msk $0xffff, v1  }
0x2c5: {  	[tilespmem:s22+$0xFD20] =	vst.add.f32.msk $0xffff, v2  }
0x2c6: {  	v1 =	vand.u32 $0xFFFF0000, v60;
	v2 =	vld.idx.msk [tilespmem:v0+s22+$0x20 ss:$0x1], $0xffff  }
0x2c7: {  	[tilespmem:s22+$0xFD30] =	vst.add.f32.msk $0xffff, v1  }
0x2c8: {  	v3 =	vld.idx.msk [tilespmem:v0+s22+$0xA0 ss:$0x1], $0xffff  }
0x2c9: {  	v62 =	vld.idx.msk [tilespmem:v0+s22+$0x120 ss:$0x1], $0xffff;
	v1 =	vand.u32 $0xFFFF0000, v5  }
0x2ca: {  	[tilespmem:s22+$0xFDF0] =	vst.add.f32.msk $0xffff, v1;
	v1 =	vshll.u32 v5, $0x10  }
0x2cb: {  	v63 =	vshll.u32 v2, $0x10;
	[tilespmem:s22+$0xFDE0] =	vst.add.f32.msk $0xffff, v1  }
0x2cc: {  	v1 =	vand.u32 $0xFFFF0000, v2;
	[tilespmem:s22+$0xFC40] =	vst.add.f32.msk $0xffff, v63  }
0x2cd: {  	v2 =	vshll.u32 v3, $0x10;
	[tilespmem:s22+$0xFC50] =	vst.add.f32.msk $0xffff, v1  }
0x2ce: {  	v1 =	vand.u32 $0xFFFF0000, v3;
	[tilespmem:s22+$0xFCC0] =	vst.add.f32.msk $0xffff, v2  }
0x2cf: {  	v2 =	vshll.u32 v62, $0x10;
	[tilespmem:s22+$0xFCD0] =	vst.add.f32.msk $0xffff, v1  }
0x2d0: {  	s29 =	simm.s32 $0x0;
	s30 =	simm.s32 $0x800;
	s25 =	sadd.s32 $0x80, s28;
	v1 =	vand.u32 $0xFFFF0000, v62;
	[tilespmem:s22+$0xFD40] =	vst.add.f32.msk $0xffff, v2  }
.LBB2_15:
0x2d1: {  	s1 =	sshra.s32 s30, $0x2;
	[tilespmem:s22+$0xFD50] =	vst.add.f32.msk $0xffff, v1  }
0x2d2: {  	v1 =	vld.idx.msk [tilespmem:v0+s1+$0x180 ss:$0x1], $0xffff  }
0x2d3: {  	v2 =	vld.idx.msk [tilespmem:v0+s1+$0x0 ss:$0x1], $0xffff  }
0x2d4: {  	s29 =	sadd.s32 $0x4, s29;
	v3 =	vld.idx.msk [tilespmem:v0+s1+$0x80 ss:$0x1], $0xffff  }
0x2d5: {  	p0 =	slt.u32 s29, $0x7C;
	v4 =	vld.idx.msk [tilespmem:v0+s1+$0x100 ss:$0x1], $0xffff  }
0x2d6: {  	v5 =	vld.idx.msk [tilespmem:v0+s22+$0x30 ss:$0x1], $0xffff  }
0x2d7: {  	v6 =	vld.idx.msk [tilespmem:v0+s22+$0xB0 ss:$0x1], $0xffff  }
0x2d8: {  	v7 =	vshll.u32 v1, $0x10;
	v8 =	vld.idx.msk [tilespmem:v0+s22+$0x130 ss:$0x1], $0xffff  }
0x2d9: {  	v1 =	vand.u32 $0xFFFF0000, v1;
	v9 =	vshll.u32 v2, $0x10;
	v2 =	vand.u32 $0xFFFF0000, v2;
	[tilespmem:s1+$0xFD80] =	vst.add.f32.msk $0xffff, v7  }
0x2da: {  	v7 =	vshll.u32 v3, $0x10;
	v3 =	vand.u32 $0xFFFF0000, v3;
	[tilespmem:s1+$0xFD90] =	vst.add.f32.msk $0xffff, v1  }
0x2db: {  	v1 =	vshll.u32 v4, $0x10;
	v4 =	vand.u32 $0xFFFF0000, v4;
	v10 =	vld.idx.msk [tilespmem:v0+s1+$0x190 ss:$0x1], $0xffff  }
0x2dc: {  	[tilespmem:s1+$0xFC00] =	vst.add.f32.msk $0xffff, v9;
	v9 =	vshll.u32 v5, $0x10;
	v5 =	vand.u32 $0xFFFF0000, v5  }
0x2dd: {  	[tilespmem:s1+$0xFC10] =	vst.add.f32.msk $0xffff, v2;
	v2 =	vshll.u32 v6, $0x10;
	v6 =	vand.u32 $0xFFFF0000, v6  }
0x2de: {  	[tilespmem:s1+$0xFC80] =	vst.add.f32.msk $0xffff, v7;
	v7 =	vshll.u32 v8, $0x10;
	v8 =	vand.u32 $0xFFFF0000, v8  }
0x2df: {  	[tilespmem:s1+$0xFC90] =	vst.add.f32.msk $0xffff, v3  }
0x2e0: {  	[tilespmem:s1+$0xFD00] =	vst.add.f32.msk $0xffff, v1  }
0x2e1: {  	v1 =	vshll.u32 v10, $0x10;
	[tilespmem:s1+$0xFD10] =	vst.add.f32.msk $0xffff, v4  }
0x2e2: {  	v3 =	vand.u32 $0xFFFF0000, v10;
	[tilespmem:s1+$0xFDA0] =	vst.add.f32.msk $0xffff, v1  }
0x2e3: {  	[tilespmem:s1+$0xFDB0] =	vst.add.f32.msk $0xffff, v3  }
0x2e4: {  	v1 =	vld.idx.msk [tilespmem:v0+s1+$0x1A0 ss:$0x1], $0xffff  }
0x2e5: {  	v3 =	vld.idx.msk [tilespmem:v0+s1+$0x10 ss:$0x1], $0xffff  }
0x2e6: {  	v4 =	vld.idx.msk [tilespmem:v0+s1+$0x90 ss:$0x1], $0xffff  }
0x2e7: {  	v10 =	vld.idx.msk [tilespmem:v0+s1+$0x110 ss:$0x1], $0xffff  }
0x2e8: {  	[tilespmem:s22+$0xFC60] =	vst.add.f32.msk $0xffff, v9  }
0x2e9: {  	[tilespmem:s22+$0xFC70] =	vst.add.f32.msk $0xffff, v5  }
0x2ea: {  	v5 =	vshll.u32 v1, $0x10;
	[tilespmem:s22+$0xFCE0] =	vst.add.f32.msk $0xffff, v2  }
0x2eb: {  	v1 =	vand.u32 $0xFFFF0000, v1;
	v2 =	vshll.u32 v3, $0x10;
	v3 =	vand.u32 $0xFFFF0000, v3;
	[tilespmem:s1+$0xFDC0] =	vst.add.f32.msk $0xffff, v5  }
0x2ec: {  	v5 =	vshll.u32 v4, $0x10;
	v4 =	vand.u32 $0xFFFF0000, v4;
	[tilespmem:s1+$0xFDD0] =	vst.add.f32.msk $0xffff, v1  }
0x2ed: {  	v1 =	vshll.u32 v10, $0x10;
	v9 =	vand.u32 $0xFFFF0000, v10;
	v10 =	vld.idx.msk [tilespmem:v0+s1+$0x1B0 ss:$0x1], $0xffff  }
0x2ee: {  	[tilespmem:s1+$0xFC20] =	vst.add.f32.msk $0xffff, v2  }
0x2ef: {  	[tilespmem:s1+$0xFC30] =	vst.add.f32.msk $0xffff, v3  }
0x2f0: {  	[tilespmem:s1+$0xFCA0] =	vst.add.f32.msk $0xffff, v5  }
0x2f1: {  	[tilespmem:s1+$0xFCB0] =	vst.add.f32.msk $0xffff, v4  }
0x2f2: {  	[tilespmem:s1+$0xFD20] =	vst.add.f32.msk $0xffff, v1  }
0x2f3: {  	v1 =	vshll.u32 v10, $0x10;
	v2 =	vand.u32 $0xFFFF0000, v10;
	[tilespmem:s1+$0xFD30] =	vst.add.f32.msk $0xffff, v9  }
0x2f4: {  	[tilespmem:s1+$0xFDF0] =	vst.add.f32.msk $0xffff, v2  }
0x2f5: {  	v2 =	vld.idx.msk [tilespmem:v0+s1+$0x20 ss:$0x1], $0xffff  }
0x2f6: {  	v3 =	vld.idx.msk [tilespmem:v0+s1+$0xA0 ss:$0x1], $0xffff  }
0x2f7: {  	v4 =	vld.idx.msk [tilespmem:v0+s1+$0x120 ss:$0x1], $0xffff  }
0x2f8: {  	[tilespmem:s22+$0xFCF0] =	vst.add.f32.msk $0xffff, v6  }
0x2f9: {  	[tilespmem:s22+$0xFD60] =	vst.add.f32.msk $0xffff, v7  }
0x2fa: {  	[tilespmem:s22+$0xFD70] =	vst.add.f32.msk $0xffff, v8;
	s22 =	smov.u32 s1  }
0x2fb: {  	v5 =	vshll.u32 v2, $0x10;
	v2 =	vand.u32 $0xFFFF0000, v2;
	[tilespmem:s22+$0xFDE0] =	vst.add.f32.msk $0xffff, v1  }
.Ltmp8:
0x2fc: {  	[tilespmem:s22+$0xFC40] =	vst.add.f32.msk $0xffff, v5;
	v5 =	vshll.u32 v3, $0x10;
	v3 =	vand.u32 $0xFFFF0000, v3;
	(pc) =	sbr.rel @p0 .LBB2_15-.Ltmp8, $4  }
0x2fd: {  	v1 =	vand.u32 $0xFFFF0000, v4;
	[tilespmem:s22+$0xFC50] =	vst.add.f32.msk $0xffff, v2;
	v2 =	vshll.u32 v4, $0x10  }
0x2fe: {  	[tilespmem:s22+$0xFCC0] =	vst.add.f32.msk $0xffff, v5  }
0x2ff: {  	[tilespmem:s22+$0xFCD0] =	vst.add.f32.msk $0xffff, v3  }
0x300: {  	s30 =	sadd.s32 $0x800, s30;
	[tilespmem:s22+$0xFD40] =	vst.add.f32.msk $0xffff, v2  }
0x301: {  	_ =	sdelay $0x3  }
0x302: {  	v2 =	vld.idx.msk [tilespmem:v0+s22+$0x30 ss:$0x1], $0xffff;
	_ =	sdelay $0x1  }
0x303: {  	v3 =	vld.idx.msk [tilespmem:v0+s22+$0xB0 ss:$0x1], $0xffff  }
0x304: {  	[tilespmem:s22+$0xFD50] =	vst.add.f32.msk $0xffff, v1  }
0x305: {  	v0 =	vld.idx.msk [tilespmem:v0+s22+$0x130 ss:$0x1], $0xffff  }
0x306: {  	v1 =	vshll.u32 v2, $0x10  }
0x307: {  	v2 =	vand.u32 $0xFFFF0000, v2;
	[tilespmem:s22+$0xFC60] =	vst.add.f32.msk $0xffff, v1  }
0x308: {  	v1 =	vshll.u32 v3, $0x10;
	[tilespmem:s22+$0xFC70] =	vst.add.f32.msk $0xffff, v2  }
0x309: {  	v2 =	vand.u32 $0xFFFF0000, v3;
	[tilespmem:s22+$0xFCE0] =	vst.add.f32.msk $0xffff, v1  }
0x30a: {  	s1 =	sadd.s32 s6, s25;
	v1 =	vshll.u32 v0, $0x10;
	[tilespmem:s22+$0xFCF0] =	vst.add.f32.msk $0xffff, v2  }
0x30b: {  	s29 =	simm.s32 $0x0;
	s1 =	sshll.u32 s1, $0x4;
	v0 =	vand.u32 $0xFFFF0000, v0;
	[tilespmem:s22+$0xFD60] =	vst.add.f32.msk $0xffff, v1  }
0x30c: {  	s30 =	simm.s32 $0xFC00;
	s25 =	sadd.s32 $0x4, s21;
	s1 =	sadd.s32 s3, s1;
	[tilespmem:s22+$0xFD70] =	vst.add.f32.msk $0xffff, v0  }
0x30d: {  	[hbm4b:s1+s29] =	stream.linear.scatter [tilespmem:s30], [sflag:$0x7], $0x4000, $0x38;
	[tilespmem:$0x1FC00] =	vst v63  }
0x30e: {  	s21 =	sshll.u32 s25, $0x7;
	_ =	swait.ge [sflag:s18], $0x4000  }
0x30f: {  	s1 =	sand.u32 $0x3FFFFF80, s21;
	s29 =	simm.s32 $0x1BC00;
	[sflag:s18] =	ssyncset.done $0x0  }
0x310: {  	v0 =	vmov s4;
	s30 =	simm.s32 $0x3;
	s1 =	sadd.s32 $0xA000, s1;
	[sflag:s18] =	ssyncadd.s32 $0xFFFFC000  }
0x311: {  	[tilespmem:s29], [sflag:$0x5] =	stream.indirect.gather [hbm4b:s2+s16], $0x80, s1, s16, $0xb8;
	[tilespmem:$0x1FC00] =	vst v63  }
0x312: {  	_ =	swait.ge [sflag:s30], $0x4000  }
0x313: {  	[sflag:s30] =	ssyncset.done $0x0  }
0x314: {  	s4 =	simm.s32 $0x0;
	[sflag:s30] =	ssyncadd.s32 $0xFFFFC000  }
0x315: {  	v1 =	vld.idx.msk [tilespmem:v0+s4+$0x180 ss:$0x1], $0xffff;
	_ =	sdelay $0x3  }
0x316: {  	v2 =	vld.idx.msk [tilespmem:v0+s4+$0x0 ss:$0x1], $0xffff  }
0x317: {  	v3 =	vld.idx.msk [tilespmem:v0+s4+$0x80 ss:$0x1], $0xffff;
	v4 =	vshll.u32 v1, $0x10  }
0x318: {  	v1 =	vand.u32 $0xFFFF0000, v1;
	[tilespmem:s4+$0x13D80] =	vst.add.f32.msk $0xffff, v4  }
0x319: {  	[tilespmem:s4+$0x13D90] =	vst.add.f32.msk $0xffff, v1  }
0x31a: {  	v1 =	vld.idx.msk [tilespmem:v0+s4+$0x190 ss:$0x1], $0xffff  }
0x31b: {  	v58 =	vld.idx.msk [tilespmem:v0+s4+$0x100 ss:$0x1], $0xffff;
	v5 =	vshll.u32 v2, $0x10  }
0x31c: {  	v2 =	vand.u32 $0xFFFF0000, v2;
	[tilespmem:s4+$0x13C00] =	vst.add.f32.msk $0xffff, v5  }
0x31d: {  	v59 =	vshll.u32 v3, $0x10;
	[tilespmem:s4+$0x13C10] =	vst.add.f32.msk $0xffff, v2  }
0x31e: {  	v2 =	vand.u32 $0xFFFF0000, v3;
	[tilespmem:s4+$0x13C80] =	vst.add.f32.msk $0xffff, v59  }
0x31f: {  	[tilespmem:s4+$0x13C90] =	vst.add.f32.msk $0xffff, v2;
	v2 =	vshll.u32 v1, $0x10  }
0x320: {  	v1 =	vand.u32 $0xFFFF0000, v1;
	[tilespmem:s4+$0x13DA0] =	vst.add.f32.msk $0xffff, v2  }
0x321: {  	[tilespmem:s4+$0x13DB0] =	vst.add.f32.msk $0xffff, v1  }
0x322: {  	v3 =	vand.u32 $0xFFFF0000, v58;
	v2 =	vld.idx.msk [tilespmem:v0+s4+$0x1A0 ss:$0x1], $0xffff  }
0x323: {  	[tilespmem:s4+$0x13D10] =	vst.add.f32.msk $0xffff, v3;
	v1 =	vshll.u32 v58, $0x10  }
0x324: {  	[tilespmem:s4+$0x13D00] =	vst.add.f32.msk $0xffff, v1  }
0x325: {  	v1 =	vld.idx.msk [tilespmem:v0+s4+$0x10 ss:$0x1], $0xffff  }
0x326: {  	v3 =	vld.idx.msk [tilespmem:v0+s4+$0x90 ss:$0x1], $0xffff  }
0x327: {  	v60 =	vld.idx.msk [tilespmem:v0+s4+$0x110 ss:$0x1], $0xffff;
	v61 =	vshll.u32 v2, $0x10  }
0x328: {  	v2 =	vand.u32 $0xFFFF0000, v2;
	[tilespmem:s4+$0x13DC0] =	vst.add.f32.msk $0xffff, v61  }
0x329: {  	[tilespmem:s4+$0x13DD0] =	vst.add.f32.msk $0xffff, v2  }
0x32a: {  	v2 =	vshll.u32 v1, $0x10;
	v5 =	vld.idx.msk [tilespmem:v0+s4+$0x1B0 ss:$0x1], $0xffff  }
0x32b: {  	v1 =	vand.u32 $0xFFFF0000, v1;
	[tilespmem:s4+$0x13C20] =	vst.add.f32.msk $0xffff, v2  }
0x32c: {  	v2 =	vshll.u32 v3, $0x10;
	[tilespmem:s4+$0x13C30] =	vst.add.f32.msk $0xffff, v1  }
0x32d: {  	v1 =	vand.u32 $0xFFFF0000, v3;
	[tilespmem:s4+$0x13CA0] =	vst.add.f32.msk $0xffff, v2  }
0x32e: {  	v2 =	vshll.u32 v60, $0x10;
	[tilespmem:s4+$0x13CB0] =	vst.add.f32.msk $0xffff, v1  }
0x32f: {  	[tilespmem:s4+$0x13D20] =	vst.add.f32.msk $0xffff, v2  }
0x330: {  	v1 =	vand.u32 $0xFFFF0000, v60;
	v2 =	vld.idx.msk [tilespmem:v0+s4+$0x20 ss:$0x1], $0xffff  }
0x331: {  	[tilespmem:s4+$0x13D30] =	vst.add.f32.msk $0xffff, v1  }
0x332: {  	v3 =	vld.idx.msk [tilespmem:v0+s4+$0xA0 ss:$0x1], $0xffff  }
0x333: {  	v62 =	vld.idx.msk [tilespmem:v0+s4+$0x120 ss:$0x1], $0xffff;
	v1 =	vand.u32 $0xFFFF0000, v5  }
0x334: {  	[tilespmem:s4+$0x13DF0] =	vst.add.f32.msk $0xffff, v1;
	v1 =	vshll.u32 v5, $0x10  }
0x335: {  	v63 =	vshll.u32 v2, $0x10;
	[tilespmem:s4+$0x13DE0] =	vst.add.f32.msk $0xffff, v1  }
0x336: {  	v1 =	vand.u32 $0xFFFF0000, v2;
	[tilespmem:s4+$0x13C40] =	vst.add.f32.msk $0xffff, v63  }
0x337: {  	v2 =	vshll.u32 v3, $0x10;
	[tilespmem:s4+$0x13C50] =	vst.add.f32.msk $0xffff, v1  }
0x338: {  	v1 =	vand.u32 $0xFFFF0000, v3;
	[tilespmem:s4+$0x13CC0] =	vst.add.f32.msk $0xffff, v2  }
0x339: {  	v2 =	vshll.u32 v62, $0x10;
	[tilespmem:s4+$0x13CD0] =	vst.add.f32.msk $0xffff, v1  }
0x33a: {  	s25 =	simm.s32 $0x0;
	s22 =	sadd.s32 $0x100, s28;
	s28 =	simm.s32 $0x800;
	v1 =	vand.u32 $0xFFFF0000, v62;
	[tilespmem:s4+$0x13D40] =	vst.add.f32.msk $0xffff, v2  }
.LBB2_17:
0x33b: {  	s1 =	sshra.s32 s28, $0x2;
	[tilespmem:s4+$0x13D50] =	vst.add.f32.msk $0xffff, v1  }
0x33c: {  	v1 =	vld.idx.msk [tilespmem:v0+s1+$0x180 ss:$0x1], $0xffff  }
0x33d: {  	v2 =	vld.idx.msk [tilespmem:v0+s1+$0x0 ss:$0x1], $0xffff  }
0x33e: {  	s25 =	sadd.s32 $0x4, s25;
	v3 =	vld.idx.msk [tilespmem:v0+s1+$0x80 ss:$0x1], $0xffff  }
0x33f: {  	p0 =	slt.u32 s25, $0x7C;
	v4 =	vld.idx.msk [tilespmem:v0+s1+$0x100 ss:$0x1], $0xffff  }
0x340: {  	v5 =	vld.idx.msk [tilespmem:v0+s4+$0x30 ss:$0x1], $0xffff  }
0x341: {  	v6 =	vld.idx.msk [tilespmem:v0+s4+$0xB0 ss:$0x1], $0xffff  }
0x342: {  	v7 =	vshll.u32 v1, $0x10;
	v8 =	vld.idx.msk [tilespmem:v0+s4+$0x130 ss:$0x1], $0xffff  }
0x343: {  	v1 =	vand.u32 $0xFFFF0000, v1;
	v9 =	vshll.u32 v2, $0x10;
	v2 =	vand.u32 $0xFFFF0000, v2;
	[tilespmem:s1+$0x13D80] =	vst.add.f32.msk $0xffff, v7  }
0x344: {  	v7 =	vshll.u32 v3, $0x10;
	v3 =	vand.u32 $0xFFFF0000, v3;
	[tilespmem:s1+$0x13D90] =	vst.add.f32.msk $0xffff, v1  }
0x345: {  	v1 =	vshll.u32 v4, $0x10;
	v4 =	vand.u32 $0xFFFF0000, v4;
	v10 =	vld.idx.msk [tilespmem:v0+s1+$0x190 ss:$0x1], $0xffff  }
0x346: {  	[tilespmem:s1+$0x13C00] =	vst.add.f32.msk $0xffff, v9;
	v9 =	vshll.u32 v5, $0x10;
	v5 =	vand.u32 $0xFFFF0000, v5  }
0x347: {  	[tilespmem:s1+$0x13C10] =	vst.add.f32.msk $0xffff, v2;
	v2 =	vshll.u32 v6, $0x10;
	v6 =	vand.u32 $0xFFFF0000, v6  }
0x348: {  	[tilespmem:s1+$0x13C80] =	vst.add.f32.msk $0xffff, v7;
	v7 =	vshll.u32 v8, $0x10;
	v8 =	vand.u32 $0xFFFF0000, v8  }
0x349: {  	[tilespmem:s1+$0x13C90] =	vst.add.f32.msk $0xffff, v3  }
0x34a: {  	[tilespmem:s1+$0x13D00] =	vst.add.f32.msk $0xffff, v1  }
0x34b: {  	v1 =	vshll.u32 v10, $0x10;
	[tilespmem:s1+$0x13D10] =	vst.add.f32.msk $0xffff, v4  }
0x34c: {  	v3 =	vand.u32 $0xFFFF0000, v10;
	[tilespmem:s1+$0x13DA0] =	vst.add.f32.msk $0xffff, v1  }
0x34d: {  	[tilespmem:s1+$0x13DB0] =	vst.add.f32.msk $0xffff, v3  }
0x34e: {  	v1 =	vld.idx.msk [tilespmem:v0+s1+$0x1A0 ss:$0x1], $0xffff  }
0x34f: {  	v3 =	vld.idx.msk [tilespmem:v0+s1+$0x10 ss:$0x1], $0xffff  }
0x350: {  	v4 =	vld.idx.msk [tilespmem:v0+s1+$0x90 ss:$0x1], $0xffff  }
0x351: {  	v10 =	vld.idx.msk [tilespmem:v0+s1+$0x110 ss:$0x1], $0xffff  }
0x352: {  	[tilespmem:s4+$0x13C60] =	vst.add.f32.msk $0xffff, v9  }
0x353: {  	[tilespmem:s4+$0x13C70] =	vst.add.f32.msk $0xffff, v5  }
0x354: {  	v5 =	vshll.u32 v1, $0x10;
	[tilespmem:s4+$0x13CE0] =	vst.add.f32.msk $0xffff, v2  }
0x355: {  	v1 =	vand.u32 $0xFFFF0000, v1;
	v2 =	vshll.u32 v3, $0x10;
	v3 =	vand.u32 $0xFFFF0000, v3;
	[tilespmem:s1+$0x13DC0] =	vst.add.f32.msk $0xffff, v5  }
0x356: {  	v5 =	vshll.u32 v4, $0x10;
	v4 =	vand.u32 $0xFFFF0000, v4;
	[tilespmem:s1+$0x13DD0] =	vst.add.f32.msk $0xffff, v1  }
0x357: {  	v1 =	vshll.u32 v10, $0x10;
	v9 =	vand.u32 $0xFFFF0000, v10;
	v10 =	vld.idx.msk [tilespmem:v0+s1+$0x1B0 ss:$0x1], $0xffff  }
0x358: {  	[tilespmem:s1+$0x13C20] =	vst.add.f32.msk $0xffff, v2  }
0x359: {  	[tilespmem:s1+$0x13C30] =	vst.add.f32.msk $0xffff, v3  }
0x35a: {  	[tilespmem:s1+$0x13CA0] =	vst.add.f32.msk $0xffff, v5  }
0x35b: {  	[tilespmem:s1+$0x13CB0] =	vst.add.f32.msk $0xffff, v4  }
0x35c: {  	[tilespmem:s1+$0x13D20] =	vst.add.f32.msk $0xffff, v1  }
0x35d: {  	v1 =	vshll.u32 v10, $0x10;
	v2 =	vand.u32 $0xFFFF0000, v10;
	[tilespmem:s1+$0x13D30] =	vst.add.f32.msk $0xffff, v9  }
0x35e: {  	[tilespmem:s1+$0x13DF0] =	vst.add.f32.msk $0xffff, v2  }
0x35f: {  	v2 =	vld.idx.msk [tilespmem:v0+s1+$0x20 ss:$0x1], $0xffff  }
0x360: {  	v3 =	vld.idx.msk [tilespmem:v0+s1+$0xA0 ss:$0x1], $0xffff  }
0x361: {  	v4 =	vld.idx.msk [tilespmem:v0+s1+$0x120 ss:$0x1], $0xffff  }
0x362: {  	[tilespmem:s4+$0x13CF0] =	vst.add.f32.msk $0xffff, v6  }
0x363: {  	[tilespmem:s4+$0x13D60] =	vst.add.f32.msk $0xffff, v7  }
0x364: {  	[tilespmem:s4+$0x13D70] =	vst.add.f32.msk $0xffff, v8;
	s4 =	smov.u32 s1  }
0x365: {  	v5 =	vshll.u32 v2, $0x10;
	v2 =	vand.u32 $0xFFFF0000, v2;
	[tilespmem:s4+$0x13DE0] =	vst.add.f32.msk $0xffff, v1  }
.Ltmp9:
0x366: {  	[tilespmem:s4+$0x13C40] =	vst.add.f32.msk $0xffff, v5;
	v5 =	vshll.u32 v3, $0x10;
	v3 =	vand.u32 $0xFFFF0000, v3;
	(pc) =	sbr.rel @p0 .LBB2_17-.Ltmp9, $4  }
0x367: {  	v1 =	vand.u32 $0xFFFF0000, v4;
	[tilespmem:s4+$0x13C50] =	vst.add.f32.msk $0xffff, v2;
	v2 =	vshll.u32 v4, $0x10  }
0x368: {  	[tilespmem:s4+$0x13CC0] =	vst.add.f32.msk $0xffff, v5  }
0x369: {  	[tilespmem:s4+$0x13CD0] =	vst.add.f32.msk $0xffff, v3  }
0x36a: {  	s28 =	sadd.s32 $0x800, s28;
	[tilespmem:s4+$0x13D40] =	vst.add.f32.msk $0xffff, v2  }
0x36b: {  	_ =	sdelay $0x3  }
0x36c: {  	v2 =	vld.idx.msk [tilespmem:v0+s4+$0x30 ss:$0x1], $0xffff;
	_ =	sdelay $0x1  }
0x36d: {  	v3 =	vld.idx.msk [tilespmem:v0+s4+$0xB0 ss:$0x1], $0xffff  }
0x36e: {  	[tilespmem:s4+$0x13D50] =	vst.add.f32.msk $0xffff, v1  }
0x36f: {  	v0 =	vld.idx.msk [tilespmem:v0+s4+$0x130 ss:$0x1], $0xffff  }
0x370: {  	v1 =	vshll.u32 v2, $0x10  }
0x371: {  	v2 =	vand.u32 $0xFFFF0000, v2;
	[tilespmem:s4+$0x13C60] =	vst.add.f32.msk $0xffff, v1  }
0x372: {  	v1 =	vshll.u32 v3, $0x10;
	[tilespmem:s4+$0x13C70] =	vst.add.f32.msk $0xffff, v2  }
0x373: {  	v2 =	vand.u32 $0xFFFF0000, v3;
	[tilespmem:s4+$0x13CE0] =	vst.add.f32.msk $0xffff, v1  }
0x374: {  	s1 =	sadd.s32 s6, s22;
	v1 =	vshll.u32 v0, $0x10;
	[tilespmem:s4+$0x13CF0] =	vst.add.f32.msk $0xffff, v2  }
0x375: {  	s28 =	simm.s32 $0x0;
	s1 =	sshll.u32 s1, $0x4;
	v0 =	vand.u32 $0xFFFF0000, v0;
	[tilespmem:s4+$0x13D60] =	vst.add.f32.msk $0xffff, v1  }
0x376: {  	s29 =	simm.s32 $0x13C00;
	p0 =	seq.s32 s14, $0x9;
	s1 =	sadd.s32 s3, s1;
	[tilespmem:s4+$0x13D70] =	vst.add.f32.msk $0xffff, v0  }
0x377: {  	[hbm4b:s1+s28] =	stream.linear.scatter [tilespmem:s29], [sflag:$0x8], $0x4000, $0x38;
	[tilespmem:$0x1FC00] =	vst v63  }
0x378: {  	s22 =	simm.s32 $0x6;
	s1 =	smul.u32 @!p0 $0xA00, s14  }
0x379: {  	_ =	swait.ge [sflag:s22], $0x4000  }
0x37a: {  	s25 =	simm.s32 @!p0 $0xBC00;
	[sflag:s22] =	ssyncset.done $0x0;
	s4 =	sshra.s32 @!p0 s1, $0x2  }
0x37b: {  	[sflag:s22] =	ssyncadd.s32 $0xFFFFC000;
	s1 =	sadd.s32 @!p0 $0xA280, s4;
	s22 =	simm.s32 @!p0 $0x80  }
0x37c: {  	v0 =	vmov s24;
	[tilespmem:s25], [sflag:$0x1] =	stream.indirect.gather @!p0 [hbm4b:s2+s22], $0x80, s1, s22, $0xb8;
	[tilespmem:$0x1FC00] =	vst v63  }
0x37d: {  	s25 =	simm.s32 $0x4  }
0x37e: {  	_ =	swait.ge [sflag:s25], $0x4000  }
0x37f: {  	[sflag:s25] =	ssyncset.done $0x0  }
0x380: {  	s22 =	simm.s32 $0x0;
	[sflag:s25] =	ssyncadd.s32 $0xFFFFC000  }
0x381: {  	v1 =	vld.idx.msk [tilespmem:v0+s22+$0x180 ss:$0x1], $0xffff;
	_ =	sdelay $0x3  }
0x382: {  	v2 =	vld.idx.msk [tilespmem:v0+s22+$0x0 ss:$0x1], $0xffff  }
0x383: {  	v3 =	vld.idx.msk [tilespmem:v0+s22+$0x80 ss:$0x1], $0xffff;
	v4 =	vshll.u32 v1, $0x10  }
0x384: {  	v1 =	vand.u32 $0xFFFF0000, v1;
	[tilespmem:s22+$0x17D80] =	vst.add.f32.msk $0xffff, v4  }
0x385: {  	[tilespmem:s22+$0x17D90] =	vst.add.f32.msk $0xffff, v1  }
0x386: {  	v1 =	vld.idx.msk [tilespmem:v0+s22+$0x190 ss:$0x1], $0xffff  }
0x387: {  	v58 =	vld.idx.msk [tilespmem:v0+s22+$0x100 ss:$0x1], $0xffff;
	v5 =	vshll.u32 v2, $0x10  }
0x388: {  	v2 =	vand.u32 $0xFFFF0000, v2;
	[tilespmem:s22+$0x17C00] =	vst.add.f32.msk $0xffff, v5  }
0x389: {  	v59 =	vshll.u32 v3, $0x10;
	[tilespmem:s22+$0x17C10] =	vst.add.f32.msk $0xffff, v2  }
0x38a: {  	v2 =	vand.u32 $0xFFFF0000, v3;
	[tilespmem:s22+$0x17C80] =	vst.add.f32.msk $0xffff, v59  }
0x38b: {  	[tilespmem:s22+$0x17C90] =	vst.add.f32.msk $0xffff, v2;
	v2 =	vshll.u32 v1, $0x10  }
0x38c: {  	v1 =	vand.u32 $0xFFFF0000, v1;
	[tilespmem:s22+$0x17DA0] =	vst.add.f32.msk $0xffff, v2  }
0x38d: {  	[tilespmem:s22+$0x17DB0] =	vst.add.f32.msk $0xffff, v1  }
0x38e: {  	v3 =	vand.u32 $0xFFFF0000, v58;
	v2 =	vld.idx.msk [tilespmem:v0+s22+$0x1A0 ss:$0x1], $0xffff  }
0x38f: {  	[tilespmem:s22+$0x17D10] =	vst.add.f32.msk $0xffff, v3;
	v1 =	vshll.u32 v58, $0x10  }
0x390: {  	[tilespmem:s22+$0x17D00] =	vst.add.f32.msk $0xffff, v1  }
0x391: {  	v1 =	vld.idx.msk [tilespmem:v0+s22+$0x10 ss:$0x1], $0xffff  }
0x392: {  	v3 =	vld.idx.msk [tilespmem:v0+s22+$0x90 ss:$0x1], $0xffff  }
0x393: {  	v60 =	vld.idx.msk [tilespmem:v0+s22+$0x110 ss:$0x1], $0xffff;
	v61 =	vshll.u32 v2, $0x10  }
0x394: {  	v2 =	vand.u32 $0xFFFF0000, v2;
	[tilespmem:s22+$0x17DC0] =	vst.add.f32.msk $0xffff, v61  }
0x395: {  	[tilespmem:s22+$0x17DD0] =	vst.add.f32.msk $0xffff, v2  }
0x396: {  	v2 =	vshll.u32 v1, $0x10;
	v5 =	vld.idx.msk [tilespmem:v0+s22+$0x1B0 ss:$0x1], $0xffff  }
0x397: {  	v1 =	vand.u32 $0xFFFF0000, v1;
	[tilespmem:s22+$0x17C20] =	vst.add.f32.msk $0xffff, v2  }
0x398: {  	v2 =	vshll.u32 v3, $0x10;
	[tilespmem:s22+$0x17C30] =	vst.add.f32.msk $0xffff, v1  }
0x399: {  	v1 =	vand.u32 $0xFFFF0000, v3;
	[tilespmem:s22+$0x17CA0] =	vst.add.f32.msk $0xffff, v2  }
0x39a: {  	v2 =	vshll.u32 v60, $0x10;
	[tilespmem:s22+$0x17CB0] =	vst.add.f32.msk $0xffff, v1  }
0x39b: {  	[tilespmem:s22+$0x17D20] =	vst.add.f32.msk $0xffff, v2  }
0x39c: {  	v1 =	vand.u32 $0xFFFF0000, v60;
	v2 =	vld.idx.msk [tilespmem:v0+s22+$0x20 ss:$0x1], $0xffff  }
0x39d: {  	[tilespmem:s22+$0x17D30] =	vst.add.f32.msk $0xffff, v1  }
0x39e: {  	v3 =	vld.idx.msk [tilespmem:v0+s22+$0xA0 ss:$0x1], $0xffff  }
0x39f: {  	v62 =	vld.idx.msk [tilespmem:v0+s22+$0x120 ss:$0x1], $0xffff;
	v1 =	vand.u32 $0xFFFF0000, v5  }
0x3a0: {  	[tilespmem:s22+$0x17DF0] =	vst.add.f32.msk $0xffff, v1;
	v1 =	vshll.u32 v5, $0x10  }
0x3a1: {  	v63 =	vshll.u32 v2, $0x10;
	[tilespmem:s22+$0x17DE0] =	vst.add.f32.msk $0xffff, v1  }
0x3a2: {  	v1 =	vand.u32 $0xFFFF0000, v2;
	[tilespmem:s22+$0x17C40] =	vst.add.f32.msk $0xffff, v63  }
0x3a3: {  	v2 =	vshll.u32 v3, $0x10;
	[tilespmem:s22+$0x17C50] =	vst.add.f32.msk $0xffff, v1  }
0x3a4: {  	v1 =	vand.u32 $0xFFFF0000, v3;
	[tilespmem:s22+$0x17CC0] =	vst.add.f32.msk $0xffff, v2  }
0x3a5: {  	v2 =	vshll.u32 v62, $0x10;
	[tilespmem:s22+$0x17CD0] =	vst.add.f32.msk $0xffff, v1  }
0x3a6: {  	s30 =	simm.s32 $0x17C00;
	s24 =	simm.s32 $0x0;
	s25 =	simm.s32 $0x800;
	v1 =	vand.u32 $0xFFFF0000, v62;
	[tilespmem:s22+$0x17D40] =	vst.add.f32.msk $0xffff, v2  }
.LBB2_19:
0x3a7: {  	s1 =	sshra.s32 s25, $0x2;
	[tilespmem:s22+$0x17D50] =	vst.add.f32.msk $0xffff, v1  }
0x3a8: {  	v1 =	vld.idx.msk [tilespmem:v0+s1+$0x180 ss:$0x1], $0xffff  }
0x3a9: {  	v2 =	vld.idx.msk [tilespmem:v0+s1+$0x0 ss:$0x1], $0xffff  }
0x3aa: {  	s24 =	sadd.s32 $0x4, s24;
	v3 =	vld.idx.msk [tilespmem:v0+s1+$0x80 ss:$0x1], $0xffff  }
0x3ab: {  	p1 =	slt.u32 s24, $0x7C;
	v4 =	vld.idx.msk [tilespmem:v0+s1+$0x100 ss:$0x1], $0xffff  }
0x3ac: {  	v5 =	vld.idx.msk [tilespmem:v0+s22+$0x30 ss:$0x1], $0xffff  }
0x3ad: {  	v6 =	vld.idx.msk [tilespmem:v0+s22+$0xB0 ss:$0x1], $0xffff  }
0x3ae: {  	v7 =	vshll.u32 v1, $0x10;
	v8 =	vld.idx.msk [tilespmem:v0+s22+$0x130 ss:$0x1], $0xffff  }
0x3af: {  	v1 =	vand.u32 $0xFFFF0000, v1;
	v9 =	vshll.u32 v2, $0x10;
	v2 =	vand.u32 $0xFFFF0000, v2;
	[tilespmem:s1+$0x17D80] =	vst.add.f32.msk $0xffff, v7  }
0x3b0: {  	v7 =	vshll.u32 v3, $0x10;
	v3 =	vand.u32 $0xFFFF0000, v3;
	[tilespmem:s1+$0x17D90] =	vst.add.f32.msk $0xffff, v1  }
0x3b1: {  	v1 =	vshll.u32 v4, $0x10;
	v4 =	vand.u32 $0xFFFF0000, v4;
	v10 =	vld.idx.msk [tilespmem:v0+s1+$0x190 ss:$0x1], $0xffff  }
0x3b2: {  	[tilespmem:s1+$0x17C00] =	vst.add.f32.msk $0xffff, v9;
	v9 =	vshll.u32 v5, $0x10;
	v5 =	vand.u32 $0xFFFF0000, v5  }
0x3b3: {  	[tilespmem:s1+$0x17C10] =	vst.add.f32.msk $0xffff, v2;
	v2 =	vshll.u32 v6, $0x10;
	v6 =	vand.u32 $0xFFFF0000, v6  }
0x3b4: {  	[tilespmem:s1+$0x17C80] =	vst.add.f32.msk $0xffff, v7;
	v7 =	vshll.u32 v8, $0x10;
	v8 =	vand.u32 $0xFFFF0000, v8  }
0x3b5: {  	[tilespmem:s1+$0x17C90] =	vst.add.f32.msk $0xffff, v3  }
0x3b6: {  	[tilespmem:s1+$0x17D00] =	vst.add.f32.msk $0xffff, v1  }
0x3b7: {  	v1 =	vshll.u32 v10, $0x10;
	[tilespmem:s1+$0x17D10] =	vst.add.f32.msk $0xffff, v4  }
0x3b8: {  	v3 =	vand.u32 $0xFFFF0000, v10;
	[tilespmem:s1+$0x17DA0] =	vst.add.f32.msk $0xffff, v1  }
0x3b9: {  	[tilespmem:s1+$0x17DB0] =	vst.add.f32.msk $0xffff, v3  }
0x3ba: {  	v1 =	vld.idx.msk [tilespmem:v0+s1+$0x1A0 ss:$0x1], $0xffff  }
0x3bb: {  	v3 =	vld.idx.msk [tilespmem:v0+s1+$0x10 ss:$0x1], $0xffff  }
0x3bc: {  	v4 =	vld.idx.msk [tilespmem:v0+s1+$0x90 ss:$0x1], $0xffff  }
0x3bd: {  	v10 =	vld.idx.msk [tilespmem:v0+s1+$0x110 ss:$0x1], $0xffff  }
0x3be: {  	[tilespmem:s22+$0x17C60] =	vst.add.f32.msk $0xffff, v9  }
0x3bf: {  	[tilespmem:s22+$0x17C70] =	vst.add.f32.msk $0xffff, v5  }
0x3c0: {  	v5 =	vshll.u32 v1, $0x10;
	[tilespmem:s22+$0x17CE0] =	vst.add.f32.msk $0xffff, v2  }
0x3c1: {  	v1 =	vand.u32 $0xFFFF0000, v1;
	v2 =	vshll.u32 v3, $0x10;
	v3 =	vand.u32 $0xFFFF0000, v3;
	[tilespmem:s1+$0x17DC0] =	vst.add.f32.msk $0xffff, v5  }
0x3c2: {  	v5 =	vshll.u32 v4, $0x10;
	v4 =	vand.u32 $0xFFFF0000, v4;
	[tilespmem:s1+$0x17DD0] =	vst.add.f32.msk $0xffff, v1  }
0x3c3: {  	v1 =	vshll.u32 v10, $0x10;
	v9 =	vand.u32 $0xFFFF0000, v10;
	v10 =	vld.idx.msk [tilespmem:v0+s1+$0x1B0 ss:$0x1], $0xffff  }
0x3c4: {  	[tilespmem:s1+$0x17C20] =	vst.add.f32.msk $0xffff, v2  }
0x3c5: {  	[tilespmem:s1+$0x17C30] =	vst.add.f32.msk $0xffff, v3  }
0x3c6: {  	[tilespmem:s1+$0x17CA0] =	vst.add.f32.msk $0xffff, v5  }
0x3c7: {  	[tilespmem:s1+$0x17CB0] =	vst.add.f32.msk $0xffff, v4  }
0x3c8: {  	[tilespmem:s1+$0x17D20] =	vst.add.f32.msk $0xffff, v1  }
0x3c9: {  	v1 =	vshll.u32 v10, $0x10;
	v2 =	vand.u32 $0xFFFF0000, v10;
	[tilespmem:s1+$0x17D30] =	vst.add.f32.msk $0xffff, v9  }
0x3ca: {  	[tilespmem:s1+$0x17DF0] =	vst.add.f32.msk $0xffff, v2  }
0x3cb: {  	v2 =	vld.idx.msk [tilespmem:v0+s1+$0x20 ss:$0x1], $0xffff  }
0x3cc: {  	v3 =	vld.idx.msk [tilespmem:v0+s1+$0xA0 ss:$0x1], $0xffff  }
0x3cd: {  	v4 =	vld.idx.msk [tilespmem:v0+s1+$0x120 ss:$0x1], $0xffff  }
0x3ce: {  	[tilespmem:s22+$0x17CF0] =	vst.add.f32.msk $0xffff, v6  }
0x3cf: {  	[tilespmem:s22+$0x17D60] =	vst.add.f32.msk $0xffff, v7  }
0x3d0: {  	[tilespmem:s22+$0x17D70] =	vst.add.f32.msk $0xffff, v8;
	s22 =	smov.u32 s1  }
0x3d1: {  	v5 =	vshll.u32 v2, $0x10;
	v2 =	vand.u32 $0xFFFF0000, v2;
	[tilespmem:s22+$0x17DE0] =	vst.add.f32.msk $0xffff, v1  }
.Ltmp10:
0x3d2: {  	[tilespmem:s22+$0x17C40] =	vst.add.f32.msk $0xffff, v5;
	v5 =	vshll.u32 v3, $0x10;
	v3 =	vand.u32 $0xFFFF0000, v3;
	(pc) =	sbr.rel @p1 .LBB2_19-.Ltmp10, $4  }
0x3d3: {  	v1 =	vand.u32 $0xFFFF0000, v4;
	[tilespmem:s22+$0x17C50] =	vst.add.f32.msk $0xffff, v2;
	v2 =	vshll.u32 v4, $0x10  }
0x3d4: {  	[tilespmem:s22+$0x17CC0] =	vst.add.f32.msk $0xffff, v5  }
0x3d5: {  	[tilespmem:s22+$0x17CD0] =	vst.add.f32.msk $0xffff, v3  }
0x3d6: {  	s25 =	sadd.s32 $0x800, s25;
	[tilespmem:s22+$0x17D40] =	vst.add.f32.msk $0xffff, v2  }
0x3d7: {  	_ =	sdelay $0x3  }
0x3d8: {  	v2 =	vld.idx.msk [tilespmem:v0+s22+$0x30 ss:$0x1], $0xffff;
	_ =	sdelay $0x1  }
0x3d9: {  	v3 =	vld.idx.msk [tilespmem:v0+s22+$0xB0 ss:$0x1], $0xffff  }
0x3da: {  	[tilespmem:s22+$0x17D50] =	vst.add.f32.msk $0xffff, v1  }
0x3db: {  	v0 =	vld.idx.msk [tilespmem:v0+s22+$0x130 ss:$0x1], $0xffff  }
0x3dc: {  	v1 =	vshll.u32 v2, $0x10  }
0x3dd: {  	v2 =	vand.u32 $0xFFFF0000, v2;
	[tilespmem:s22+$0x17C60] =	vst.add.f32.msk $0xffff, v1  }
0x3de: {  	v1 =	vshll.u32 v3, $0x10;
	[tilespmem:s22+$0x17C70] =	vst.add.f32.msk $0xffff, v2  }
0x3df: {  	v2 =	vand.u32 $0xFFFF0000, v3;
	[tilespmem:s22+$0x17CE0] =	vst.add.f32.msk $0xffff, v1  }
0x3e0: {  	s1 =	sadd.s32 s6, s19;
	v1 =	vshll.u32 v0, $0x10;
	[tilespmem:s22+$0x17CF0] =	vst.add.f32.msk $0xffff, v2  }
0x3e1: {  	s1 =	sshll.u32 s1, $0x4;
	v0 =	vand.u32 $0xFFFF0000, v0;
	[tilespmem:s22+$0x17D60] =	vst.add.f32.msk $0xffff, v1  }
0x3e2: {  	s1 =	sadd.s32 s3, s1;
	[tilespmem:s22+$0x17D70] =	vst.add.f32.msk $0xffff, v0  }
0x3e3: {  	[hbm4b:s1+s28] =	stream.linear.scatter [tilespmem:s30], [sflag:$0x9], $0x4000, $0x38;
	[tilespmem:$0x1FC00] =	vst v63  }
0x3e4: {  	_ =	swait.ge [sflag:s0], $0x4000  }
0x3e5: {  	s19 =	simm.s32 @!p0 $0xFC00;
	[sflag:s0] =	ssyncset.done $0x0  }
0x3e6: {  	v0 =	vmov s17;
	s1 =	sadd.s32 @!p0 $0xA300, s4;
	s4 =	simm.s32 @!p0 $0x80;
	[sflag:s0] =	ssyncadd.s32 $0xFFFFC000  }
0x3e7: {  	[tilespmem:s19], [sflag:$0x2] =	stream.indirect.gather @!p0 [hbm4b:s2+s4], $0x80, s1, s4, $0xb8;
	[tilespmem:$0x1FC00] =	vst v63  }
0x3e8: {  	_ =	swait.ge [sflag:s20], $0x4000  }
0x3e9: {  	[sflag:s20] =	ssyncset.done $0x0  }
0x3ea: {  	s4 =	simm.s32 $0x0;
	[sflag:s20] =	ssyncadd.s32 $0xFFFFC000  }
0x3eb: {  	v1 =	vld.idx.msk [tilespmem:v0+s4+$0x180 ss:$0x1], $0xffff;
	_ =	sdelay $0x3  }
0x3ec: {  	v2 =	vld.idx.msk [tilespmem:v0+s4+$0x0 ss:$0x1], $0xffff  }
0x3ed: {  	v3 =	vld.idx.msk [tilespmem:v0+s4+$0x80 ss:$0x1], $0xffff;
	v4 =	vshll.u32 v1, $0x10  }
0x3ee: {  	v1 =	vand.u32 $0xFFFF0000, v1;
	[tilespmem:s4+$0x1BD80] =	vst.add.f32.msk $0xffff, v4  }
0x3ef: {  	[tilespmem:s4+$0x1BD90] =	vst.add.f32.msk $0xffff, v1  }
0x3f0: {  	v1 =	vld.idx.msk [tilespmem:v0+s4+$0x190 ss:$0x1], $0xffff  }
0x3f1: {  	v58 =	vld.idx.msk [tilespmem:v0+s4+$0x100 ss:$0x1], $0xffff;
	v5 =	vshll.u32 v2, $0x10  }
0x3f2: {  	v2 =	vand.u32 $0xFFFF0000, v2;
	[tilespmem:s4+$0x1BC00] =	vst.add.f32.msk $0xffff, v5  }
0x3f3: {  	v59 =	vshll.u32 v3, $0x10;
	[tilespmem:s4+$0x1BC10] =	vst.add.f32.msk $0xffff, v2  }
0x3f4: {  	v2 =	vand.u32 $0xFFFF0000, v3;
	[tilespmem:s4+$0x1BC80] =	vst.add.f32.msk $0xffff, v59  }
0x3f5: {  	[tilespmem:s4+$0x1BC90] =	vst.add.f32.msk $0xffff, v2;
	v2 =	vshll.u32 v1, $0x10  }
0x3f6: {  	v1 =	vand.u32 $0xFFFF0000, v1;
	[tilespmem:s4+$0x1BDA0] =	vst.add.f32.msk $0xffff, v2  }
0x3f7: {  	[tilespmem:s4+$0x1BDB0] =	vst.add.f32.msk $0xffff, v1  }
0x3f8: {  	v3 =	vand.u32 $0xFFFF0000, v58;
	v2 =	vld.idx.msk [tilespmem:v0+s4+$0x1A0 ss:$0x1], $0xffff  }
0x3f9: {  	[tilespmem:s4+$0x1BD10] =	vst.add.f32.msk $0xffff, v3;
	v1 =	vshll.u32 v58, $0x10  }
0x3fa: {  	[tilespmem:s4+$0x1BD00] =	vst.add.f32.msk $0xffff, v1  }
0x3fb: {  	v1 =	vld.idx.msk [tilespmem:v0+s4+$0x10 ss:$0x1], $0xffff  }
0x3fc: {  	v3 =	vld.idx.msk [tilespmem:v0+s4+$0x90 ss:$0x1], $0xffff  }
0x3fd: {  	v60 =	vld.idx.msk [tilespmem:v0+s4+$0x110 ss:$0x1], $0xffff;
	v61 =	vshll.u32 v2, $0x10  }
0x3fe: {  	v2 =	vand.u32 $0xFFFF0000, v2;
	[tilespmem:s4+$0x1BDC0] =	vst.add.f32.msk $0xffff, v61  }
0x3ff: {  	[tilespmem:s4+$0x1BDD0] =	vst.add.f32.msk $0xffff, v2  }
0x400: {  	v2 =	vshll.u32 v1, $0x10;
	v5 =	vld.idx.msk [tilespmem:v0+s4+$0x1B0 ss:$0x1], $0xffff  }
0x401: {  	v1 =	vand.u32 $0xFFFF0000, v1;
	[tilespmem:s4+$0x1BC20] =	vst.add.f32.msk $0xffff, v2  }
0x402: {  	v2 =	vshll.u32 v3, $0x10;
	[tilespmem:s4+$0x1BC30] =	vst.add.f32.msk $0xffff, v1  }
0x403: {  	v1 =	vand.u32 $0xFFFF0000, v3;
	[tilespmem:s4+$0x1BCA0] =	vst.add.f32.msk $0xffff, v2  }
0x404: {  	v2 =	vshll.u32 v60, $0x10;
	[tilespmem:s4+$0x1BCB0] =	vst.add.f32.msk $0xffff, v1  }
0x405: {  	[tilespmem:s4+$0x1BD20] =	vst.add.f32.msk $0xffff, v2  }
0x406: {  	v1 =	vand.u32 $0xFFFF0000, v60;
	v2 =	vld.idx.msk [tilespmem:v0+s4+$0x20 ss:$0x1], $0xffff  }
0x407: {  	[tilespmem:s4+$0x1BD30] =	vst.add.f32.msk $0xffff, v1  }
0x408: {  	v3 =	vld.idx.msk [tilespmem:v0+s4+$0xA0 ss:$0x1], $0xffff  }
0x409: {  	v62 =	vld.idx.msk [tilespmem:v0+s4+$0x120 ss:$0x1], $0xffff;
	v1 =	vand.u32 $0xFFFF0000, v5  }
0x40a: {  	[tilespmem:s4+$0x1BDF0] =	vst.add.f32.msk $0xffff, v1;
	v1 =	vshll.u32 v5, $0x10  }
0x40b: {  	v63 =	vshll.u32 v2, $0x10;
	[tilespmem:s4+$0x1BDE0] =	vst.add.f32.msk $0xffff, v1  }
0x40c: {  	v1 =	vand.u32 $0xFFFF0000, v2;
	[tilespmem:s4+$0x1BC40] =	vst.add.f32.msk $0xffff, v63  }
0x40d: {  	v2 =	vshll.u32 v3, $0x10;
	[tilespmem:s4+$0x1BC50] =	vst.add.f32.msk $0xffff, v1  }
0x40e: {  	v1 =	vand.u32 $0xFFFF0000, v3;
	[tilespmem:s4+$0x1BCC0] =	vst.add.f32.msk $0xffff, v2  }
0x40f: {  	v2 =	vshll.u32 v62, $0x10;
	[tilespmem:s4+$0x1BCD0] =	vst.add.f32.msk $0xffff, v1  }
0x410: {  	s17 =	simm.s32 $0x0;
	s19 =	simm.s32 $0x800;
	v1 =	vand.u32 $0xFFFF0000, v62;
	[tilespmem:s4+$0x1BD40] =	vst.add.f32.msk $0xffff, v2  }
.LBB2_21:
0x411: {  	s1 =	sshra.s32 s19, $0x2;
	[tilespmem:s4+$0x1BD50] =	vst.add.f32.msk $0xffff, v1  }
0x412: {  	v1 =	vld.idx.msk [tilespmem:v0+s1+$0x180 ss:$0x1], $0xffff  }
0x413: {  	v2 =	vld.idx.msk [tilespmem:v0+s1+$0x0 ss:$0x1], $0xffff  }
0x414: {  	s17 =	sadd.s32 $0x4, s17;
	v3 =	vld.idx.msk [tilespmem:v0+s1+$0x80 ss:$0x1], $0xffff  }
0x415: {  	p1 =	slt.u32 s17, $0x7C;
	v4 =	vld.idx.msk [tilespmem:v0+s1+$0x100 ss:$0x1], $0xffff  }
0x416: {  	v5 =	vld.idx.msk [tilespmem:v0+s4+$0x30 ss:$0x1], $0xffff  }
0x417: {  	v6 =	vld.idx.msk [tilespmem:v0+s4+$0xB0 ss:$0x1], $0xffff  }
0x418: {  	v7 =	vshll.u32 v1, $0x10;
	v8 =	vld.idx.msk [tilespmem:v0+s4+$0x130 ss:$0x1], $0xffff  }
0x419: {  	v1 =	vand.u32 $0xFFFF0000, v1;
	v9 =	vshll.u32 v2, $0x10;
	v2 =	vand.u32 $0xFFFF0000, v2;
	[tilespmem:s1+$0x1BD80] =	vst.add.f32.msk $0xffff, v7  }
0x41a: {  	v7 =	vshll.u32 v3, $0x10;
	v3 =	vand.u32 $0xFFFF0000, v3;
	[tilespmem:s1+$0x1BD90] =	vst.add.f32.msk $0xffff, v1  }
0x41b: {  	v1 =	vshll.u32 v4, $0x10;
	v4 =	vand.u32 $0xFFFF0000, v4;
	v10 =	vld.idx.msk [tilespmem:v0+s1+$0x190 ss:$0x1], $0xffff  }
0x41c: {  	[tilespmem:s1+$0x1BC00] =	vst.add.f32.msk $0xffff, v9;
	v9 =	vshll.u32 v5, $0x10;
	v5 =	vand.u32 $0xFFFF0000, v5  }
0x41d: {  	[tilespmem:s1+$0x1BC10] =	vst.add.f32.msk $0xffff, v2;
	v2 =	vshll.u32 v6, $0x10;
	v6 =	vand.u32 $0xFFFF0000, v6  }
0x41e: {  	[tilespmem:s1+$0x1BC80] =	vst.add.f32.msk $0xffff, v7;
	v7 =	vshll.u32 v8, $0x10;
	v8 =	vand.u32 $0xFFFF0000, v8  }
0x41f: {  	[tilespmem:s1+$0x1BC90] =	vst.add.f32.msk $0xffff, v3  }
0x420: {  	[tilespmem:s1+$0x1BD00] =	vst.add.f32.msk $0xffff, v1  }
0x421: {  	v1 =	vshll.u32 v10, $0x10;
	[tilespmem:s1+$0x1BD10] =	vst.add.f32.msk $0xffff, v4  }
0x422: {  	v3 =	vand.u32 $0xFFFF0000, v10;
	[tilespmem:s1+$0x1BDA0] =	vst.add.f32.msk $0xffff, v1  }
0x423: {  	[tilespmem:s1+$0x1BDB0] =	vst.add.f32.msk $0xffff, v3  }
0x424: {  	v1 =	vld.idx.msk [tilespmem:v0+s1+$0x1A0 ss:$0x1], $0xffff  }
0x425: {  	v3 =	vld.idx.msk [tilespmem:v0+s1+$0x10 ss:$0x1], $0xffff  }
0x426: {  	v4 =	vld.idx.msk [tilespmem:v0+s1+$0x90 ss:$0x1], $0xffff  }
0x427: {  	v10 =	vld.idx.msk [tilespmem:v0+s1+$0x110 ss:$0x1], $0xffff  }
0x428: {  	[tilespmem:s4+$0x1BC60] =	vst.add.f32.msk $0xffff, v9  }
0x429: {  	[tilespmem:s4+$0x1BC70] =	vst.add.f32.msk $0xffff, v5  }
0x42a: {  	v5 =	vshll.u32 v1, $0x10;
	[tilespmem:s4+$0x1BCE0] =	vst.add.f32.msk $0xffff, v2  }
0x42b: {  	v1 =	vand.u32 $0xFFFF0000, v1;
	v2 =	vshll.u32 v3, $0x10;
	v3 =	vand.u32 $0xFFFF0000, v3;
	[tilespmem:s1+$0x1BDC0] =	vst.add.f32.msk $0xffff, v5  }
0x42c: {  	v5 =	vshll.u32 v4, $0x10;
	v4 =	vand.u32 $0xFFFF0000, v4;
	[tilespmem:s1+$0x1BDD0] =	vst.add.f32.msk $0xffff, v1  }
0x42d: {  	v1 =	vshll.u32 v10, $0x10;
	v9 =	vand.u32 $0xFFFF0000, v10;
	v10 =	vld.idx.msk [tilespmem:v0+s1+$0x1B0 ss:$0x1], $0xffff  }
0x42e: {  	[tilespmem:s1+$0x1BC20] =	vst.add.f32.msk $0xffff, v2  }
0x42f: {  	[tilespmem:s1+$0x1BC30] =	vst.add.f32.msk $0xffff, v3  }
0x430: {  	[tilespmem:s1+$0x1BCA0] =	vst.add.f32.msk $0xffff, v5  }
0x431: {  	[tilespmem:s1+$0x1BCB0] =	vst.add.f32.msk $0xffff, v4  }
0x432: {  	[tilespmem:s1+$0x1BD20] =	vst.add.f32.msk $0xffff, v1  }
0x433: {  	v1 =	vshll.u32 v10, $0x10;
	v2 =	vand.u32 $0xFFFF0000, v10;
	[tilespmem:s1+$0x1BD30] =	vst.add.f32.msk $0xffff, v9  }
0x434: {  	[tilespmem:s1+$0x1BDF0] =	vst.add.f32.msk $0xffff, v2  }
0x435: {  	v2 =	vld.idx.msk [tilespmem:v0+s1+$0x20 ss:$0x1], $0xffff  }
0x436: {  	v3 =	vld.idx.msk [tilespmem:v0+s1+$0xA0 ss:$0x1], $0xffff  }
0x437: {  	v4 =	vld.idx.msk [tilespmem:v0+s1+$0x120 ss:$0x1], $0xffff  }
0x438: {  	[tilespmem:s4+$0x1BCF0] =	vst.add.f32.msk $0xffff, v6  }
0x439: {  	[tilespmem:s4+$0x1BD60] =	vst.add.f32.msk $0xffff, v7  }
0x43a: {  	[tilespmem:s4+$0x1BD70] =	vst.add.f32.msk $0xffff, v8;
	s4 =	smov.u32 s1  }
0x43b: {  	v5 =	vshll.u32 v2, $0x10;
	v2 =	vand.u32 $0xFFFF0000, v2;
	[tilespmem:s4+$0x1BDE0] =	vst.add.f32.msk $0xffff, v1  }
.Ltmp11:
0x43c: {  	[tilespmem:s4+$0x1BC40] =	vst.add.f32.msk $0xffff, v5;
	v5 =	vshll.u32 v3, $0x10;
	v3 =	vand.u32 $0xFFFF0000, v3;
	(pc) =	sbr.rel @p1 .LBB2_21-.Ltmp11, $4  }
0x43d: {  	v1 =	vand.u32 $0xFFFF0000, v4;
	[tilespmem:s4+$0x1BC50] =	vst.add.f32.msk $0xffff, v2;
	v2 =	vshll.u32 v4, $0x10  }
0x43e: {  	[tilespmem:s4+$0x1BCC0] =	vst.add.f32.msk $0xffff, v5  }
0x43f: {  	[tilespmem:s4+$0x1BCD0] =	vst.add.f32.msk $0xffff, v3  }
0x440: {  	s19 =	sadd.s32 $0x800, s19;
	[tilespmem:s4+$0x1BD40] =	vst.add.f32.msk $0xffff, v2  }
0x441: {  	_ =	sdelay $0x3  }
0x442: {  	v2 =	vld.idx.msk [tilespmem:v0+s4+$0x30 ss:$0x1], $0xffff;
	_ =	sdelay $0x1  }
0x443: {  	v3 =	vld.idx.msk [tilespmem:v0+s4+$0xB0 ss:$0x1], $0xffff  }
0x444: {  	[tilespmem:s4+$0x1BD50] =	vst.add.f32.msk $0xffff, v1  }
0x445: {  	v59 =	vld.idx.msk [tilespmem:v0+s4+$0x130 ss:$0x1], $0xffff  }
0x446: {  	v60 =	vshll.u32 v2, $0x10  }
0x447: {  	v2 =	vand.u32 $0xFFFF0000, v2;
	[tilespmem:s4+$0x1BC60] =	vst.add.f32.msk $0xffff, v60  }
0x448: {  	v61 =	vshll.u32 v3, $0x10;
	[tilespmem:s4+$0x1BC70] =	vst.add.f32.msk $0xffff, v2  }
0x449: {  	v62 =	vand.u32 $0xFFFF0000, v3;
	[tilespmem:s4+$0x1BCE0] =	vst.add.f32.msk $0xffff, v61  }
0x44a: {  	s1 =	sadd.s32 s6, s21;
	v63 =	vshll.u32 v59, $0x10;
	[tilespmem:s4+$0x1BCF0] =	vst.add.f32.msk $0xffff, v62  }
0x44b: {  	s1 =	sshll.u32 s1, $0x4;
	v0 =	vand.u32 $0xFFFF0000, v59;
	[tilespmem:s4+$0x1BD60] =	vst.add.f32.msk $0xffff, v63  }
.Ltmp12:
0x44c: {  	s25 =	simm.s32 $0x1BC00;
	s1 =	sadd.s32 s3, s1;
	[tilespmem:s4+$0x1BD70] =	vst.add.f32.msk $0xffff, v0;
	(pc) =	sbr.rel @p0 .LBB2_24-.Ltmp12, $4  }
0x44d: {  	[hbm4b:s1+s28] =	stream.linear.scatter [tilespmem:s25], [sflag:$0xA], $0x4000, $0x38;
	[tilespmem:$0x1FC00] =	vst v63  }
0x44e: {  	_ =	swait.ge [sflag:s23], $0x4000  }
0x44f: {  	[sflag:s23] =	ssyncset.done $0x0  }
0x450: {  	[sflag:s23] =	ssyncadd.s32 $0xFFFFC000  }
0x451: {  	s1 =	smul.u32 $0xA00, s14;
	s14 =	sadd.s32 $0x1, s14;
	s5 =	sadd.s32 $0x14000, s5  }
.Ltmp13:
0x452: {  	s8 =	sadd.s32 $0x280, s8;
	s9 =	sadd.s32 $0x14000, s9;
	(pc) =	sbr.rel .LBB2_12-.Ltmp13, $4  }
0x453: {  	s10 =	sadd.s32 $0x280, s10;
	s11 =	sadd.s32 $0x14000, s11;
	s12 =	sadd.s32 $0x280, s12  }
0x454: {  	s13 =	sadd.s32 $0x14000, s13;
	s7 =	sadd.s32 $0x280, s7;
	s1 =	sshra.s32 s1, $0x2  }
0x455: {  	s15 =	sadd.s32 $0x14000, s15;
	s26 =	sadd.s32 $0x280, s26;
	s1 =	sadd.s32 $0xA380, s1  }
0x456: {  	[tilespmem:s29], [sflag:$0x3] =	stream.indirect.gather [hbm4b:s2+s16], $0x80, s1, s16, $0xb8;
	[tilespmem:$0x1FC00] =	vst v63  }
.LBB2_25:
0x457: {  	_ =	sfence.sel $0x180000  }
0x458: {  	[bflag:$0x0] =	sbarrier.arrive $0xFFFF  }
0x459: {  	_ =	strace $0x90000047  }
0x45a: {  	s0 =	stileid.u32;
	[bflag:$0x2] =	sbarrier.arrive $0xFFFF  }
0x45b: {  	p0 =	sne.s32 s0, $0x0;
	s0 =	rddreg [dreg:$0x3]  }
0x45c: {  	s0 =	sadd.s32 @!p0 $0x100000, s0  }
0x45d: {  	[sflag:s0] =	ssyncadd.tile.s32 @!p0 $0x1;
	_ =	shalt  }
.Lfunc_end2:
_tile_overlayer_lowered:
.L_overlay_start_2:
0x45e: {  	(tag) =	ssettag $0x2  }
0x45f: {  	s0 =	rddreg [dreg:$0x0];
	s2 =	stileid.u32  }
0x460: {  	s1 =	rddreg [dreg:$0x1];
	p0 =	sne.s32 s2, $0x0  }
0x461: {  	s3 =	rddreg [dreg:$0x2];
	[bflag:$0x3] =	sbarrier.arrive $0xFFFF;
	s2 =	simm.s32 @!p0 $0x1C0B  }
0x462: {  	[timem:s3], [sflag:s2] =	dma.local @!p0 [hbm:s0], s1  }
0x463: {  	s0 =	simm.s32 @!p0 $0xB  }
0x464: {  	_ =	swait.ge @!p0 [sflag:s0], s1  }
0x465: {  	s1 =	ssub.s32 @!p0 $0x0, s1;
	[sflag:s0] =	ssyncset.done @!p0 $0x0  }
0x466: {  	[sflag:s0] =	ssyncadd.s32 @!p0 s1  }
0x467: {  	[bflag:$0x3] =	sbarrier.arrive $0xFFFF  }
0x468: {  	_ =	shalt  }

</sc_bundles>
